<compile_context>
chip_gen: v7x
topology: tpu7x:2x2x1
jax: 0.10.2.dev20260603
libtpu: 0.0.44.dev20260713+nightly
codegen_flags: <defaults>
</compile_context>

<pallas_src>
import functools

import jax
import jax.numpy as jnp
from jax import lax
from jax.experimental import pallas as pl
from jax.experimental.pallas import tpu as pltpu
from jax.experimental.pallas import tpu_sc as plsc

N = 10000
E = 320000
D = 128

NC = 2
NS = 16
NW = NC * NS
K = 80
L = 16
NP = 10240
RPT = NP // NS
EPC = 4096
EP = EPC * K
CP1 = EPC // NW
K2 = 128
EPC2 = EP // K2
CP2 = EPC2 // NS

_mesh = plsc.VectorSubcoreMesh(
    core_axis_name="c", subcore_axis_name="s", num_cores=NC, num_subcores=NS)


def _pipeline(nchunks, base, eidx_hbm, idx, table,
              rows0, rows1, acc, gsem0, gsem1, ssem0, ssem1, extra=None):
    rows = (rows0, rows1)
    gsem = (gsem0, gsem1)
    ssem = (ssem0, ssem1)

    def start(k, b, first):
        if not first:
            pltpu.make_async_copy(rows[b], acc.at[idx.at[b, 1]],
                                  ssem[b]).wait()
        pltpu.sync_copy(eidx_hbm.at[base + k], idx.at[b])
        pltpu.async_copy(table.at[idx.at[b, 0]], rows[b], gsem[b])

    def proc(k, b):
        if extra is not None:
            extra(b)
        pltpu.make_async_copy(table.at[idx.at[b, 0]], rows[b], gsem[b]).wait()
        pltpu.async_copy(rows[b], acc.at[idx.at[b, 1]], ssem[b], add=True)

    start(0, 0, True)
    start(1, 1, True)

    def body(p, carry):
        k = 2 * p
        proc(k, 0)
        proc(k + 1, 1)
        start(k + 2, 0, False)
        start(k + 3, 1, False)
        return carry

    lax.fori_loop(0, nchunks // 2 - 1, body, 0)
    proc(nchunks - 2, 0)
    proc(nchunks - 1, 1)
    pltpu.make_async_copy(rows0, acc.at[idx.at[0, 1]], ssem0).wait()
    pltpu.make_async_copy(rows1, acc.at[idx.at[1, 1]], ssem1).wait()


@functools.partial(
    pl.kernel,
    out_type=(
        jax.ShapeDtypeStruct((NC, NP, D), jnp.float32),
        jax.ShapeDtypeStruct((NW, NP), jnp.float32),
        jax.ShapeDtypeStruct((NW, NP), jnp.float32),
    ),
    mesh=_mesh,
    compiler_params=pltpu.CompilerParams(needs_layout_passes=False),
    scratch_types=[
        pltpu.VMEM_SHARED((NP, D), jnp.float32),
        pltpu.VMEM((2, 2, K), jnp.int32),
        pltpu.VMEM((K, D), jnp.float32),
        pltpu.VMEM((K, D), jnp.float32),
        pltpu.VMEM((NP,), jnp.float32),
        pltpu.VMEM((NP,), jnp.float32),
        pltpu.SemaphoreType.DMA,
        pltpu.SemaphoreType.DMA,
        pltpu.SemaphoreType.DMA,
        pltpu.SemaphoreType.DMA,
    ],
)
def _sc_aggr(xp_hbm, ei_hbm, zrows_hbm, zflat_hbm,
             out, deg_out, cnt_out,
             acc, idx, rows0, rows1, deg_l, cnt_l,
             gsem0, gsem1, ssem0, ssem1):
    c = lax.axis_index("c")
    s = lax.axis_index("s")
    wid = c * NS + s
    pltpu.sync_copy(zrows_hbm, acc.at[pl.ds(s * RPT, RPT)])
    pltpu.sync_copy(zflat_hbm, deg_l)
    pltpu.sync_copy(zflat_hbm, cnt_l)
    plsc.subcore_barrier()

    ones = jnp.ones((L,), jnp.float32)

    def hist(b):
        for j in range(K // L):
            plsc.addupdate_scatter(cnt_l, [idx[b, 0, pl.ds(j * L, L)]], ones)
            plsc.addupdate_scatter(deg_l, [idx[b, 1, pl.ds(j * L, L)]], ones)

    _pipeline(CP1, wid * CP1, ei_hbm, idx, xp_hbm,
              rows0, rows1, acc, gsem0, gsem1, ssem0, ssem1, extra=hist)

    pltpu.sync_copy(deg_l, deg_out.at[wid])
    pltpu.sync_copy(cnt_l, cnt_out.at[wid])
    plsc.subcore_barrier()
    pltpu.sync_copy(acc.at[pl.ds(s * RPT, RPT)],
                    out.at[c, pl.ds(s * RPT, RPT)])


@functools.partial(
    pl.kernel,
    out_type=jax.ShapeDtypeStruct((NC, NP, D), jnp.float32),
    mesh=_mesh,
    compiler_params=pltpu.CompilerParams(needs_layout_passes=False),
    scratch_types=[
        pltpu.VMEM_SHARED((NP, D), jnp.float32),
        pltpu.VMEM((2, 2, K2), jnp.int32),
        pltpu.VMEM((K2, D), jnp.float32),
        pltpu.VMEM((K2, D), jnp.float32),
        pltpu.SemaphoreType.DMA,
        pltpu.SemaphoreType.DMA,
        pltpu.SemaphoreType.DMA,
        pltpu.SemaphoreType.DMA,
    ],
)
def _sc_gate(b_hbm, b2_hbm, ei_hbm, zrows_hbm, out,
             acc, idx, rows0, rows1, gsem0, gsem1, ssem0, ssem1):
    c = lax.axis_index("c")
    s = lax.axis_index("s")
    pltpu.sync_copy(zrows_hbm, acc.at[pl.ds(s * RPT, RPT)])
    plsc.subcore_barrier()

    @pl.when(c == 0)
    def _():
        _pipeline(CP2, s * CP2, ei_hbm, idx, b_hbm,
                  rows0, rows1, acc, gsem0, gsem1, ssem0, ssem1)

    @pl.when(c == 1)
    def _():
        _pipeline(CP2, s * CP2, ei_hbm, idx, b2_hbm,
                  rows0, rows1, acc, gsem0, gsem1, ssem0, ssem1)

    plsc.subcore_barrier()
    pltpu.sync_copy(acc.at[pl.ds(s * RPT, RPT)],
                    out.at[c, pl.ds(s * RPT, RPT)])


_BN = 10240


def _tc_mid_body(x_ref, ap_ref, dp_ref, wl_ref, bl_ref, wr_ref, qw_ref,
                 qb_ref, a_ref, b_ref, b2_ref):
    ap = ap_ref[...]
    agg = ap[0] + ap[1]
    deg = jnp.maximum(jnp.sum(dp_ref[...], axis=0), 1.0)[:, None]
    aggr = agg / deg
    x = x_ref[...]
    wl = wl_ref[...]
    wr = wr_ref[...]
    qw = qw_ref[...]
    dn = (((1,), (1,)), ((), ()))
    xc = lax.dot_general(aggr, wl, dn, preferred_element_type=jnp.float32)
    xc = xc + lax.dot_general(x, wr, dn, preferred_element_type=jnp.float32)
    xc = jnp.maximum(xc + bl_ref[...], 0.0)
    a = lax.dot_general(xc, qw[:, :D], dn, preferred_element_type=jnp.float32)
    b = lax.dot_general(xc, qw[:, D:], dn, preferred_element_type=jnp.float32)
    b = b + qb_ref[...]
    a_ref[...] = a
    b_ref[...] = b
    b2_ref[...] = b * b


def _tc_mid(x, aggr_part, deg_part, wl, bl, wr, qw, qb):
    grid = (NP // _BN,)
    return pl.pallas_call(
        _tc_mid_body,
        grid=grid,
        in_specs=[
            pl.BlockSpec((_BN, D), lambda i: (i, 0)),
            pl.BlockSpec((NC, _BN, D), lambda i: (0, i, 0)),
            pl.BlockSpec((NW, _BN), lambda i: (0, i)),
            pl.BlockSpec((D, D), lambda i: (0, 0)),
            pl.BlockSpec((1, D), lambda i: (0, 0)),
            pl.BlockSpec((D, D), lambda i: (0, 0)),
            pl.BlockSpec((D, 2 * D), lambda i: (0, 0)),
            pl.BlockSpec((1, D), lambda i: (0, 0)),
        ],
        out_specs=[
            pl.BlockSpec((_BN, D), lambda i: (i, 0)),
            pl.BlockSpec((_BN, D), lambda i: (i, 0)),
            pl.BlockSpec((_BN, D), lambda i: (i, 0)),
        ],
        out_shape=[
            jax.ShapeDtypeStruct((N, D), jnp.float32),
            jax.ShapeDtypeStruct((NP, D), jnp.float32),
            jax.ShapeDtypeStruct((NP, D), jnp.float32),
        ],
    )(x, aggr_part, deg_part, wl, bl, wr, qw, qb)


def _tc_out_body(a_ref, sp_ref, cp_ref, gg_ref):
    sp = sp_ref[...]
    sb = sp[0]
    sb2 = sp[1]
    cnt = jnp.sum(cp_ref[...], axis=0)[:, None]
    a = a_ref[...]
    mean_q = (cnt * a * a + 2.0 * a * sb + sb2) / jnp.maximum(cnt, 1.0)
    gg_ref[...] = jnp.tanh(mean_q)


def _tc_out(a, sb_part, cnt_part):
    grid = (NP // _BN,)
    return pl.pallas_call(
        _tc_out_body,
        grid=grid,
        in_specs=[
            pl.BlockSpec((_BN, D), lambda i: (i, 0)),
            pl.BlockSpec((NC, _BN, D), lambda i: (0, i, 0)),
            pl.BlockSpec((NW, _BN), lambda i: (0, i)),
        ],
        out_specs=pl.BlockSpec((_BN, D), lambda i: (i, 0)),
        out_shape=jax.ShapeDtypeStruct((N, D), jnp.float32),
    )(a, sb_part, cnt_part)


def kernel(X, edge_index, Wl, bl, Wr, Qw, Qb):
    src = edge_index[0]
    dst = edge_index[1]
    pad = N + (jnp.arange(EP - E, dtype=jnp.int32) % (NP - N))
    srcp = jnp.concatenate([src, pad])
    dstp = jnp.concatenate([dst, pad])
    ei1 = jnp.stack([srcp.reshape(EPC, K), dstp.reshape(EPC, K)], axis=1)
    ei2 = jnp.stack([dstp.reshape(EPC2, K2), srcp.reshape(EPC2, K2)], axis=1)
    xp = jnp.pad(X, ((0, NP - N), (0, 0)))
    zrows = jnp.zeros((RPT, D), jnp.float32)
    zflat = jnp.zeros((NP,), jnp.float32)

    aggr_part, deg_part, cnt_part = _sc_aggr(xp, ei1, zrows, zflat)
    a, b, b2 = _tc_mid(X, aggr_part, deg_part, Wl, bl.reshape(1, D), Wr, Qw,
                       Qb.reshape(1, D))
    sb_part = _sc_gate(b, b2, ei2, zrows)
    return _tc_out(a, sb_part, cnt_part)

# --- scband reference (transcript-rebuilt; emitter-appended) ---
"""Pipeline reference for scband-g2-53712861003961 (READ-ONLY COPY).

The authoritative reference and input builder live on the scoring server;
editing this copy changes nothing except your own understanding.
"""

import jax, jax.numpy as jnp
import numpy as np

N = 10000
E = 320000
D = 128
P = 2.0


def setup_inputs(seed: int = 0) -> dict:
    key = jax.random.key(seed)
    k1, k2, k3, k4, k5, k6 = jax.random.split(key, 6)
    X = jax.random.normal(k1, (N, D), dtype=jnp.float32)
    edge_index = jax.random.randint(k2, (2, E), 0, N, dtype=jnp.int32)
    # SAGEConv parameters: lin_l applied to aggregated neighbors (with bias), lin_r to root
    Wl = jax.random.normal(k3, (D, D), dtype=jnp.float32) * 0.05
    bl = jnp.zeros((D,), dtype=jnp.float32)
    Wr = jax.random.normal(k4, (D, D), dtype=jnp.float32) * 0.05
    # Q_list[0]: Linear(2*nhid, nhid) since heads=1
    Qw = jax.random.normal(k5, (D, 2 * D), dtype=jnp.float32) * 0.05
    Qb = jnp.zeros((D,), dtype=jnp.float32)
    return {"X": X, "edge_index": edge_index, "Wl": Wl, "bl": bl, "Wr": Wr, "Qw": Qw, "Qb": Qb}


def reference(X, edge_index, Wl, bl, Wr, Qw, Qb):
    n_nodes = X.shape[0]
    src = edge_index[0]
    dst = edge_index[1]
    # --- GraphSAGE conv (mean aggregation): out = lin_l(mean_j x_j) + lin_r(x_i) ---
    ones_e = jnp.ones((edge_index.shape[1],), dtype=X.dtype)
    deg = jax.ops.segment_sum(ones_e, dst, num_segments=n_nodes)
    aggr = jax.ops.segment_sum(X[src], dst, num_segments=n_nodes)
    aggr = aggr / jnp.clip(deg, 1.0)[:, None]
    Xc = jax.nn.relu(aggr @ Wl.T + bl + X @ Wr.T)
    # --- G2 gating: per-edge |Q([x_src, x_dst])|^p, scatter-mean over src ---
    h = jnp.concatenate([Xc[src], Xc[dst]], axis=1)
    q = jnp.abs(h @ Qw.T + Qb) ** P
    cnt = jax.ops.segment_sum(ones_e, src, num_segments=n_nodes)
    mean_q = jax.ops.segment_sum(q, src, num_segments=n_nodes) / jnp.clip(cnt, 1.0)[:, None]
    gg = jnp.tanh(mean_q)
    return gg

if __name__ == "__main__":
    import jax
    _d = setup_inputs()
    print(jax.jit(kernel)(*tuple(_d.values())))

</pallas_src>

<mosaic_0001>
#map = affine_map<(d0, d1) -> (0, 0)>
#map1 = affine_map<(d0, d1) -> (0, 0, 0)>
module attributes {stable_mosaic.version = 14 : i64} {
  func.func @_sc_gate(%arg0: i32, %arg1: i32, %arg2: memref<10240x128xf32, #tpu.memory_space<hbm>>, %arg3: memref<10240x128xf32, #tpu.memory_space<hbm>>, %arg4: memref<2560x2x128xi32, #tpu.memory_space<hbm>>, %arg5: memref<640x128xf32, #tpu.memory_space<hbm>>, %arg6: memref<2x10240x128xf32, #tpu.memory_space<hbm>>, %arg7: memref<10240x128xf32, #tpu.memory_space<vmem_shared>>, %arg8: memref<2x2x128xi32, #tpu.memory_space<vmem>>, %arg9: memref<128x128xf32, #tpu.memory_space<vmem>>, %arg10: memref<128x128xf32, #tpu.memory_space<vmem>>, %arg11: memref<!tpu.dma_semaphore, #tpu.memory_space<semaphore_mem>>, %arg12: memref<!tpu.dma_semaphore, #tpu.memory_space<semaphore_mem>>, %arg13: memref<!tpu.dma_semaphore, #tpu.memory_space<semaphore_mem>>, %arg14: memref<!tpu.dma_semaphore, #tpu.memory_space<semaphore_mem>>) attributes {dimension_semantics = [#tpu.dimension_semantics<core_parallel>, #tpu.dimension_semantics<subcore_parallel>], iteration_bounds = array<i64: 2, 16>, scalar_prefetch = 0 : i64, scratch_operands = 8 : i64, tpu.core_type = #tpu.core_type<sc_vector_subcore>, window_params = [{transform_indices = #map}, {transform_indices = #map}, {transform_indices = #map1}, {transform_indices = #map}, {transform_indices = #map1}]} {
    %mul3A = arith.constant 640 : i32
    %mul3A_0 = arith.muli %arg1, %mul3A : i32
    "tpu.region"() ({
      %run_scoped3A = tpu.sem_alloc : memref<!tpu.dma_semaphore, #tpu.memory_space<semaphore_mem>>
      %dma_start3A = arith.constant 0 : i32
      %dma_start3A_13 = tpu.memref_slice %arg7[%mul3A_0, %dma_start3A] : memref<10240x128xf32, #tpu.memory_space<vmem_shared>> -> memref<640x128xf32, #tpu.memory_space<vmem_shared>>
      tpu.enqueue_dma source(%arg5 : memref<640x128xf32, #tpu.memory_space<hbm>>) target(%dma_start3A_13 : memref<640x128xf32, #tpu.memory_space<vmem_shared>>) target_semaphore(%run_scoped3A : memref<!tpu.dma_semaphore, #tpu.memory_space<semaphore_mem>>)
      %dma_wait3A = arith.constant 0 : i32
      %dma_wait3A_14 = tpu.memref_slice %arg7[%mul3A_0, %dma_wait3A] : memref<10240x128xf32, #tpu.memory_space<vmem_shared>> -> memref<640x128xf32, #tpu.memory_space<vmem_shared>>
      tpu.wait_dma2 semaphore(%run_scoped3A : memref<!tpu.dma_semaphore, #tpu.memory_space<semaphore_mem>>) src(%arg5 : memref<640x128xf32, #tpu.memory_space<hbm>>) dst(%dma_wait3A_14 : memref<640x128xf32, #tpu.memory_space<vmem_shared>>)
      tpu.yield
    }) : () -> ()
    %barrier3A = arith.constant 0 : index
    tpu.barrier barrier_id(%barrier3A)
    %eq3A = arith.constant 0 : i32
    %eq3A_1 = arith.cmpi eq, %arg0, %eq3A : i32
    %convert_element_type3A = arith.extui %eq3A_1 : i1 to i32
    %cond3A = arith.constant 0 : i32
    %cond3A_2 = arith.cmpi ne, %convert_element_type3A, %cond3A : i32
    scf.if %cond3A_2 {
      %mul3A_13 = arith.constant 160 : i32
      %mul3A_14 = arith.muli %arg1, %mul3A_13 : i32
      %add3A = arith.constant 0 : i32
      %add3A_15 = arith.addi %mul3A_14, %add3A : i32
      %run_scoped3A = arith.constant 0 : i32
      "tpu.region"() ({
        %run_scoped3A_86 = tpu.sem_alloc : memref<!tpu.dma_semaphore, #tpu.memory_space<semaphore_mem>>
        %dma_start3A_87 = arith.constant 0 : i32
        %dma_start3A_88 = arith.constant 0 : i32
        %dma_start3A_89 = tpu.memref_slice %arg8[%run_scoped3A, %dma_start3A_87, %dma_start3A_88] : memref<2x2x128xi32, #tpu.memory_space<vmem>> -> memref<1x2x128xi32, #tpu.memory_space<vmem>>
        %dma_start3A_90 = tpu.memref_squeeze %dma_start3A_89 : memref<1x2x128xi32, #tpu.memory_space<vmem>> -> memref<2x128xi32, #tpu.memory_space<vmem>>
        %dma_start3A_91 = arith.constant 0 : i32
        %dma_start3A_92 = arith.constant 0 : i32
        %dma_start3A_93 = tpu.memref_slice %arg4[%add3A_15, %dma_start3A_91, %dma_start3A_92] : memref<2560x2x128xi32, #tpu.memory_space<hbm>> -> memref<1x2x128xi32, #tpu.memory_space<hbm>>
        %dma_start3A_94 = tpu.memref_squeeze %dma_start3A_93 : memref<1x2x128xi32, #tpu.memory_space<hbm>> -> memref<2x128xi32, #tpu.memory_space<hbm>>
        %dma_start3A_95 = arith.constant 0 : i32
        %dma_start3A_96 = arith.constant 0 : i32
        %dma_start3A_97 = tpu.memref_slice %arg8[%run_scoped3A, %dma_start3A_95, %dma_start3A_96] : memref<2x2x128xi32, #tpu.memory_space<vmem>> -> memref<1x2x128xi32, #tpu.memory_space<vmem>>
        %dma_start3A_98 = tpu.memref_squeeze %dma_start3A_97 : memref<1x2x128xi32, #tpu.memory_space<vmem>> -> memref<2x128xi32, #tpu.memory_space<vmem>>
        %dma_start3A_99 = arith.constant 0 : i32
        %dma_start3A_100 = arith.constant 0 : i32
        %dma_start3A_101 = tpu.memref_slice %arg4[%add3A_15, %dma_start3A_99, %dma_start3A_100] : memref<2560x2x128xi32, #tpu.memory_space<hbm>> -> memref<1x2x128xi32, #tpu.memory_space<hbm>>
        %dma_start3A_102 = tpu.memref_squeeze %dma_start3A_101 : memref<1x2x128xi32, #tpu.memory_space<hbm>> -> memref<2x128xi32, #tpu.memory_space<hbm>>
        tpu.enqueue_dma source(%dma_start3A_102 : memref<2x128xi32, #tpu.memory_space<hbm>>) target(%dma_start3A_98 : memref<2x128xi32, #tpu.memory_space<vmem>>) target_semaphore(%run_scoped3A_86 : memref<!tpu.dma_semaphore, #tpu.memory_space<semaphore_mem>>)
        %dma_wait3A_103 = arith.constant 0 : i32
        %dma_wait3A_104 = arith.constant 0 : i32
        %dma_wait3A_105 = tpu.memref_slice %arg8[%run_scoped3A, %dma_wait3A_103, %dma_wait3A_104] : memref<2x2x128xi32, #tpu.memory_space<vmem>> -> memref<1x2x128xi32, #tpu.memory_space<vmem>>
        %dma_wait3A_106 = tpu.memref_squeeze %dma_wait3A_105 : memref<1x2x128xi32, #tpu.memory_space<vmem>> -> memref<2x128xi32, #tpu.memory_space<vmem>>
        %dma_wait3A_107 = arith.constant 0 : i32
        %dma_wait3A_108 = arith.constant 0 : i32
        %dma_wait3A_109 = tpu.memref_slice %arg4[%add3A_15, %dma_wait3A_107, %dma_wait3A_108] : memref<2560x2x128xi32, #tpu.memory_space<hbm>> -> memref<1x2x128xi32, #tpu.memory_space<hbm>>
        %dma_wait3A_110 = tpu.memref_squeeze %dma_wait3A_109 : memref<1x2x128xi32, #tpu.memory_space<hbm>> -> memref<2x128xi32, #tpu.memory_space<hbm>>
        %dma_wait3A_111 = arith.constant 0 : i32
        %dma_wait3A_112 = arith.constant 0 : i32
        %dma_wait3A_113 = tpu.memref_slice %arg8[%run_scoped3A, %dma_wait3A_111, %dma_wait3A_112] : memref<2x2x128xi32, #tpu.memory_space<vmem>> -> memref<1x2x128xi32, #tpu.memory_space<vmem>>
        %dma_wait3A_114 = tpu.memref_squeeze %dma_wait3A_113 : memref<1x2x128xi32, #tpu.memory_space<vmem>> -> memref<2x128xi32, #tpu.memory_space<vmem>>
        %dma_wait3A_115 = arith.constant 0 : i32
        %dma_wait3A_116 = arith.constant 0 : i32
        %dma_wait3A_117 = tpu.memref_slice %arg4[%add3A_15, %dma_wait3A_115, %dma_wait3A_116] : memref<2560x2x128xi32, #tpu.memory_space<hbm>> -> memref<1x2x128xi32, #tpu.memory_space<hbm>>
        %dma_wait3A_118 = tpu.memref_squeeze %dma_wait3A_117 : memref<1x2x128xi32, #tpu.memory_space<hbm>> -> memref<2x128xi32, #tpu.memory_space<hbm>>
        tpu.wait_dma2 semaphore(%run_scoped3A_86 : memref<!tpu.dma_semaphore, #tpu.memory_space<semaphore_mem>>) src(%dma_wait3A_118 : memref<2x128xi32, #tpu.memory_space<hbm>>) dst(%dma_wait3A_114 : memref<2x128xi32, #tpu.memory_space<vmem>>)
        tpu.yield
      }) : () -> ()
      %dma_start3A = arith.constant 0 : i32
      %dma_start3A_16 = arith.constant 0 : i32
      %dma_start3A_17 = arith.constant 0 : i32
      %dma_start3A_18 = tpu.memref_slice %arg8[%dma_start3A, %dma_start3A_16, %dma_start3A_17] : memref<2x2x128xi32, #tpu.memory_space<vmem>> -> memref<1x1x128xi32, #tpu.memory_space<vmem>>
      %dma_start3A_19 = tpu.memref_squeeze %dma_start3A_18 : memref<1x1x128xi32, #tpu.memory_space<vmem>> -> memref<128xi32, #tpu.memory_space<vmem>>
      %dma_start3A_20 = arith.constant 0 : i32
      %dma_start3A_21 = arith.constant 0 : i32
      %dma_start3A_22 = tpu.memref_slice %arg2[%dma_start3A_20, %dma_start3A_21] : memref<10240x128xf32, #tpu.memory_space<hbm>> -> memref<10240x128xf32, #tpu.memory_space<hbm>>
      tpu.enqueue_indirect_dma source(%dma_start3A_22 : memref<10240x128xf32, #tpu.memory_space<hbm>>) target(%arg9 : memref<128x128xf32, #tpu.memory_space<vmem>>) offsets(%dma_start3A_19 : memref<128xi32, #tpu.memory_space<vmem>>) semaphore(%arg11 : memref<!tpu.dma_semaphore, #tpu.memory_space<semaphore_mem>>)
      %add3A_23 = arith.constant 1 : i32
      %add3A_24 = arith.addi %mul3A_14, %add3A_23 : i32
      %run_scoped3A_25 = arith.constant 1 : i32
      "tpu.region"() ({
        %run_scoped3A_86 = tpu.sem_alloc : memref<!tpu.dma_semaphore, #tpu.memory_space<semaphore_mem>>
        %dma_start3A_87 = arith.constant 0 : i32
        %dma_start3A_88 = arith.constant 0 : i32
        %dma_start3A_89 = tpu.memref_slice %arg8[%run_scoped3A_25, %dma_start3A_87, %dma_start3A_88] : memref<2x2x128xi32, #tpu.memory_space<vmem>> -> memref<1x2x128xi32, #tpu.memory_space<vmem>>
        %dma_start3A_90 = tpu.memref_squeeze %dma_start3A_89 : memref<1x2x128xi32, #tpu.memory_space<vmem>> -> memref<2x128xi32, #tpu.memory_space<vmem>>
        %dma_start3A_91 = arith.constant 0 : i32
        %dma_start3A_92 = arith.constant 0 : i32
        %dma_start3A_93 = tpu.memref_slice %arg4[%add3A_24, %dma_start3A_91, %dma_start3A_92] : memref<2560x2x128xi32, #tpu.memory_space<hbm>> -> memref<1x2x128xi32, #tpu.memory_space<hbm>>
        %dma_start3A_94 = tpu.memref_squeeze %dma_start3A_93 : memref<1x2x128xi32, #tpu.memory_space<hbm>> -> memref<2x128xi32, #tpu.memory_space<hbm>>
        %dma_start3A_95 = arith.constant 0 : i32
        %dma_start3A_96 = arith.constant 0 : i32
        %dma_start3A_97 = tpu.memref_slice %arg8[%run_scoped3A_25, %dma_start3A_95, %dma_start3A_96] : memref<2x2x128xi32, #tpu.memory_space<vmem>> -> memref<1x2x128xi32, #tpu.memory_space<vmem>>
        %dma_start3A_98 = tpu.memref_squeeze %dma_start3A_97 : memref<1x2x128xi32, #tpu.memory_space<vmem>> -> memref<2x128xi32, #tpu.memory_space<vmem>>
        %dma_start3A_99 = arith.constant 0 : i32
        %dma_start3A_100 = arith.constant 0 : i32
        %dma_start3A_101 = tpu.memref_slice %arg4[%add3A_24, %dma_start3A_99, %dma_start3A_100] : memref<2560x2x128xi32, #tpu.memory_space<hbm>> -> memref<1x2x128xi32, #tpu.memory_space<hbm>>
        %dma_start3A_102 = tpu.memref_squeeze %dma_start3A_101 : memref<1x2x128xi32, #tpu.memory_space<hbm>> -> memref<2x128xi32, #tpu.memory_space<hbm>>
        tpu.enqueue_dma source(%dma_start3A_102 : memref<2x128xi32, #tpu.memory_space<hbm>>) target(%dma_start3A_98 : memref<2x128xi32, #tpu.memory_space<vmem>>) target_semaphore(%run_scoped3A_86 : memref<!tpu.dma_semaphore, #tpu.memory_space<semaphore_mem>>)
        %dma_wait3A_103 = arith.constant 0 : i32
        %dma_wait3A_104 = arith.constant 0 : i32
        %dma_wait3A_105 = tpu.memref_slice %arg8[%run_scoped3A_25, %dma_wait3A_103, %dma_wait3A_104] : memref<2x2x128xi32, #tpu.memory_space<vmem>> -> memref<1x2x128xi32, #tpu.memory_space<vmem>>
        %dma_wait3A_106 = tpu.memref_squeeze %dma_wait3A_105 : memref<1x2x128xi32, #tpu.memory_space<vmem>> -> memref<2x128xi32, #tpu.memory_space<vmem>>
        %dma_wait3A_107 = arith.constant 0 : i32
        %dma_wait3A_108 = arith.constant 0 : i32
        %dma_wait3A_109 = tpu.memref_slice %arg4[%add3A_24, %dma_wait3A_107, %dma_wait3A_108] : memref<2560x2x128xi32, #tpu.memory_space<hbm>> -> memref<1x2x128xi32, #tpu.memory_space<hbm>>
        %dma_wait3A_110 = tpu.memref_squeeze %dma_wait3A_109 : memref<1x2x128xi32, #tpu.memory_space<hbm>> -> memref<2x128xi32, #tpu.memory_space<hbm>>
        %dma_wait3A_111 = arith.constant 0 : i32
        %dma_wait3A_112 = arith.constant 0 : i32
        %dma_wait3A_113 = tpu.memref_slice %arg8[%run_scoped3A_25, %dma_wait3A_111, %dma_wait3A_112] : memref<2x2x128xi32, #tpu.memory_space<vmem>> -> memref<1x2x128xi32, #tpu.memory_space<vmem>>
        %dma_wait3A_114 = tpu.memref_squeeze %dma_wait3A_113 : memref<1x2x128xi32, #tpu.memory_space<vmem>> -> memref<2x128xi32, #tpu.memory_space<vmem>>
        %dma_wait3A_115 = arith.constant 0 : i32
        %dma_wait3A_116 = arith.constant 0 : i32
        %dma_wait3A_117 = tpu.memref_slice %arg4[%add3A_24, %dma_wait3A_115, %dma_wait3A_116] : memref<2560x2x128xi32, #tpu.memory_space<hbm>> -> memref<1x2x128xi32, #tpu.memory_space<hbm>>
        %dma_wait3A_118 = tpu.memref_squeeze %dma_wait3A_117 : memref<1x2x128xi32, #tpu.memory_space<hbm>> -> memref<2x128xi32, #tpu.memory_space<hbm>>
        tpu.wait_dma2 semaphore(%run_scoped3A_86 : memref<!tpu.dma_semaphore, #tpu.memory_space<semaphore_mem>>) src(%dma_wait3A_118 : memref<2x128xi32, #tpu.memory_space<hbm>>) dst(%dma_wait3A_114 : memref<2x128xi32, #tpu.memory_space<vmem>>)
        tpu.yield
      }) : () -> ()
      %dma_start3A_26 = arith.constant 1 : i32
      %dma_start3A_27 = arith.constant 0 : i32
      %dma_start3A_28 = arith.constant 0 : i32
      %dma_start3A_29 = tpu.memref_slice %arg8[%dma_start3A_26, %dma_start3A_27, %dma_start3A_28] : memref<2x2x128xi32, #tpu.memory_space<vmem>> -> memref<1x1x128xi32, #tpu.memory_space<vmem>>
      %dma_start3A_30 = tpu.memref_squeeze %dma_start3A_29 : memref<1x1x128xi32, #tpu.memory_space<vmem>> -> memref<128xi32, #tpu.memory_space<vmem>>
      %dma_start3A_31 = arith.constant 0 : i32
      %dma_start3A_32 = arith.constant 0 : i32
      %dma_start3A_33 = tpu.memref_slice %arg2[%dma_start3A_31, %dma_start3A_32] : memref<10240x128xf32, #tpu.memory_space<hbm>> -> memref<10240x128xf32, #tpu.memory_space<hbm>>
      tpu.enqueue_indirect_dma source(%dma_start3A_33 : memref<10240x128xf32, #tpu.memory_space<hbm>>) target(%arg10 : memref<128x128xf32, #tpu.memory_space<vmem>>) offsets(%dma_start3A_30 : memref<128xi32, #tpu.memory_space<vmem>>) semaphore(%arg12 : memref<!tpu.dma_semaphore, #tpu.memory_space<semaphore_mem>>)
      %scan3A = arith.constant 0 : i32
      %scan3A_34 = arith.constant 0 : i32
      %scan3A_35 = arith.constant 79 : i32
      %scan3A_36 = arith.addi %scan3A_34, %scan3A_35 : i32
      %scan3A_37 = arith.constant 1 : i32
      scf.for %scan3A_86 = %scan3A_34 to %scan3A_36 step %scan3A_37  : i32 {
        %mul3A_87 = arith.constant 2 : i32
        %mul3A_88 = arith.muli %mul3A_87, %scan3A_86 : i32
        %dma_wait3A_89 = arith.constant 0 : i32
        %dma_wait3A_90 = arith.constant 0 : i32
        %dma_wait3A_91 = arith.constant 0 : i32
        %dma_wait3A_92 = tpu.memref_slice %arg8[%dma_wait3A_89, %dma_wait3A_90, %dma_wait3A_91] : memref<2x2x128xi32, #tpu.memory_space<vmem>> -> memref<1x1x128xi32, #tpu.memory_space<vmem>>
        %dma_wait3A_93 = tpu.memref_squeeze %dma_wait3A_92 : memref<1x1x128xi32, #tpu.memory_space<vmem>> -> memref<128xi32, #tpu.memory_space<vmem>>
        %dma_wait3A_94 = arith.constant 0 : i32
        %dma_wait3A_95 = arith.constant 0 : i32
        %dma_wait3A_96 = tpu.memref_slice %arg2[%dma_wait3A_94, %dma_wait3A_95] : memref<10240x128xf32, #tpu.memory_space<hbm>> -> memref<10240x128xf32, #tpu.memory_space<hbm>>
        tpu.wait_indirect_dma semaphore(%arg11 : memref<!tpu.dma_semaphore, #tpu.memory_space<semaphore_mem>>) src(%dma_wait3A_96 : memref<10240x128xf32, #tpu.memory_space<hbm>>) dst(%arg9 : memref<128x128xf32, #tpu.memory_space<vmem>>)
        %dma_start3A_97 = arith.constant 0 : i32
        %dma_start3A_98 = arith.constant 1 : i32
        %dma_start3A_99 = arith.constant 0 : i32
        %dma_start3A_100 = tpu.memref_slice %arg8[%dma_start3A_97, %dma_start3A_98, %dma_start3A_99] : memref<2x2x128xi32, #tpu.memory_space<vmem>> -> memref<1x1x128xi32, #tpu.memory_space<vmem>>
        %dma_start3A_101 = tpu.memref_squeeze %dma_start3A_100 : memref<1x1x128xi32, #tpu.memory_space<vmem>> -> memref<128xi32, #tpu.memory_space<vmem>>
        %dma_start3A_102 = arith.constant 0 : i32
        %dma_start3A_103 = arith.constant 0 : i32
        %dma_start3A_104 = tpu.memref_slice %arg7[%dma_start3A_102, %dma_start3A_103] : memref<10240x128xf32, #tpu.memory_space<vmem_shared>> -> memref<10240x128xf32, #tpu.memory_space<vmem_shared>>
        tpu.enqueue_indirect_dma source(%arg9 : memref<128x128xf32, #tpu.memory_space<vmem>>) target(%dma_start3A_104 : memref<10240x128xf32, #tpu.memory_space<vmem_shared>>) offsets(%dma_start3A_101 : memref<128xi32, #tpu.memory_space<vmem>>) semaphore(%arg13 : memref<!tpu.dma_semaphore, #tpu.memory_space<semaphore_mem>>) {add = true}
        %add3A_105 = arith.constant 1 : i32
        %add3A_106 = arith.addi %mul3A_88, %add3A_105 : i32
        %dma_wait3A_107 = arith.constant 1 : i32
        %dma_wait3A_108 = arith.constant 0 : i32
        %dma_wait3A_109 = arith.constant 0 : i32
        %dma_wait3A_110 = tpu.memref_slice %arg8[%dma_wait3A_107, %dma_wait3A_108, %dma_wait3A_109] : memref<2x2x128xi32, #tpu.memory_space<vmem>> -> memref<1x1x128xi32, #tpu.memory_space<vmem>>
        %dma_wait3A_111 = tpu.memref_squeeze %dma_wait3A_110 : memref<1x1x128xi32, #tpu.memory_space<vmem>> -> memref<128xi32, #tpu.memory_space<vmem>>
        %dma_wait3A_112 = arith.constant 0 : i32
        %dma_wait3A_113 = arith.constant 0 : i32
        %dma_wait3A_114 = tpu.memref_slice %arg2[%dma_wait3A_112, %dma_wait3A_113] : memref<10240x128xf32, #tpu.memory_space<hbm>> -> memref<10240x128xf32, #tpu.memory_space<hbm>>
        tpu.wait_indirect_dma semaphore(%arg12 : memref<!tpu.dma_semaphore, #tpu.memory_space<semaphore_mem>>) src(%dma_wait3A_114 : memref<10240x128xf32, #tpu.memory_space<hbm>>) dst(%arg10 : memref<128x128xf32, #tpu.memory_space<vmem>>)
        %dma_start3A_115 = arith.constant 1 : i32
        %dma_start3A_116 = arith.constant 1 : i32
        %dma_start3A_117 = arith.constant 0 : i32
        %dma_start3A_118 = tpu.memref_slice %arg8[%dma_start3A_115, %dma_start3A_116, %dma_start3A_117] : memref<2x2x128xi32, #tpu.memory_space<vmem>> -> memref<1x1x128xi32, #tpu.memory_space<vmem>>
        %dma_start3A_119 = tpu.memref_squeeze %dma_start3A_118 : memref<1x1x128xi32, #tpu.memory_space<vmem>> -> memref<128xi32, #tpu.memory_space<vmem>>
        %dma_start3A_120 = arith.constant 0 : i32
        %dma_start3A_121 = arith.constant 0 : i32
        %dma_start3A_122 = tpu.memref_slice %arg7[%dma_start3A_120, %dma_start3A_121] : memref<10240x128xf32, #tpu.memory_space<vmem_shared>> -> memref<10240x128xf32, #tpu.memory_space<vmem_shared>>
        tpu.enqueue_indirect_dma source(%arg10 : memref<128x128xf32, #tpu.memory_space<vmem>>) target(%dma_start3A_122 : memref<10240x128xf32, #tpu.memory_space<vmem_shared>>) offsets(%dma_start3A_119 : memref<128xi32, #tpu.memory_space<vmem>>) semaphore(%arg14 : memref<!tpu.dma_semaphore, #tpu.memory_space<semaphore_mem>>) {add = true}
        %add3A_123 = arith.constant 2 : i32
        %add3A_124 = arith.addi %mul3A_88, %add3A_123 : i32
        %dma_wait3A_125 = arith.constant 0 : i32
        %dma_wait3A_126 = arith.constant 1 : i32
        %dma_wait3A_127 = arith.constant 0 : i32
        %dma_wait3A_128 = tpu.memref_slice %arg8[%dma_wait3A_125, %dma_wait3A_126, %dma_wait3A_127] : memref<2x2x128xi32, #tpu.memory_space<vmem>> -> memref<1x1x128xi32, #tpu.memory_space<vmem>>
        %dma_wait3A_129 = tpu.memref_squeeze %dma_wait3A_128 : memref<1x1x128xi32, #tpu.memory_space<vmem>> -> memref<128xi32, #tpu.memory_space<vmem>>
        %dma_wait3A_130 = arith.constant 0 : i32
        %dma_wait3A_131 = arith.constant 0 : i32
        %dma_wait3A_132 = tpu.memref_slice %arg7[%dma_wait3A_130, %dma_wait3A_131] : memref<10240x128xf32, #tpu.memory_space<vmem_shared>> -> memref<10240x128xf32, #tpu.memory_space<vmem_shared>>
        tpu.wait_indirect_dma semaphore(%arg13 : memref<!tpu.dma_semaphore, #tpu.memory_space<semaphore_mem>>) src(%arg9 : memref<128x128xf32, #tpu.memory_space<vmem>>) dst(%dma_wait3A_132 : memref<10240x128xf32, #tpu.memory_space<vmem_shared>>)
        %add3A_133 = arith.addi %mul3A_14, %add3A_124 : i32
        %run_scoped3A_134 = arith.constant 0 : i32
        "tpu.region"() ({
          %run_scoped3A_163 = tpu.sem_alloc : memref<!tpu.dma_semaphore, #tpu.memory_space<semaphore_mem>>
          %dma_start3A_164 = arith.constant 0 : i32
          %dma_start3A_165 = arith.constant 0 : i32
          %dma_start3A_166 = tpu.memref_slice %arg8[%run_scoped3A_134, %dma_start3A_164, %dma_start3A_165] : memref<2x2x128xi32, #tpu.memory_space<vmem>> -> memref<1x2x128xi32, #tpu.memory_space<vmem>>
          %dma_start3A_167 = tpu.memref_squeeze %dma_start3A_166 : memref<1x2x128xi32, #tpu.memory_space<vmem>> -> memref<2x128xi32, #tpu.memory_space<vmem>>
          %dma_start3A_168 = arith.constant 0 : i32
          %dma_start3A_169 = arith.constant 0 : i32
          %dma_start3A_170 = tpu.memref_slice %arg4[%add3A_133, %dma_start3A_168, %dma_start3A_169] : memref<2560x2x128xi32, #tpu.memory_space<hbm>> -> memref<1x2x128xi32, #tpu.memory_space<hbm>>
          %dma_start3A_171 = tpu.memref_squeeze %dma_start3A_170 : memref<1x2x128xi32, #tpu.memory_space<hbm>> -> memref<2x128xi32, #tpu.memory_space<hbm>>
          %dma_start3A_172 = arith.constant 0 : i32
          %dma_start3A_173 = arith.constant 0 : i32
          %dma_start3A_174 = tpu.memref_slice %arg8[%run_scoped3A_134, %dma_start3A_172, %dma_start3A_173] : memref<2x2x128xi32, #tpu.memory_space<vmem>> -> memref<1x2x128xi32, #tpu.memory_space<vmem>>
          %dma_start3A_175 = tpu.memref_squeeze %dma_start3A_174 : memref<1x2x128xi32, #tpu.memory_space<vmem>> -> memref<2x128xi32, #tpu.memory_space<vmem>>
          %dma_start3A_176 = arith.constant 0 : i32
          %dma_start3A_177 = arith.constant 0 : i32
          %dma_start3A_178 = tpu.memref_slice %arg4[%add3A_133, %dma_start3A_176, %dma_start3A_177] : memref<2560x2x128xi32, #tpu.memory_space<hbm>> -> memref<1x2x128xi32, #tpu.memory_space<hbm>>
          %dma_start3A_179 = tpu.memref_squeeze %dma_start3A_178 : memref<1x2x128xi32, #tpu.memory_space<hbm>> -> memref<2x128xi32, #tpu.memory_space<hbm>>
          tpu.enqueue_dma source(%dma_start3A_179 : memref<2x128xi32, #tpu.memory_space<hbm>>) target(%dma_start3A_175 : memref<2x128xi32, #tpu.memory_space<vmem>>) target_semaphore(%run_scoped3A_163 : memref<!tpu.dma_semaphore, #tpu.memory_space<semaphore_mem>>)
          %dma_wait3A_180 = arith.constant 0 : i32
          %dma_wait3A_181 = arith.constant 0 : i32
          %dma_wait3A_182 = tpu.memref_slice %arg8[%run_scoped3A_134, %dma_wait3A_180, %dma_wait3A_181] : memref<2x2x128xi32, #tpu.memory_space<vmem>> -> memref<1x2x128xi32, #tpu.memory_space<vmem>>
          %dma_wait3A_183 = tpu.memref_squeeze %dma_wait3A_182 : memref<1x2x128xi32, #tpu.memory_space<vmem>> -> memref<2x128xi32, #tpu.memory_space<vmem>>
          %dma_wait3A_184 = arith.constant 0 : i32
          %dma_wait3A_185 = arith.constant 0 : i32
          %dma_wait3A_186 = tpu.memref_slice %arg4[%add3A_133, %dma_wait3A_184, %dma_wait3A_185] : memref<2560x2x128xi32, #tpu.memory_space<hbm>> -> memref<1x2x128xi32, #tpu.memory_space<hbm>>
          %dma_wait3A_187 = tpu.memref_squeeze %dma_wait3A_186 : memref<1x2x128xi32, #tpu.memory_space<hbm>> -> memref<2x128xi32, #tpu.memory_space<hbm>>
          %dma_wait3A_188 = arith.constant 0 : i32
          %dma_wait3A_189 = arith.constant 0 : i32
          %dma_wait3A_190 = tpu.memref_slice %arg8[%run_scoped3A_134, %dma_wait3A_188, %dma_wait3A_189] : memref<2x2x128xi32, #tpu.memory_space<vmem>> -> memref<1x2x128xi32, #tpu.memory_space<vmem>>
          %dma_wait3A_191 = tpu.memref_squeeze %dma_wait3A_190 : memref<1x2x128xi32, #tpu.memory_space<vmem>> -> memref<2x128xi32, #tpu.memory_space<vmem>>
          %dma_wait3A_192 = arith.constant 0 : i32
          %dma_wait3A_193 = arith.constant 0 : i32
          %dma_wait3A_194 = tpu.memref_slice %arg4[%add3A_133, %dma_wait3A_192, %dma_wait3A_193] : memref<2560x2x128xi32, #tpu.memory_space<hbm>> -> memref<1x2x128xi32, #tpu.memory_space<hbm>>
          %dma_wait3A_195 = tpu.memref_squeeze %dma_wait3A_194 : memref<1x2x128xi32, #tpu.memory_space<hbm>> -> memref<2x128xi32, #tpu.memory_space<hbm>>
          tpu.wait_dma2 semaphore(%run_scoped3A_163 : memref<!tpu.dma_semaphore, #tpu.memory_space<semaphore_mem>>) src(%dma_wait3A_195 : memref<2x128xi32, #tpu.memory_space<hbm>>) dst(%dma_wait3A_191 : memref<2x128xi32, #tpu.memory_space<vmem>>)
          tpu.yield
        }) : () -> ()
        %dma_start3A_135 = arith.constant 0 : i32
        %dma_start3A_136 = arith.constant 0 : i32
        %dma_start3A_137 = arith.constant 0 : i32
        %dma_start3A_138 = tpu.memref_slice %arg8[%dma_start3A_135, %dma_start3A_136, %dma_start3A_137] : memref<2x2x128xi32, #tpu.memory_space<vmem>> -> memref<1x1x128xi32, #tpu.memory_space<vmem>>
        %dma_start3A_139 = tpu.memref_squeeze %dma_start3A_138 : memref<1x1x128xi32, #tpu.memory_space<vmem>> -> memref<128xi32, #tpu.memory_space<vmem>>
        %dma_start3A_140 = arith.constant 0 : i32
        %dma_start3A_141 = arith.constant 0 : i32
        %dma_start3A_142 = tpu.memref_slice %arg2[%dma_start3A_140, %dma_start3A_141] : memref<10240x128xf32, #tpu.memory_space<hbm>> -> memref<10240x128xf32, #tpu.memory_space<hbm>>
        tpu.enqueue_indirect_dma source(%dma_start3A_142 : memref<10240x128xf32, #tpu.memory_space<hbm>>) target(%arg9 : memref<128x128xf32, #tpu.memory_space<vmem>>) offsets(%dma_start3A_139 : memref<128xi32, #tpu.memory_space<vmem>>) semaphore(%arg11 : memref<!tpu.dma_semaphore, #tpu.memory_space<semaphore_mem>>)
        %add3A_143 = arith.constant 3 : i32
        %add3A_144 = arith.addi %mul3A_88, %add3A_143 : i32
        %dma_wait3A_145 = arith.constant 1 : i32
        %dma_wait3A_146 = arith.constant 1 : i32
        %dma_wait3A_147 = arith.constant 0 : i32
        %dma_wait3A_148 = tpu.memref_slice %arg8[%dma_wait3A_145, %dma_wait3A_146, %dma_wait3A_147] : memref<2x2x128xi32, #tpu.memory_space<vmem>> -> memref<1x1x128xi32, #tpu.memory_space<vmem>>
        %dma_wait3A_149 = tpu.memref_squeeze %dma_wait3A_148 : memref<1x1x128xi32, #tpu.memory_space<vmem>> -> memref<128xi32, #tpu.memory_space<vmem>>
        %dma_wait3A_150 = arith.constant 0 : i32
        %dma_wait3A_151 = arith.constant 0 : i32
        %dma_wait3A_152 = tpu.memref_slice %arg7[%dma_wait3A_150, %dma_wait3A_151] : memref<10240x128xf32, #tpu.memory_space<vmem_shared>> -> memref<10240x128xf32, #tpu.memory_space<vmem_shared>>
        tpu.wait_indirect_dma semaphore(%arg14 : memref<!tpu.dma_semaphore, #tpu.memory_space<semaphore_mem>>) src(%arg10 : memref<128x128xf32, #tpu.memory_space<vmem>>) dst(%dma_wait3A_152 : memref<10240x128xf32, #tpu.memory_space<vmem_shared>>)
        %add3A_153 = arith.addi %mul3A_14, %add3A_144 : i32
        %run_scoped3A_154 = arith.constant 1 : i32
        "tpu.region"() ({
          %run_scoped3A_163 = tpu.sem_alloc : memref<!tpu.dma_semaphore, #tpu.memory_space<semaphore_mem>>
          %dma_start3A_164 = arith.constant 0 : i32
          %dma_start3A_165 = arith.constant 0 : i32
          %dma_start3A_166 = tpu.memref_slice %arg8[%run_scoped3A_154, %dma_start3A_164, %dma_start3A_165] : memref<2x2x128xi32, #tpu.memory_space<vmem>> -> memref<1x2x128xi32, #tpu.memory_space<vmem>>
          %dma_start3A_167 = tpu.memref_squeeze %dma_start3A_166 : memref<1x2x128xi32, #tpu.memory_space<vmem>> -> memref<2x128xi32, #tpu.memory_space<vmem>>
          %dma_start3A_168 = arith.constant 0 : i32
          %dma_start3A_169 = arith.constant 0 : i32
          %dma_start3A_170 = tpu.memref_slice %arg4[%add3A_153, %dma_start3A_168, %dma_start3A_169] : memref<2560x2x128xi32, #tpu.memory_space<hbm>> -> memref<1x2x128xi32, #tpu.memory_space<hbm>>
          %dma_start3A_171 = tpu.memref_squeeze %dma_start3A_170 : memref<1x2x128xi32, #tpu.memory_space<hbm>> -> memref<2x128xi32, #tpu.memory_space<hbm>>
          %dma_start3A_172 = arith.constant 0 : i32
          %dma_start3A_173 = arith.constant 0 : i32
          %dma_start3A_174 = tpu.memref_slice %arg8[%run_scoped3A_154, %dma_start3A_172, %dma_start3A_173] : memref<2x2x128xi32, #tpu.memory_space<vmem>> -> memref<1x2x128xi32, #tpu.memory_space<vmem>>
          %dma_start3A_175 = tpu.memref_squeeze %dma_start3A_174 : memref<1x2x128xi32, #tpu.memory_space<vmem>> -> memref<2x128xi32, #tpu.memory_space<vmem>>
          %dma_start3A_176 = arith.constant 0 : i32
          %dma_start3A_177 = arith.constant 0 : i32
          %dma_start3A_178 = tpu.memref_slice %arg4[%add3A_153, %dma_start3A_176, %dma_start3A_177] : memref<2560x2x128xi32, #tpu.memory_space<hbm>> -> memref<1x2x128xi32, #tpu.memory_space<hbm>>
          %dma_start3A_179 = tpu.memref_squeeze %dma_start3A_178 : memref<1x2x128xi32, #tpu.memory_space<hbm>> -> memref<2x128xi32, #tpu.memory_space<hbm>>
          tpu.enqueue_dma source(%dma_start3A_179 : memref<2x128xi32, #tpu.memory_space<hbm>>) target(%dma_start3A_175 : memref<2x128xi32, #tpu.memory_space<vmem>>) target_semaphore(%run_scoped3A_163 : memref<!tpu.dma_semaphore, #tpu.memory_space<semaphore_mem>>)
          %dma_wait3A_180 = arith.constant 0 : i32
          %dma_wait3A_181 = arith.constant 0 : i32
          %dma_wait3A_182 = tpu.memref_slice %arg8[%run_scoped3A_154, %dma_wait3A_180, %dma_wait3A_181] : memref<2x2x128xi32, #tpu.memory_space<vmem>> -> memref<1x2x128xi32, #tpu.memory_space<vmem>>
          %dma_wait3A_183 = tpu.memref_squeeze %dma_wait3A_182 : memref<1x2x128xi32, #tpu.memory_space<vmem>> -> memref<2x128xi32, #tpu.memory_space<vmem>>
          %dma_wait3A_184 = arith.constant 0 : i32
          %dma_wait3A_185 = arith.constant 0 : i32
          %dma_wait3A_186 = tpu.memref_slice %arg4[%add3A_153, %dma_wait3A_184, %dma_wait3A_185] : memref<2560x2x128xi32, #tpu.memory_space<hbm>> -> memref<1x2x128xi32, #tpu.memory_space<hbm>>
          %dma_wait3A_187 = tpu.memref_squeeze %dma_wait3A_186 : memref<1x2x128xi32, #tpu.memory_space<hbm>> -> memref<2x128xi32, #tpu.memory_space<hbm>>
          %dma_wait3A_188 = arith.constant 0 : i32
          %dma_wait3A_189 = arith.constant 0 : i32
          %dma_wait3A_190 = tpu.memref_slice %arg8[%run_scoped3A_154, %dma_wait3A_188, %dma_wait3A_189] : memref<2x2x128xi32, #tpu.memory_space<vmem>> -> memref<1x2x128xi32, #tpu.memory_space<vmem>>
          %dma_wait3A_191 = tpu.memref_squeeze %dma_wait3A_190 : memref<1x2x128xi32, #tpu.memory_space<vmem>> -> memref<2x128xi32, #tpu.memory_space<vmem>>
          %dma_wait3A_192 = arith.constant 0 : i32
          %dma_wait3A_193 = arith.constant 0 : i32
          %dma_wait3A_194 = tpu.memref_slice %arg4[%add3A_153, %dma_wait3A_192, %dma_wait3A_193] : memref<2560x2x128xi32, #tpu.memory_space<hbm>> -> memref<1x2x128xi32, #tpu.memory_space<hbm>>
          %dma_wait3A_195 = tpu.memref_squeeze %dma_wait3A_194 : memref<1x2x128xi32, #tpu.memory_space<hbm>> -> memref<2x128xi32, #tpu.memory_space<hbm>>
          tpu.wait_dma2 semaphore(%run_scoped3A_163 : memref<!tpu.dma_semaphore, #tpu.memory_space<semaphore_mem>>) src(%dma_wait3A_195 : memref<2x128xi32, #tpu.memory_space<hbm>>) dst(%dma_wait3A_191 : memref<2x128xi32, #tpu.memory_space<vmem>>)
          tpu.yield
        }) : () -> ()
        %dma_start3A_155 = arith.constant 1 : i32
        %dma_start3A_156 = arith.constant 0 : i32
        %dma_start3A_157 = arith.constant 0 : i32
        %dma_start3A_158 = tpu.memref_slice %arg8[%dma_start3A_155, %dma_start3A_156, %dma_start3A_157] : memref<2x2x128xi32, #tpu.memory_space<vmem>> -> memref<1x1x128xi32, #tpu.memory_space<vmem>>
        %dma_start3A_159 = tpu.memref_squeeze %dma_start3A_158 : memref<1x1x128xi32, #tpu.memory_space<vmem>> -> memref<128xi32, #tpu.memory_space<vmem>>
        %dma_start3A_160 = arith.constant 0 : i32
        %dma_start3A_161 = arith.constant 0 : i32
        %dma_start3A_162 = tpu.memref_slice %arg2[%dma_start3A_160, %dma_start3A_161] : memref<10240x128xf32, #tpu.memory_space<hbm>> -> memref<10240x128xf32, #tpu.memory_space<hbm>>
        tpu.enqueue_indirect_dma source(%dma_start3A_162 : memref<10240x128xf32, #tpu.memory_space<hbm>>) target(%arg10 : memref<128x128xf32, #tpu.memory_space<vmem>>) offsets(%dma_start3A_159 : memref<128xi32, #tpu.memory_space<vmem>>) semaphore(%arg12 : memref<!tpu.dma_semaphore, #tpu.memory_space<semaphore_mem>>)
      }
      %scan3A_38 = arith.constant 79 : i32
      %dma_wait3A = arith.constant 0 : i32
      %dma_wait3A_39 = arith.constant 0 : i32
      %dma_wait3A_40 = arith.constant 0 : i32
      %dma_wait3A_41 = tpu.memref_slice %arg8[%dma_wait3A, %dma_wait3A_39, %dma_wait3A_40] : memref<2x2x128xi32, #tpu.memory_space<vmem>> -> memref<1x1x128xi32, #tpu.memory_space<vmem>>
      %dma_wait3A_42 = tpu.memref_squeeze %dma_wait3A_41 : memref<1x1x128xi32, #tpu.memory_space<vmem>> -> memref<128xi32, #tpu.memory_space<vmem>>
      %dma_wait3A_43 = arith.constant 0 : i32
      %dma_wait3A_44 = arith.constant 0 : i32
      %dma_wait3A_45 = tpu.memref_slice %arg2[%dma_wait3A_43, %dma_wait3A_44] : memref<10240x128xf32, #tpu.memory_space<hbm>> -> memref<10240x128xf32, #tpu.memory_space<hbm>>
      tpu.wait_indirect_dma semaphore(%arg11 : memref<!tpu.dma_semaphore, #tpu.memory_space<semaphore_mem>>) src(%dma_wait3A_45 : memref<10240x128xf32, #tpu.memory_space<hbm>>) dst(%arg9 : memref<128x128xf32, #tpu.memory_space<vmem>>)
      %dma_start3A_46 = arith.constant 0 : i32
      %dma_start3A_47 = arith.constant 1 : i32
      %dma_start3A_48 = arith.constant 0 : i32
      %dma_start3A_49 = tpu.memref_slice %arg8[%dma_start3A_46, %dma_start3A_47, %dma_start3A_48] : memref<2x2x128xi32, #tpu.memory_space<vmem>> -> memref<1x1x128xi32, #tpu.memory_space<vmem>>
      %dma_start3A_50 = tpu.memref_squeeze %dma_start3A_49 : memref<1x1x128xi32, #tpu.memory_space<vmem>> -> memref<128xi32, #tpu.memory_space<vmem>>
      %dma_start3A_51 = arith.constant 0 : i32
      %dma_start3A_52 = arith.constant 0 : i32
      %dma_start3A_53 = tpu.memref_slice %arg7[%dma_start3A_51, %dma_start3A_52] : memref<10240x128xf32, #tpu.memory_space<vmem_shared>> -> memref<10240x128xf32, #tpu.memory_space<vmem_shared>>
      tpu.enqueue_indirect_dma source(%arg9 : memref<128x128xf32, #tpu.memory_space<vmem>>) target(%dma_start3A_53 : memref<10240x128xf32, #tpu.memory_space<vmem_shared>>) offsets(%dma_start3A_50 : memref<128xi32, #tpu.memory_space<vmem>>) semaphore(%arg13 : memref<!tpu.dma_semaphore, #tpu.memory_space<semaphore_mem>>) {add = true}
      %dma_wait3A_54 = arith.constant 1 : i32
      %dma_wait3A_55 = arith.constant 0 : i32
      %dma_wait3A_56 = arith.constant 0 : i32
      %dma_wait3A_57 = tpu.memref_slice %arg8[%dma_wait3A_54, %dma_wait3A_55, %dma_wait3A_56] : memref<2x2x128xi32, #tpu.memory_space<vmem>> -> memref<1x1x128xi32, #tpu.memory_space<vmem>>
      %dma_wait3A_58 = tpu.memref_squeeze %dma_wait3A_57 : memref<1x1x128xi32, #tpu.memory_space<vmem>> -> memref<128xi32, #tpu.memory_space<vmem>>
      %dma_wait3A_59 = arith.constant 0 : i32
      %dma_wait3A_60 = arith.constant 0 : i32
      %dma_wait3A_61 = tpu.memref_slice %arg2[%dma_wait3A_59, %dma_wait3A_60] : memref<10240x128xf32, #tpu.memory_space<hbm>> -> memref<10240x128xf32, #tpu.memory_space<hbm>>
      tpu.wait_indirect_dma semaphore(%arg12 : memref<!tpu.dma_semaphore, #tpu.memory_space<semaphore_mem>>) src(%dma_wait3A_61 : memref<10240x128xf32, #tpu.memory_space<hbm>>) dst(%arg10 : memref<128x128xf32, #tpu.memory_space<vmem>>)
      %dma_start3A_62 = arith.constant 1 : i32
      %dma_start3A_63 = arith.constant 1 : i32
      %dma_start3A_64 = arith.constant 0 : i32
      %dma_start3A_65 = tpu.memref_slice %arg8[%dma_start3A_62, %dma_start3A_63, %dma_start3A_64] : memref<2x2x128xi32, #tpu.memory_space<vmem>> -> memref<1x1x128xi32, #tpu.memory_space<vmem>>
      %dma_start3A_66 = tpu.memref_squeeze %dma_start3A_65 : memref<1x1x128xi32, #tpu.memory_space<vmem>> -> memref<128xi32, #tpu.memory_space<vmem>>
      %dma_start3A_67 = arith.constant 0 : i32
      %dma_start3A_68 = arith.constant 0 : i32
      %dma_start3A_69 = tpu.memref_slice %arg7[%dma_start3A_67, %dma_start3A_68] : memref<10240x128xf32, #tpu.memory_space<vmem_shared>> -> memref<10240x128xf32, #tpu.memory_space<vmem_shared>>
      tpu.enqueue_indirect_dma source(%arg10 : memref<128x128xf32, #tpu.memory_space<vmem>>) target(%dma_start3A_69 : memref<10240x128xf32, #tpu.memory_space<vmem_shared>>) offsets(%dma_start3A_66 : memref<128xi32, #tpu.memory_space<vmem>>) semaphore(%arg14 : memref<!tpu.dma_semaphore, #tpu.memory_space<semaphore_mem>>) {add = true}
      %dma_wait3A_70 = arith.constant 0 : i32
      %dma_wait3A_71 = arith.constant 1 : i32
      %dma_wait3A_72 = arith.constant 0 : i32
      %dma_wait3A_73 = tpu.memref_slice %arg8[%dma_wait3A_70, %dma_wait3A_71, %dma_wait3A_72] : memref<2x2x128xi32, #tpu.memory_space<vmem>> -> memref<1x1x128xi32, #tpu.memory_space<vmem>>
      %dma_wait3A_74 = tpu.memref_squeeze %dma_wait3A_73 : memref<1x1x128xi32, #tpu.memory_space<vmem>> -> memref<128xi32, #tpu.memory_space<vmem>>
      %dma_wait3A_75 = arith.constant 0 : i32
      %dma_wait3A_76 = arith.constant 0 : i32
      %dma_wait3A_77 = tpu.memref_slice %arg7[%dma_wait3A_75, %dma_wait3A_76] : memref<10240x128xf32, #tpu.memory_space<vmem_shared>> -> memref<10240x128xf32, #tpu.memory_space<vmem_shared>>
      tpu.wait_indirect_dma semaphore(%arg13 : memref<!tpu.dma_semaphore, #tpu.memory_space<semaphore_mem>>) src(%arg9 : memref<128x128xf32, #tpu.memory_space<vmem>>) dst(%dma_wait3A_77 : memref<10240x128xf32, #tpu.memory_space<vmem_shared>>)
      %dma_wait3A_78 = arith.constant 1 : i32
      %dma_wait3A_79 = arith.constant 1 : i32
      %dma_wait3A_80 = arith.constant 0 : i32
      %dma_wait3A_81 = tpu.memref_slice %arg8[%dma_wait3A_78, %dma_wait3A_79, %dma_wait3A_80] : memref<2x2x128xi32, #tpu.memory_space<vmem>> -> memref<1x1x128xi32, #tpu.memory_space<vmem>>
      %dma_wait3A_82 = tpu.memref_squeeze %dma_wait3A_81 : memref<1x1x128xi32, #tpu.memory_space<vmem>> -> memref<128xi32, #tpu.memory_space<vmem>>
      %dma_wait3A_83 = arith.constant 0 : i32
      %dma_wait3A_84 = arith.constant 0 : i32
      %dma_wait3A_85 = tpu.memref_slice %arg7[%dma_wait3A_83, %dma_wait3A_84] : memref<10240x128xf32, #tpu.memory_space<vmem_shared>> -> memref<10240x128xf32, #tpu.memory_space<vmem_shared>>
      tpu.wait_indirect_dma semaphore(%arg14 : memref<!tpu.dma_semaphore, #tpu.memory_space<semaphore_mem>>) src(%arg10 : memref<128x128xf32, #tpu.memory_space<vmem>>) dst(%dma_wait3A_85 : memref<10240x128xf32, #tpu.memory_space<vmem_shared>>)
    } else {
    }
    %eq3A_3 = arith.constant 1 : i32
    %eq3A_4 = arith.cmpi eq, %arg0, %eq3A_3 : i32
    %convert_element_type3A_5 = arith.extui %eq3A_4 : i1 to i32
    %cond3A_6 = arith.constant 0 : i32
    %cond3A_7 = arith.cmpi ne, %convert_element_type3A_5, %cond3A_6 : i32
    scf.if %cond3A_7 {
      %mul3A_13 = arith.constant 160 : i32
      %mul3A_14 = arith.muli %arg1, %mul3A_13 : i32
      %add3A = arith.constant 0 : i32
      %add3A_15 = arith.addi %mul3A_14, %add3A : i32
      %run_scoped3A = arith.constant 0 : i32
      "tpu.region"() ({
        %run_scoped3A_86 = tpu.sem_alloc : memref<!tpu.dma_semaphore, #tpu.memory_space<semaphore_mem>>
        %dma_start3A_87 = arith.constant 0 : i32
        %dma_start3A_88 = arith.constant 0 : i32
        %dma_start3A_89 = tpu.memref_slice %arg8[%run_scoped3A, %dma_start3A_87, %dma_start3A_88] : memref<2x2x128xi32, #tpu.memory_space<vmem>> -> memref<1x2x128xi32, #tpu.memory_space<vmem>>
        %dma_start3A_90 = tpu.memref_squeeze %dma_start3A_89 : memref<1x2x128xi32, #tpu.memory_space<vmem>> -> memref<2x128xi32, #tpu.memory_space<vmem>>
        %dma_start3A_91 = arith.constant 0 : i32
        %dma_start3A_92 = arith.constant 0 : i32
        %dma_start3A_93 = tpu.memref_slice %arg4[%add3A_15, %dma_start3A_91, %dma_start3A_92] : memref<2560x2x128xi32, #tpu.memory_space<hbm>> -> memref<1x2x128xi32, #tpu.memory_space<hbm>>
        %dma_start3A_94 = tpu.memref_squeeze %dma_start3A_93 : memref<1x2x128xi32, #tpu.memory_space<hbm>> -> memref<2x128xi32, #tpu.memory_space<hbm>>
        %dma_start3A_95 = arith.constant 0 : i32
        %dma_start3A_96 = arith.constant 0 : i32
        %dma_start3A_97 = tpu.memref_slice %arg8[%run_scoped3A, %dma_start3A_95, %dma_start3A_96] : memref<2x2x128xi32, #tpu.memory_space<vmem>> -> memref<1x2x128xi32, #tpu.memory_space<vmem>>
        %dma_start3A_98 = tpu.memref_squeeze %dma_start3A_97 : memref<1x2x128xi32, #tpu.memory_space<vmem>> -> memref<2x128xi32, #tpu.memory_space<vmem>>
        %dma_start3A_99 = arith.constant 0 : i32
        %dma_start3A_100 = arith.constant 0 : i32
        %dma_start3A_101 = tpu.memref_slice %arg4[%add3A_15, %dma_start3A_99, %dma_start3A_100] : memref<2560x2x128xi32, #tpu.memory_space<hbm>> -> memref<1x2x128xi32, #tpu.memory_space<hbm>>
        %dma_start3A_102 = tpu.memref_squeeze %dma_start3A_101 : memref<1x2x128xi32, #tpu.memory_space<hbm>> -> memref<2x128xi32, #tpu.memory_space<hbm>>
        tpu.enqueue_dma source(%dma_start3A_102 : memref<2x128xi32, #tpu.memory_space<hbm>>) target(%dma_start3A_98 : memref<2x128xi32, #tpu.memory_space<vmem>>) target_semaphore(%run_scoped3A_86 : memref<!tpu.dma_semaphore, #tpu.memory_space<semaphore_mem>>)
        %dma_wait3A_103 = arith.constant 0 : i32
        %dma_wait3A_104 = arith.constant 0 : i32
        %dma_wait3A_105 = tpu.memref_slice %arg8[%run_scoped3A, %dma_wait3A_103, %dma_wait3A_104] : memref<2x2x128xi32, #tpu.memory_space<vmem>> -> memref<1x2x128xi32, #tpu.memory_space<vmem>>
        %dma_wait3A_106 = tpu.memref_squeeze %dma_wait3A_105 : memref<1x2x128xi32, #tpu.memory_space<vmem>> -> memref<2x128xi32, #tpu.memory_space<vmem>>
        %dma_wait3A_107 = arith.constant 0 : i32
        %dma_wait3A_108 = arith.constant 0 : i32
        %dma_wait3A_109 = tpu.memref_slice %arg4[%add3A_15, %dma_wait3A_107, %dma_wait3A_108] : memref<2560x2x128xi32, #tpu.memory_space<hbm>> -> memref<1x2x128xi32, #tpu.memory_space<hbm>>
        %dma_wait3A_110 = tpu.memref_squeeze %dma_wait3A_109 : memref<1x2x128xi32, #tpu.memory_space<hbm>> -> memref<2x128xi32, #tpu.memory_space<hbm>>
        %dma_wait3A_111 = arith.constant 0 : i32
        %dma_wait3A_112 = arith.constant 0 : i32
        %dma_wait3A_113 = tpu.memref_slice %arg8[%run_scoped3A, %dma_wait3A_111, %dma_wait3A_112] : memref<2x2x128xi32, #tpu.memory_space<vmem>> -> memref<1x2x128xi32, #tpu.memory_space<vmem>>
        %dma_wait3A_114 = tpu.memref_squeeze %dma_wait3A_113 : memref<1x2x128xi32, #tpu.memory_space<vmem>> -> memref<2x128xi32, #tpu.memory_space<vmem>>
        %dma_wait3A_115 = arith.constant 0 : i32
        %dma_wait3A_116 = arith.constant 0 : i32
        %dma_wait3A_117 = tpu.memref_slice %arg4[%add3A_15, %dma_wait3A_115, %dma_wait3A_116] : memref<2560x2x128xi32, #tpu.memory_space<hbm>> -> memref<1x2x128xi32, #tpu.memory_space<hbm>>
        %dma_wait3A_118 = tpu.memref_squeeze %dma_wait3A_117 : memref<1x2x128xi32, #tpu.memory_space<hbm>> -> memref<2x128xi32, #tpu.memory_space<hbm>>
        tpu.wait_dma2 semaphore(%run_scoped3A_86 : memref<!tpu.dma_semaphore, #tpu.memory_space<semaphore_mem>>) src(%dma_wait3A_118 : memref<2x128xi32, #tpu.memory_space<hbm>>) dst(%dma_wait3A_114 : memref<2x128xi32, #tpu.memory_space<vmem>>)
        tpu.yield
      }) : () -> ()
      %dma_start3A = arith.constant 0 : i32
      %dma_start3A_16 = arith.constant 0 : i32
      %dma_start3A_17 = arith.constant 0 : i32
      %dma_start3A_18 = tpu.memref_slice %arg8[%dma_start3A, %dma_start3A_16, %dma_start3A_17] : memref<2x2x128xi32, #tpu.memory_space<vmem>> -> memref<1x1x128xi32, #tpu.memory_space<vmem>>
      %dma_start3A_19 = tpu.memref_squeeze %dma_start3A_18 : memref<1x1x128xi32, #tpu.memory_space<vmem>> -> memref<128xi32, #tpu.memory_space<vmem>>
      %dma_start3A_20 = arith.constant 0 : i32
      %dma_start3A_21 = arith.constant 0 : i32
      %dma_start3A_22 = tpu.memref_slice %arg3[%dma_start3A_20, %dma_start3A_21] : memref<10240x128xf32, #tpu.memory_space<hbm>> -> memref<10240x128xf32, #tpu.memory_space<hbm>>
      tpu.enqueue_indirect_dma source(%dma_start3A_22 : memref<10240x128xf32, #tpu.memory_space<hbm>>) target(%arg9 : memref<128x128xf32, #tpu.memory_space<vmem>>) offsets(%dma_start3A_19 : memref<128xi32, #tpu.memory_space<vmem>>) semaphore(%arg11 : memref<!tpu.dma_semaphore, #tpu.memory_space<semaphore_mem>>)
      %add3A_23 = arith.constant 1 : i32
      %add3A_24 = arith.addi %mul3A_14, %add3A_23 : i32
      %run_scoped3A_25 = arith.constant 1 : i32
      "tpu.region"() ({
        %run_scoped3A_86 = tpu.sem_alloc : memref<!tpu.dma_semaphore, #tpu.memory_space<semaphore_mem>>
        %dma_start3A_87 = arith.constant 0 : i32
        %dma_start3A_88 = arith.constant 0 : i32
        %dma_start3A_89 = tpu.memref_slice %arg8[%run_scoped3A_25, %dma_start3A_87, %dma_start3A_88] : memref<2x2x128xi32, #tpu.memory_space<vmem>> -> memref<1x2x128xi32, #tpu.memory_space<vmem>>
        %dma_start3A_90 = tpu.memref_squeeze %dma_start3A_89 : memref<1x2x128xi32, #tpu.memory_space<vmem>> -> memref<2x128xi32, #tpu.memory_space<vmem>>
        %dma_start3A_91 = arith.constant 0 : i32
        %dma_start3A_92 = arith.constant 0 : i32
        %dma_start3A_93 = tpu.memref_slice %arg4[%add3A_24, %dma_start3A_91, %dma_start3A_92] : memref<2560x2x128xi32, #tpu.memory_space<hbm>> -> memref<1x2x128xi32, #tpu.memory_space<hbm>>
        %dma_start3A_94 = tpu.memref_squeeze %dma_start3A_93 : memref<1x2x128xi32, #tpu.memory_space<hbm>> -> memref<2x128xi32, #tpu.memory_space<hbm>>
        %dma_start3A_95 = arith.constant 0 : i32
        %dma_start3A_96 = arith.constant 0 : i32
        %dma_start3A_97 = tpu.memref_slice %arg8[%run_scoped3A_25, %dma_start3A_95, %dma_start3A_96] : memref<2x2x128xi32, #tpu.memory_space<vmem>> -> memref<1x2x128xi32, #tpu.memory_space<vmem>>
        %dma_start3A_98 = tpu.memref_squeeze %dma_start3A_97 : memref<1x2x128xi32, #tpu.memory_space<vmem>> -> memref<2x128xi32, #tpu.memory_space<vmem>>
        %dma_start3A_99 = arith.constant 0 : i32
        %dma_start3A_100 = arith.constant 0 : i32
        %dma_start3A_101 = tpu.memref_slice %arg4[%add3A_24, %dma_start3A_99, %dma_start3A_100] : memref<2560x2x128xi32, #tpu.memory_space<hbm>> -> memref<1x2x128xi32, #tpu.memory_space<hbm>>
        %dma_start3A_102 = tpu.memref_squeeze %dma_start3A_101 : memref<1x2x128xi32, #tpu.memory_space<hbm>> -> memref<2x128xi32, #tpu.memory_space<hbm>>
        tpu.enqueue_dma source(%dma_start3A_102 : memref<2x128xi32, #tpu.memory_space<hbm>>) target(%dma_start3A_98 : memref<2x128xi32, #tpu.memory_space<vmem>>) target_semaphore(%run_scoped3A_86 : memref<!tpu.dma_semaphore, #tpu.memory_space<semaphore_mem>>)
        %dma_wait3A_103 = arith.constant 0 : i32
        %dma_wait3A_104 = arith.constant 0 : i32
        %dma_wait3A_105 = tpu.memref_slice %arg8[%run_scoped3A_25, %dma_wait3A_103, %dma_wait3A_104] : memref<2x2x128xi32, #tpu.memory_space<vmem>> -> memref<1x2x128xi32, #tpu.memory_space<vmem>>
        %dma_wait3A_106 = tpu.memref_squeeze %dma_wait3A_105 : memref<1x2x128xi32, #tpu.memory_space<vmem>> -> memref<2x128xi32, #tpu.memory_space<vmem>>
        %dma_wait3A_107 = arith.constant 0 : i32
        %dma_wait3A_108 = arith.constant 0 : i32
        %dma_wait3A_109 = tpu.memref_slice %arg4[%add3A_24, %dma_wait3A_107, %dma_wait3A_108] : memref<2560x2x128xi32, #tpu.memory_space<hbm>> -> memref<1x2x128xi32, #tpu.memory_space<hbm>>
        %dma_wait3A_110 = tpu.memref_squeeze %dma_wait3A_109 : memref<1x2x128xi32, #tpu.memory_space<hbm>> -> memref<2x128xi32, #tpu.memory_space<hbm>>
        %dma_wait3A_111 = arith.constant 0 : i32
        %dma_wait3A_112 = arith.constant 0 : i32
        %dma_wait3A_113 = tpu.memref_slice %arg8[%run_scoped3A_25, %dma_wait3A_111, %dma_wait3A_112] : memref<2x2x128xi32, #tpu.memory_space<vmem>> -> memref<1x2x128xi32, #tpu.memory_space<vmem>>
        %dma_wait3A_114 = tpu.memref_squeeze %dma_wait3A_113 : memref<1x2x128xi32, #tpu.memory_space<vmem>> -> memref<2x128xi32, #tpu.memory_space<vmem>>
        %dma_wait3A_115 = arith.constant 0 : i32
        %dma_wait3A_116 = arith.constant 0 : i32
        %dma_wait3A_117 = tpu.memref_slice %arg4[%add3A_24, %dma_wait3A_115, %dma_wait3A_116] : memref<2560x2x128xi32, #tpu.memory_space<hbm>> -> memref<1x2x128xi32, #tpu.memory_space<hbm>>
        %dma_wait3A_118 = tpu.memref_squeeze %dma_wait3A_117 : memref<1x2x128xi32, #tpu.memory_space<hbm>> -> memref<2x128xi32, #tpu.memory_space<hbm>>
        tpu.wait_dma2 semaphore(%run_scoped3A_86 : memref<!tpu.dma_semaphore, #tpu.memory_space<semaphore_mem>>) src(%dma_wait3A_118 : memref<2x128xi32, #tpu.memory_space<hbm>>) dst(%dma_wait3A_114 : memref<2x128xi32, #tpu.memory_space<vmem>>)
        tpu.yield
      }) : () -> ()
      %dma_start3A_26 = arith.constant 1 : i32
      %dma_start3A_27 = arith.constant 0 : i32
      %dma_start3A_28 = arith.constant 0 : i32
      %dma_start3A_29 = tpu.memref_slice %arg8[%dma_start3A_26, %dma_start3A_27, %dma_start3A_28] : memref<2x2x128xi32, #tpu.memory_space<vmem>> -> memref<1x1x128xi32, #tpu.memory_space<vmem>>
      %dma_start3A_30 = tpu.memref_squeeze %dma_start3A_29 : memref<1x1x128xi32, #tpu.memory_space<vmem>> -> memref<128xi32, #tpu.memory_space<vmem>>
      %dma_start3A_31 = arith.constant 0 : i32
      %dma_start3A_32 = arith.constant 0 : i32
      %dma_start3A_33 = tpu.memref_slice %arg3[%dma_start3A_31, %dma_start3A_32] : memref<10240x128xf32, #tpu.memory_space<hbm>> -> memref<10240x128xf32, #tpu.memory_space<hbm>>
      tpu.enqueue_indirect_dma source(%dma_start3A_33 : memref<10240x128xf32, #tpu.memory_space<hbm>>) target(%arg10 : memref<128x128xf32, #tpu.memory_space<vmem>>) offsets(%dma_start3A_30 : memref<128xi32, #tpu.memory_space<vmem>>) semaphore(%arg12 : memref<!tpu.dma_semaphore, #tpu.memory_space<semaphore_mem>>)
      %scan3A = arith.constant 0 : i32
      %scan3A_34 = arith.constant 0 : i32
      %scan3A_35 = arith.constant 79 : i32
      %scan3A_36 = arith.addi %scan3A_34, %scan3A_35 : i32
      %scan3A_37 = arith.constant 1 : i32
      scf.for %scan3A_86 = %scan3A_34 to %scan3A_36 step %scan3A_37  : i32 {
        %mul3A_87 = arith.constant 2 : i32
        %mul3A_88 = arith.muli %mul3A_87, %scan3A_86 : i32
        %dma_wait3A_89 = arith.constant 0 : i32
        %dma_wait3A_90 = arith.constant 0 : i32
        %dma_wait3A_91 = arith.constant 0 : i32
        %dma_wait3A_92 = tpu.memref_slice %arg8[%dma_wait3A_89, %dma_wait3A_90, %dma_wait3A_91] : memref<2x2x128xi32, #tpu.memory_space<vmem>> -> memref<1x1x128xi32, #tpu.memory_space<vmem>>
        %dma_wait3A_93 = tpu.memref_squeeze %dma_wait3A_92 : memref<1x1x128xi32, #tpu.memory_space<vmem>> -> memref<128xi32, #tpu.memory_space<vmem>>
        %dma_wait3A_94 = arith.constant 0 : i32
        %dma_wait3A_95 = arith.constant 0 : i32
        %dma_wait3A_96 = tpu.memref_slice %arg3[%dma_wait3A_94, %dma_wait3A_95] : memref<10240x128xf32, #tpu.memory_space<hbm>> -> memref<10240x128xf32, #tpu.memory_space<hbm>>
        tpu.wait_indirect_dma semaphore(%arg11 : memref<!tpu.dma_semaphore, #tpu.memory_space<semaphore_mem>>) src(%dma_wait3A_96 : memref<10240x128xf32, #tpu.memory_space<hbm>>) dst(%arg9 : memref<128x128xf32, #tpu.memory_space<vmem>>)
        %dma_start3A_97 = arith.constant 0 : i32
        %dma_start3A_98 = arith.constant 1 : i32
        %dma_start3A_99 = arith.constant 0 : i32
        %dma_start3A_100 = tpu.memref_slice %arg8[%dma_start3A_97, %dma_start3A_98, %dma_start3A_99] : memref<2x2x128xi32, #tpu.memory_space<vmem>> -> memref<1x1x128xi32, #tpu.memory_space<vmem>>
        %dma_start3A_101 = tpu.memref_squeeze %dma_start3A_100 : memref<1x1x128xi32, #tpu.memory_space<vmem>> -> memref<128xi32, #tpu.memory_space<vmem>>
        %dma_start3A_102 = arith.constant 0 : i32
        %dma_start3A_103 = arith.constant 0 : i32
        %dma_start3A_104 = tpu.memref_slice %arg7[%dma_start3A_102, %dma_start3A_103] : memref<10240x128xf32, #tpu.memory_space<vmem_shared>> -> memref<10240x128xf32, #tpu.memory_space<vmem_shared>>
        tpu.enqueue_indirect_dma source(%arg9 : memref<128x128xf32, #tpu.memory_space<vmem>>) target(%dma_start3A_104 : memref<10240x128xf32, #tpu.memory_space<vmem_shared>>) offsets(%dma_start3A_101 : memref<128xi32, #tpu.memory_space<vmem>>) semaphore(%arg13 : memref<!tpu.dma_semaphore, #tpu.memory_space<semaphore_mem>>) {add = true}
        %add3A_105 = arith.constant 1 : i32
        %add3A_106 = arith.addi %mul3A_88, %add3A_105 : i32
        %dma_wait3A_107 = arith.constant 1 : i32
        %dma_wait3A_108 = arith.constant 0 : i32
        %dma_wait3A_109 = arith.constant 0 : i32
        %dma_wait3A_110 = tpu.memref_slice %arg8[%dma_wait3A_107, %dma_wait3A_108, %dma_wait3A_109] : memref<2x2x128xi32, #tpu.memory_space<vmem>> -> memref<1x1x128xi32, #tpu.memory_space<vmem>>
        %dma_wait3A_111 = tpu.memref_squeeze %dma_wait3A_110 : memref<1x1x128xi32, #tpu.memory_space<vmem>> -> memref<128xi32, #tpu.memory_space<vmem>>
        %dma_wait3A_112 = arith.constant 0 : i32
        %dma_wait3A_113 = arith.constant 0 : i32
        %dma_wait3A_114 = tpu.memref_slice %arg3[%dma_wait3A_112, %dma_wait3A_113] : memref<10240x128xf32, #tpu.memory_space<hbm>> -> memref<10240x128xf32, #tpu.memory_space<hbm>>
        tpu.wait_indirect_dma semaphore(%arg12 : memref<!tpu.dma_semaphore, #tpu.memory_space<semaphore_mem>>) src(%dma_wait3A_114 : memref<10240x128xf32, #tpu.memory_space<hbm>>) dst(%arg10 : memref<128x128xf32, #tpu.memory_space<vmem>>)
        %dma_start3A_115 = arith.constant 1 : i32
        %dma_start3A_116 = arith.constant 1 : i32
        %dma_start3A_117 = arith.constant 0 : i32
        %dma_start3A_118 = tpu.memref_slice %arg8[%dma_start3A_115, %dma_start3A_116, %dma_start3A_117] : memref<2x2x128xi32, #tpu.memory_space<vmem>> -> memref<1x1x128xi32, #tpu.memory_space<vmem>>
        %dma_start3A_119 = tpu.memref_squeeze %dma_start3A_118 : memref<1x1x128xi32, #tpu.memory_space<vmem>> -> memref<128xi32, #tpu.memory_space<vmem>>
        %dma_start3A_120 = arith.constant 0 : i32
        %dma_start3A_121 = arith.constant 0 : i32
        %dma_start3A_122 = tpu.memref_slice %arg7[%dma_start3A_120, %dma_start3A_121] : memref<10240x128xf32, #tpu.memory_space<vmem_shared>> -> memref<10240x128xf32, #tpu.memory_space<vmem_shared>>
        tpu.enqueue_indirect_dma source(%arg10 : memref<128x128xf32, #tpu.memory_space<vmem>>) target(%dma_start3A_122 : memref<10240x128xf32, #tpu.memory_space<vmem_shared>>) offsets(%dma_start3A_119 : memref<128xi32, #tpu.memory_space<vmem>>) semaphore(%arg14 : memref<!tpu.dma_semaphore, #tpu.memory_space<semaphore_mem>>) {add = true}
        %add3A_123 = arith.constant 2 : i32
        %add3A_124 = arith.addi %mul3A_88, %add3A_123 : i32
        %dma_wait3A_125 = arith.constant 0 : i32
        %dma_wait3A_126 = arith.constant 1 : i32
        %dma_wait3A_127 = arith.constant 0 : i32
        %dma_wait3A_128 = tpu.memref_slice %arg8[%dma_wait3A_125, %dma_wait3A_126, %dma_wait3A_127] : memref<2x2x128xi32, #tpu.memory_space<vmem>> -> memref<1x1x128xi32, #tpu.memory_space<vmem>>
        %dma_wait3A_129 = tpu.memref_squeeze %dma_wait3A_128 : memref<1x1x128xi32, #tpu.memory_space<vmem>> -> memref<128xi32, #tpu.memory_space<vmem>>
        %dma_wait3A_130 = arith.constant 0 : i32
        %dma_wait3A_131 = arith.constant 0 : i32
        %dma_wait3A_132 = tpu.memref_slice %arg7[%dma_wait3A_130, %dma_wait3A_131] : memref<10240x128xf32, #tpu.memory_space<vmem_shared>> -> memref<10240x128xf32, #tpu.memory_space<vmem_shared>>
        tpu.wait_indirect_dma semaphore(%arg13 : memref<!tpu.dma_semaphore, #tpu.memory_space<semaphore_mem>>) src(%arg9 : memref<128x128xf32, #tpu.memory_space<vmem>>) dst(%dma_wait3A_132 : memref<10240x128xf32, #tpu.memory_space<vmem_shared>>)
        %add3A_133 = arith.addi %mul3A_14, %add3A_124 : i32
        %run_scoped3A_134 = arith.constant 0 : i32
        "tpu.region"() ({
          %run_scoped3A_163 = tpu.sem_alloc : memref<!tpu.dma_semaphore, #tpu.memory_space<semaphore_mem>>
          %dma_start3A_164 = arith.constant 0 : i32
          %dma_start3A_165 = arith.constant 0 : i32
          %dma_start3A_166 = tpu.memref_slice %arg8[%run_scoped3A_134, %dma_start3A_164, %dma_start3A_165] : memref<2x2x128xi32, #tpu.memory_space<vmem>> -> memref<1x2x128xi32, #tpu.memory_space<vmem>>
          %dma_start3A_167 = tpu.memref_squeeze %dma_start3A_166 : memref<1x2x128xi32, #tpu.memory_space<vmem>> -> memref<2x128xi32, #tpu.memory_space<vmem>>
          %dma_start3A_168 = arith.constant 0 : i32
          %dma_start3A_169 = arith.constant 0 : i32
          %dma_start3A_170 = tpu.memref_slice %arg4[%add3A_133, %dma_start3A_168, %dma_start3A_169] : memref<2560x2x128xi32, #tpu.memory_space<hbm>> -> memref<1x2x128xi32, #tpu.memory_space<hbm>>
          %dma_start3A_171 = tpu.memref_squeeze %dma_start3A_170 : memref<1x2x128xi32, #tpu.memory_space<hbm>> -> memref<2x128xi32, #tpu.memory_space<hbm>>
          %dma_start3A_172 = arith.constant 0 : i32
          %dma_start3A_173 = arith.constant 0 : i32
          %dma_start3A_174 = tpu.memref_slice %arg8[%run_scoped3A_134, %dma_start3A_172, %dma_start3A_173] : memref<2x2x128xi32, #tpu.memory_space<vmem>> -> memref<1x2x128xi32, #tpu.memory_space<vmem>>
          %dma_start3A_175 = tpu.memref_squeeze %dma_start3A_174 : memref<1x2x128xi32, #tpu.memory_space<vmem>> -> memref<2x128xi32, #tpu.memory_space<vmem>>
          %dma_start3A_176 = arith.constant 0 : i32
          %dma_start3A_177 = arith.constant 0 : i32
          %dma_start3A_178 = tpu.memref_slice %arg4[%add3A_133, %dma_start3A_176, %dma_start3A_177] : memref<2560x2x128xi32, #tpu.memory_space<hbm>> -> memref<1x2x128xi32, #tpu.memory_space<hbm>>
          %dma_start3A_179 = tpu.memref_squeeze %dma_start3A_178 : memref<1x2x128xi32, #tpu.memory_space<hbm>> -> memref<2x128xi32, #tpu.memory_space<hbm>>
          tpu.enqueue_dma source(%dma_start3A_179 : memref<2x128xi32, #tpu.memory_space<hbm>>) target(%dma_start3A_175 : memref<2x128xi32, #tpu.memory_space<vmem>>) target_semaphore(%run_scoped3A_163 : memref<!tpu.dma_semaphore, #tpu.memory_space<semaphore_mem>>)
          %dma_wait3A_180 = arith.constant 0 : i32
          %dma_wait3A_181 = arith.constant 0 : i32
          %dma_wait3A_182 = tpu.memref_slice %arg8[%run_scoped3A_134, %dma_wait3A_180, %dma_wait3A_181] : memref<2x2x128xi32, #tpu.memory_space<vmem>> -> memref<1x2x128xi32, #tpu.memory_space<vmem>>
          %dma_wait3A_183 = tpu.memref_squeeze %dma_wait3A_182 : memref<1x2x128xi32, #tpu.memory_space<vmem>> -> memref<2x128xi32, #tpu.memory_space<vmem>>
          %dma_wait3A_184 = arith.constant 0 : i32
          %dma_wait3A_185 = arith.constant 0 : i32
          %dma_wait3A_186 = tpu.memref_slice %arg4[%add3A_133, %dma_wait3A_184, %dma_wait3A_185] : memref<2560x2x128xi32, #tpu.memory_space<hbm>> -> memref<1x2x128xi32, #tpu.memory_space<hbm>>
          %dma_wait3A_187 = tpu.memref_squeeze %dma_wait3A_186 : memref<1x2x128xi32, #tpu.memory_space<hbm>> -> memref<2x128xi32, #tpu.memory_space<hbm>>
          %dma_wait3A_188 = arith.constant 0 : i32
          %dma_wait3A_189 = arith.constant 0 : i32
          %dma_wait3A_190 = tpu.memref_slice %arg8[%run_scoped3A_134, %dma_wait3A_188, %dma_wait3A_189] : memref<2x2x128xi32, #tpu.memory_space<vmem>> -> memref<1x2x128xi32, #tpu.memory_space<vmem>>
          %dma_wait3A_191 = tpu.memref_squeeze %dma_wait3A_190 : memref<1x2x128xi32, #tpu.memory_space<vmem>> -> memref<2x128xi32, #tpu.memory_space<vmem>>
          %dma_wait3A_192 = arith.constant 0 : i32
          %dma_wait3A_193 = arith.constant 0 : i32
          %dma_wait3A_194 = tpu.memref_slice %arg4[%add3A_133, %dma_wait3A_192, %dma_wait3A_193] : memref<2560x2x128xi32, #tpu.memory_space<hbm>> -> memref<1x2x128xi32, #tpu.memory_space<hbm>>
          %dma_wait3A_195 = tpu.memref_squeeze %dma_wait3A_194 : memref<1x2x128xi32, #tpu.memory_space<hbm>> -> memref<2x128xi32, #tpu.memory_space<hbm>>
          tpu.wait_dma2 semaphore(%run_scoped3A_163 : memref<!tpu.dma_semaphore, #tpu.memory_space<semaphore_mem>>) src(%dma_wait3A_195 : memref<2x128xi32, #tpu.memory_space<hbm>>) dst(%dma_wait3A_191 : memref<2x128xi32, #tpu.memory_space<vmem>>)
          tpu.yield
        }) : () -> ()
        %dma_start3A_135 = arith.constant 0 : i32
        %dma_start3A_136 = arith.constant 0 : i32
        %dma_start3A_137 = arith.constant 0 : i32
        %dma_start3A_138 = tpu.memref_slice %arg8[%dma_start3A_135, %dma_start3A_136, %dma_start3A_137] : memref<2x2x128xi32, #tpu.memory_space<vmem>> -> memref<1x1x128xi32, #tpu.memory_space<vmem>>
        %dma_start3A_139 = tpu.memref_squeeze %dma_start3A_138 : memref<1x1x128xi32, #tpu.memory_space<vmem>> -> memref<128xi32, #tpu.memory_space<vmem>>
        %dma_start3A_140 = arith.constant 0 : i32
        %dma_start3A_141 = arith.constant 0 : i32
        %dma_start3A_142 = tpu.memref_slice %arg3[%dma_start3A_140, %dma_start3A_141] : memref<10240x128xf32, #tpu.memory_space<hbm>> -> memref<10240x128xf32, #tpu.memory_space<hbm>>
        tpu.enqueue_indirect_dma source(%dma_start3A_142 : memref<10240x128xf32, #tpu.memory_space<hbm>>) target(%arg9 : memref<128x128xf32, #tpu.memory_space<vmem>>) offsets(%dma_start3A_139 : memref<128xi32, #tpu.memory_space<vmem>>) semaphore(%arg11 : memref<!tpu.dma_semaphore, #tpu.memory_space<semaphore_mem>>)
        %add3A_143 = arith.constant 3 : i32
        %add3A_144 = arith.addi %mul3A_88, %add3A_143 : i32
        %dma_wait3A_145 = arith.constant 1 : i32
        %dma_wait3A_146 = arith.constant 1 : i32
        %dma_wait3A_147 = arith.constant 0 : i32
        %dma_wait3A_148 = tpu.memref_slice %arg8[%dma_wait3A_145, %dma_wait3A_146, %dma_wait3A_147] : memref<2x2x128xi32, #tpu.memory_space<vmem>> -> memref<1x1x128xi32, #tpu.memory_space<vmem>>
        %dma_wait3A_149 = tpu.memref_squeeze %dma_wait3A_148 : memref<1x1x128xi32, #tpu.memory_space<vmem>> -> memref<128xi32, #tpu.memory_space<vmem>>
        %dma_wait3A_150 = arith.constant 0 : i32
        %dma_wait3A_151 = arith.constant 0 : i32
        %dma_wait3A_152 = tpu.memref_slice %arg7[%dma_wait3A_150, %dma_wait3A_151] : memref<10240x128xf32, #tpu.memory_space<vmem_shared>> -> memref<10240x128xf32, #tpu.memory_space<vmem_shared>>
        tpu.wait_indirect_dma semaphore(%arg14 : memref<!tpu.dma_semaphore, #tpu.memory_space<semaphore_mem>>) src(%arg10 : memref<128x128xf32, #tpu.memory_space<vmem>>) dst(%dma_wait3A_152 : memref<10240x128xf32, #tpu.memory_space<vmem_shared>>)
        %add3A_153 = arith.addi %mul3A_14, %add3A_144 : i32
        %run_scoped3A_154 = arith.constant 1 : i32
        "tpu.region"() ({
          %run_scoped3A_163 = tpu.sem_alloc : memref<!tpu.dma_semaphore, #tpu.memory_space<semaphore_mem>>
          %dma_start3A_164 = arith.constant 0 : i32
          %dma_start3A_165 = arith.constant 0 : i32
          %dma_start3A_166 = tpu.memref_slice %arg8[%run_scoped3A_154, %dma_start3A_164, %dma_start3A_165] : memref<2x2x128xi32, #tpu.memory_space<vmem>> -> memref<1x2x128xi32, #tpu.memory_space<vmem>>
          %dma_start3A_167 = tpu.memref_squeeze %dma_start3A_166 : memref<1x2x128xi32, #tpu.memory_space<vmem>> -> memref<2x128xi32, #tpu.memory_space<vmem>>
          %dma_start3A_168 = arith.constant 0 : i32
          %dma_start3A_169 = arith.constant 0 : i32
          %dma_start3A_170 = tpu.memref_slice %arg4[%add3A_153, %dma_start3A_168, %dma_start3A_169] : memref<2560x2x128xi32, #tpu.memory_space<hbm>> -> memref<1x2x128xi32, #tpu.memory_space<hbm>>
          %dma_start3A_171 = tpu.memref_squeeze %dma_start3A_170 : memref<1x2x128xi32, #tpu.memory_space<hbm>> -> memref<2x128xi32, #tpu.memory_space<hbm>>
          %dma_start3A_172 = arith.constant 0 : i32
          %dma_start3A_173 = arith.constant 0 : i32
          %dma_start3A_174 = tpu.memref_slice %arg8[%run_scoped3A_154, %dma_start3A_172, %dma_start3A_173] : memref<2x2x128xi32, #tpu.memory_space<vmem>> -> memref<1x2x128xi32, #tpu.memory_space<vmem>>
          %dma_start3A_175 = tpu.memref_squeeze %dma_start3A_174 : memref<1x2x128xi32, #tpu.memory_space<vmem>> -> memref<2x128xi32, #tpu.memory_space<vmem>>
          %dma_start3A_176 = arith.constant 0 : i32
          %dma_start3A_177 = arith.constant 0 : i32
          %dma_start3A_178 = tpu.memref_slice %arg4[%add3A_153, %dma_start3A_176, %dma_start3A_177] : memref<2560x2x128xi32, #tpu.memory_space<hbm>> -> memref<1x2x128xi32, #tpu.memory_space<hbm>>
          %dma_start3A_179 = tpu.memref_squeeze %dma_start3A_178 : memref<1x2x128xi32, #tpu.memory_space<hbm>> -> memref<2x128xi32, #tpu.memory_space<hbm>>
          tpu.enqueue_dma source(%dma_start3A_179 : memref<2x128xi32, #tpu.memory_space<hbm>>) target(%dma_start3A_175 : memref<2x128xi32, #tpu.memory_space<vmem>>) target_semaphore(%run_scoped3A_163 : memref<!tpu.dma_semaphore, #tpu.memory_space<semaphore_mem>>)
          %dma_wait3A_180 = arith.constant 0 : i32
          %dma_wait3A_181 = arith.constant 0 : i32
          %dma_wait3A_182 = tpu.memref_slice %arg8[%run_scoped3A_154, %dma_wait3A_180, %dma_wait3A_181] : memref<2x2x128xi32, #tpu.memory_space<vmem>> -> memref<1x2x128xi32, #tpu.memory_space<vmem>>
          %dma_wait3A_183 = tpu.memref_squeeze %dma_wait3A_182 : memref<1x2x128xi32, #tpu.memory_space<vmem>> -> memref<2x128xi32, #tpu.memory_space<vmem>>
          %dma_wait3A_184 = arith.constant 0 : i32
          %dma_wait3A_185 = arith.constant 0 : i32
          %dma_wait3A_186 = tpu.memref_slice %arg4[%add3A_153, %dma_wait3A_184, %dma_wait3A_185] : memref<2560x2x128xi32, #tpu.memory_space<hbm>> -> memref<1x2x128xi32, #tpu.memory_space<hbm>>
          %dma_wait3A_187 = tpu.memref_squeeze %dma_wait3A_186 : memref<1x2x128xi32, #tpu.memory_space<hbm>> -> memref<2x128xi32, #tpu.memory_space<hbm>>
          %dma_wait3A_188 = arith.constant 0 : i32
          %dma_wait3A_189 = arith.constant 0 : i32
          %dma_wait3A_190 = tpu.memref_slice %arg8[%run_scoped3A_154, %dma_wait3A_188, %dma_wait3A_189] : memref<2x2x128xi32, #tpu.memory_space<vmem>> -> memref<1x2x128xi32, #tpu.memory_space<vmem>>
          %dma_wait3A_191 = tpu.memref_squeeze %dma_wait3A_190 : memref<1x2x128xi32, #tpu.memory_space<vmem>> -> memref<2x128xi32, #tpu.memory_space<vmem>>
          %dma_wait3A_192 = arith.constant 0 : i32
          %dma_wait3A_193 = arith.constant 0 : i32
          %dma_wait3A_194 = tpu.memref_slice %arg4[%add3A_153, %dma_wait3A_192, %dma_wait3A_193] : memref<2560x2x128xi32, #tpu.memory_space<hbm>> -> memref<1x2x128xi32, #tpu.memory_space<hbm>>
          %dma_wait3A_195 = tpu.memref_squeeze %dma_wait3A_194 : memref<1x2x128xi32, #tpu.memory_space<hbm>> -> memref<2x128xi32, #tpu.memory_space<hbm>>
          tpu.wait_dma2 semaphore(%run_scoped3A_163 : memref<!tpu.dma_semaphore, #tpu.memory_space<semaphore_mem>>) src(%dma_wait3A_195 : memref<2x128xi32, #tpu.memory_space<hbm>>) dst(%dma_wait3A_191 : memref<2x128xi32, #tpu.memory_space<vmem>>)
          tpu.yield
        }) : () -> ()
        %dma_start3A_155 = arith.constant 1 : i32
        %dma_start3A_156 = arith.constant 0 : i32
        %dma_start3A_157 = arith.constant 0 : i32
        %dma_start3A_158 = tpu.memref_slice %arg8[%dma_start3A_155, %dma_start3A_156, %dma_start3A_157] : memref<2x2x128xi32, #tpu.memory_space<vmem>> -> memref<1x1x128xi32, #tpu.memory_space<vmem>>
        %dma_start3A_159 = tpu.memref_squeeze %dma_start3A_158 : memref<1x1x128xi32, #tpu.memory_space<vmem>> -> memref<128xi32, #tpu.memory_space<vmem>>
        %dma_start3A_160 = arith.constant 0 : i32
        %dma_start3A_161 = arith.constant 0 : i32
        %dma_start3A_162 = tpu.memref_slice %arg3[%dma_start3A_160, %dma_start3A_161] : memref<10240x128xf32, #tpu.memory_space<hbm>> -> memref<10240x128xf32, #tpu.memory_space<hbm>>
        tpu.enqueue_indirect_dma source(%dma_start3A_162 : memref<10240x128xf32, #tpu.memory_space<hbm>>) target(%arg10 : memref<128x128xf32, #tpu.memory_space<vmem>>) offsets(%dma_start3A_159 : memref<128xi32, #tpu.memory_space<vmem>>) semaphore(%arg12 : memref<!tpu.dma_semaphore, #tpu.memory_space<semaphore_mem>>)
      }
      %scan3A_38 = arith.constant 79 : i32
      %dma_wait3A = arith.constant 0 : i32
      %dma_wait3A_39 = arith.constant 0 : i32
      %dma_wait3A_40 = arith.constant 0 : i32
      %dma_wait3A_41 = tpu.memref_slice %arg8[%dma_wait3A, %dma_wait3A_39, %dma_wait3A_40] : memref<2x2x128xi32, #tpu.memory_space<vmem>> -> memref<1x1x128xi32, #tpu.memory_space<vmem>>
      %dma_wait3A_42 = tpu.memref_squeeze %dma_wait3A_41 : memref<1x1x128xi32, #tpu.memory_space<vmem>> -> memref<128xi32, #tpu.memory_space<vmem>>
      %dma_wait3A_43 = arith.constant 0 : i32
      %dma_wait3A_44 = arith.constant 0 : i32
      %dma_wait3A_45 = tpu.memref_slice %arg3[%dma_wait3A_43, %dma_wait3A_44] : memref<10240x128xf32, #tpu.memory_space<hbm>> -> memref<10240x128xf32, #tpu.memory_space<hbm>>
      tpu.wait_indirect_dma semaphore(%arg11 : memref<!tpu.dma_semaphore, #tpu.memory_space<semaphore_mem>>) src(%dma_wait3A_45 : memref<10240x128xf32, #tpu.memory_space<hbm>>) dst(%arg9 : memref<128x128xf32, #tpu.memory_space<vmem>>)
      %dma_start3A_46 = arith.constant 0 : i32
      %dma_start3A_47 = arith.constant 1 : i32
      %dma_start3A_48 = arith.constant 0 : i32
      %dma_start3A_49 = tpu.memref_slice %arg8[%dma_start3A_46, %dma_start3A_47, %dma_start3A_48] : memref<2x2x128xi32, #tpu.memory_space<vmem>> -> memref<1x1x128xi32, #tpu.memory_space<vmem>>
      %dma_start3A_50 = tpu.memref_squeeze %dma_start3A_49 : memref<1x1x128xi32, #tpu.memory_space<vmem>> -> memref<128xi32, #tpu.memory_space<vmem>>
      %dma_start3A_51 = arith.constant 0 : i32
      %dma_start3A_52 = arith.constant 0 : i32
      %dma_start3A_53 = tpu.memref_slice %arg7[%dma_start3A_51, %dma_start3A_52] : memref<10240x128xf32, #tpu.memory_space<vmem_shared>> -> memref<10240x128xf32, #tpu.memory_space<vmem_shared>>
      tpu.enqueue_indirect_dma source(%arg9 : memref<128x128xf32, #tpu.memory_space<vmem>>) target(%dma_start3A_53 : memref<10240x128xf32, #tpu.memory_space<vmem_shared>>) offsets(%dma_start3A_50 : memref<128xi32, #tpu.memory_space<vmem>>) semaphore(%arg13 : memref<!tpu.dma_semaphore, #tpu.memory_space<semaphore_mem>>) {add = true}
      %dma_wait3A_54 = arith.constant 1 : i32
      %dma_wait3A_55 = arith.constant 0 : i32
      %dma_wait3A_56 = arith.constant 0 : i32
      %dma_wait3A_57 = tpu.memref_slice %arg8[%dma_wait3A_54, %dma_wait3A_55, %dma_wait3A_56] : memref<2x2x128xi32, #tpu.memory_space<vmem>> -> memref<1x1x128xi32, #tpu.memory_space<vmem>>
      %dma_wait3A_58 = tpu.memref_squeeze %dma_wait3A_57 : memref<1x1x128xi32, #tpu.memory_space<vmem>> -> memref<128xi32, #tpu.memory_space<vmem>>
      %dma_wait3A_59 = arith.constant 0 : i32
      %dma_wait3A_60 = arith.constant 0 : i32
      %dma_wait3A_61 = tpu.memref_slice %arg3[%dma_wait3A_59, %dma_wait3A_60] : memref<10240x128xf32, #tpu.memory_space<hbm>> -> memref<10240x128xf32, #tpu.memory_space<hbm>>
      tpu.wait_indirect_dma semaphore(%arg12 : memref<!tpu.dma_semaphore, #tpu.memory_space<semaphore_mem>>) src(%dma_wait3A_61 : memref<10240x128xf32, #tpu.memory_space<hbm>>) dst(%arg10 : memref<128x128xf32, #tpu.memory_space<vmem>>)
      %dma_start3A_62 = arith.constant 1 : i32
      %dma_start3A_63 = arith.constant 1 : i32
      %dma_start3A_64 = arith.constant 0 : i32
      %dma_start3A_65 = tpu.memref_slice %arg8[%dma_start3A_62, %dma_start3A_63, %dma_start3A_64] : memref<2x2x128xi32, #tpu.memory_space<vmem>> -> memref<1x1x128xi32, #tpu.memory_space<vmem>>
      %dma_start3A_66 = tpu.memref_squeeze %dma_start3A_65 : memref<1x1x128xi32, #tpu.memory_space<vmem>> -> memref<128xi32, #tpu.memory_space<vmem>>
      %dma_start3A_67 = arith.constant 0 : i32
      %dma_start3A_68 = arith.constant 0 : i32
      %dma_start3A_69 = tpu.memref_slice %arg7[%dma_start3A_67, %dma_start3A_68] : memref<10240x128xf32, #tpu.memory_space<vmem_shared>> -> memref<10240x128xf32, #tpu.memory_space<vmem_shared>>
      tpu.enqueue_indirect_dma source(%arg10 : memref<128x128xf32, #tpu.memory_space<vmem>>) target(%dma_start3A_69 : memref<10240x128xf32, #tpu.memory_space<vmem_shared>>) offsets(%dma_start3A_66 : memref<128xi32, #tpu.memory_space<vmem>>) semaphore(%arg14 : memref<!tpu.dma_semaphore, #tpu.memory_space<semaphore_mem>>) {add = true}
      %dma_wait3A_70 = arith.constant 0 : i32
      %dma_wait3A_71 = arith.constant 1 : i32
      %dma_wait3A_72 = arith.constant 0 : i32
      %dma_wait3A_73 = tpu.memref_slice %arg8[%dma_wait3A_70, %dma_wait3A_71, %dma_wait3A_72] : memref<2x2x128xi32, #tpu.memory_space<vmem>> -> memref<1x1x128xi32, #tpu.memory_space<vmem>>
      %dma_wait3A_74 = tpu.memref_squeeze %dma_wait3A_73 : memref<1x1x128xi32, #tpu.memory_space<vmem>> -> memref<128xi32, #tpu.memory_space<vmem>>
      %dma_wait3A_75 = arith.constant 0 : i32
      %dma_wait3A_76 = arith.constant 0 : i32
      %dma_wait3A_77 = tpu.memref_slice %arg7[%dma_wait3A_75, %dma_wait3A_76] : memref<10240x128xf32, #tpu.memory_space<vmem_shared>> -> memref<10240x128xf32, #tpu.memory_space<vmem_shared>>
      tpu.wait_indirect_dma semaphore(%arg13 : memref<!tpu.dma_semaphore, #tpu.memory_space<semaphore_mem>>) src(%arg9 : memref<128x128xf32, #tpu.memory_space<vmem>>) dst(%dma_wait3A_77 : memref<10240x128xf32, #tpu.memory_space<vmem_shared>>)
      %dma_wait3A_78 = arith.constant 1 : i32
      %dma_wait3A_79 = arith.constant 1 : i32
      %dma_wait3A_80 = arith.constant 0 : i32
      %dma_wait3A_81 = tpu.memref_slice %arg8[%dma_wait3A_78, %dma_wait3A_79, %dma_wait3A_80] : memref<2x2x128xi32, #tpu.memory_space<vmem>> -> memref<1x1x128xi32, #tpu.memory_space<vmem>>
      %dma_wait3A_82 = tpu.memref_squeeze %dma_wait3A_81 : memref<1x1x128xi32, #tpu.memory_space<vmem>> -> memref<128xi32, #tpu.memory_space<vmem>>
      %dma_wait3A_83 = arith.constant 0 : i32
      %dma_wait3A_84 = arith.constant 0 : i32
      %dma_wait3A_85 = tpu.memref_slice %arg7[%dma_wait3A_83, %dma_wait3A_84] : memref<10240x128xf32, #tpu.memory_space<vmem_shared>> -> memref<10240x128xf32, #tpu.memory_space<vmem_shared>>
      tpu.wait_indirect_dma semaphore(%arg14 : memref<!tpu.dma_semaphore, #tpu.memory_space<semaphore_mem>>) src(%arg10 : memref<128x128xf32, #tpu.memory_space<vmem>>) dst(%dma_wait3A_85 : memref<10240x128xf32, #tpu.memory_space<vmem_shared>>)
    } else {
    }
    %barrier3A_8 = arith.constant 0 : index
    tpu.barrier barrier_id(%barrier3A_8)
    %mul3A_9 = arith.constant 640 : i32
    %mul3A_10 = arith.muli %arg1, %mul3A_9 : i32
    %mul3A_11 = arith.constant 640 : i32
    %mul3A_12 = arith.muli %arg1, %mul3A_11 : i32
    "tpu.region"() ({
      %run_scoped3A = tpu.sem_alloc : memref<!tpu.dma_semaphore, #tpu.memory_space<semaphore_mem>>
      %dma_start3A = arith.constant 0 : i32
      %dma_start3A_13 = tpu.memref_slice %arg6[%arg0, %mul3A_12, %dma_start3A] : memref<2x10240x128xf32, #tpu.memory_space<hbm>> -> memref<1x640x128xf32, #tpu.memory_space<hbm>>
      %dma_start3A_14 = tpu.memref_squeeze %dma_start3A_13 : memref<1x640x128xf32, #tpu.memory_space<hbm>> -> memref<640x128xf32, #tpu.memory_space<hbm>>
      %dma_start3A_15 = arith.constant 0 : i32
      %dma_start3A_16 = tpu.memref_slice %arg7[%mul3A_10, %dma_start3A_15] : memref<10240x128xf32, #tpu.memory_space<vmem_shared>> -> memref<640x128xf32, #tpu.memory_space<vmem_shared>>
      tpu.enqueue_dma source(%dma_start3A_16 : memref<640x128xf32, #tpu.memory_space<vmem_shared>>) target(%dma_start3A_14 : memref<640x128xf32, #tpu.memory_space<hbm>>) target_semaphore(%run_scoped3A : memref<!tpu.dma_semaphore, #tpu.memory_space<semaphore_mem>>)
      %dma_wait3A = arith.constant 0 : i32
      %dma_wait3A_17 = tpu.memref_slice %arg6[%arg0, %mul3A_12, %dma_wait3A] : memref<2x10240x128xf32, #tpu.memory_space<hbm>> -> memref<1x640x128xf32, #tpu.memory_space<hbm>>
      %dma_wait3A_18 = tpu.memref_squeeze %dma_wait3A_17 : memref<1x640x128xf32, #tpu.memory_space<hbm>> -> memref<640x128xf32, #tpu.memory_space<hbm>>
      %dma_wait3A_19 = arith.constant 0 : i32
      %dma_wait3A_20 = tpu.memref_slice %arg7[%mul3A_10, %dma_wait3A_19] : memref<10240x128xf32, #tpu.memory_space<vmem_shared>> -> memref<640x128xf32, #tpu.memory_space<vmem_shared>>
      tpu.wait_dma2 semaphore(%run_scoped3A : memref<!tpu.dma_semaphore, #tpu.memory_space<semaphore_mem>>) src(%dma_wait3A_20 : memref<640x128xf32, #tpu.memory_space<vmem_shared>>) dst(%dma_wait3A_18 : memref<640x128xf32, #tpu.memory_space<hbm>>)
      tpu.yield
    }) : () -> ()
    return
  }
}

#map = affine_map<(d0, d1) -> (0, 0)>
#map1 = affine_map<(d0, d1) -> (0, 0, 0)>
#map2 = affine_map<(d0, d1) -> (0)>
module attributes {stable_mosaic.version = 14 : i64} {
  func.func @_sc_aggr(%arg0: i32, %arg1: i32, %arg2: memref<10240x128xf32, #tpu.memory_space<hbm>>, %arg3: memref<4096x2x80xi32, #tpu.memory_space<hbm>>, %arg4: memref<640x128xf32, #tpu.memory_space<hbm>>, %arg5: memref<10240xf32, #tpu.memory_space<hbm>>, %arg6: memref<2x10240x128xf32, #tpu.memory_space<hbm>>, %arg7: memref<32x10240xf32, #tpu.memory_space<hbm>>, %arg8: memref<32x10240xf32, #tpu.memory_space<hbm>>, %arg9: memref<10240x128xf32, #tpu.memory_space<vmem_shared>>, %arg10: memref<2x2x80xi32, #tpu.memory_space<vmem>>, %arg11: memref<80x128xf32, #tpu.memory_space<vmem>>, %arg12: memref<80x128xf32, #tpu.memory_space<vmem>>, %arg13: memref<10240xf32, #tpu.memory_space<vmem>>, %arg14: memref<10240xf32, #tpu.memory_space<vmem>>, %arg15: memref<!tpu.dma_semaphore, #tpu.memory_space<semaphore_mem>>, %arg16: memref<!tpu.dma_semaphore, #tpu.memory_space<semaphore_mem>>, %arg17: memref<!tpu.dma_semaphore, #tpu.memory_space<semaphore_mem>>, %arg18: memref<!tpu.dma_semaphore, #tpu.memory_space<semaphore_mem>>) attributes {dimension_semantics = [#tpu.dimension_semantics<core_parallel>, #tpu.dimension_semantics<subcore_parallel>], iteration_bounds = array<i64: 2, 16>, scalar_prefetch = 0 : i64, scratch_operands = 10 : i64, tpu.core_type = #tpu.core_type<sc_vector_subcore>, window_params = [{transform_indices = #map}, {transform_indices = #map1}, {transform_indices = #map}, {transform_indices = #map2}, {transform_indices = #map1}, {transform_indices = #map}, {transform_indices = #map}]} {
    %mul3A = arith.constant 16 : i32
    %mul3A_0 = arith.muli %arg0, %mul3A : i32
    %add3A = arith.addi %mul3A_0, %arg1 : i32
    %mul3A_1 = arith.constant 640 : i32
    %mul3A_2 = arith.muli %arg1, %mul3A_1 : i32
    "tpu.region"() ({
      %run_scoped3A_202 = tpu.sem_alloc : memref<!tpu.dma_semaphore, #tpu.memory_space<semaphore_mem>>
      %dma_start3A_203 = arith.constant 0 : i32
      %dma_start3A_204 = tpu.memref_slice %arg9[%mul3A_2, %dma_start3A_203] : memref<10240x128xf32, #tpu.memory_space<vmem_shared>> -> memref<640x128xf32, #tpu.memory_space<vmem_shared>>
      tpu.enqueue_dma source(%arg4 : memref<640x128xf32, #tpu.memory_space<hbm>>) target(%dma_start3A_204 : memref<640x128xf32, #tpu.memory_space<vmem_shared>>) target_semaphore(%run_scoped3A_202 : memref<!tpu.dma_semaphore, #tpu.memory_space<semaphore_mem>>)
      %dma_wait3A_205 = arith.constant 0 : i32
      %dma_wait3A_206 = tpu.memref_slice %arg9[%mul3A_2, %dma_wait3A_205] : memref<10240x128xf32, #tpu.memory_space<vmem_shared>> -> memref<640x128xf32, #tpu.memory_space<vmem_shared>>
      tpu.wait_dma2 semaphore(%run_scoped3A_202 : memref<!tpu.dma_semaphore, #tpu.memory_space<semaphore_mem>>) src(%arg4 : memref<640x128xf32, #tpu.memory_space<hbm>>) dst(%dma_wait3A_206 : memref<640x128xf32, #tpu.memory_space<vmem_shared>>)
      tpu.yield
    }) : () -> ()
    "tpu.region"() ({
      %run_scoped3A_202 = tpu.sem_alloc : memref<!tpu.dma_semaphore, #tpu.memory_space<semaphore_mem>>
      tpu.enqueue_dma source(%arg5 : memref<10240xf32, #tpu.memory_space<hbm>>) target(%arg13 : memref<10240xf32, #tpu.memory_space<vmem>>) target_semaphore(%run_scoped3A_202 : memref<!tpu.dma_semaphore, #tpu.memory_space<semaphore_mem>>)
      tpu.wait_dma2 semaphore(%run_scoped3A_202 : memref<!tpu.dma_semaphore, #tpu.memory_space<semaphore_mem>>) src(%arg5 : memref<10240xf32, #tpu.memory_space<hbm>>) dst(%arg13 : memref<10240xf32, #tpu.memory_space<vmem>>)
      tpu.yield
    }) : () -> ()
    "tpu.region"() ({
      %run_scoped3A_202 = tpu.sem_alloc : memref<!tpu.dma_semaphore, #tpu.memory_space<semaphore_mem>>
      tpu.enqueue_dma source(%arg5 : memref<10240xf32, #tpu.memory_space<hbm>>) target(%arg14 : memref<10240xf32, #tpu.memory_space<vmem>>) target_semaphore(%run_scoped3A_202 : memref<!tpu.dma_semaphore, #tpu.memory_space<semaphore_mem>>)
      tpu.wait_dma2 semaphore(%run_scoped3A_202 : memref<!tpu.dma_semaphore, #tpu.memory_space<semaphore_mem>>) src(%arg5 : memref<10240xf32, #tpu.memory_space<hbm>>) dst(%arg14 : memref<10240xf32, #tpu.memory_space<vmem>>)
      tpu.yield
    }) : () -> ()
    %barrier3A = arith.constant 0 : index
    tpu.barrier barrier_id(%barrier3A)
    %broadcast_in_dim3A = arith.constant 1.000000e+00 : f32
    %broadcast_in_dim3A_3 = vector.broadcast %broadcast_in_dim3A : f32 to vector<16xf32>
    %mul3A_4 = arith.constant 128 : i32
    %mul3A_5 = arith.muli %add3A, %mul3A_4 : i32
    %add3A_6 = arith.constant 0 : i32
    %add3A_7 = arith.addi %mul3A_5, %add3A_6 : i32
    %run_scoped3A = arith.constant 0 : i32
    "tpu.region"() ({
      %run_scoped3A_202 = tpu.sem_alloc : memref<!tpu.dma_semaphore, #tpu.memory_space<semaphore_mem>>
      %dma_start3A_203 = arith.constant 0 : i32
      %dma_start3A_204 = arith.constant 0 : i32
      %dma_start3A_205 = tpu.memref_slice %arg10[%run_scoped3A, %dma_start3A_203, %dma_start3A_204] : memref<2x2x80xi32, #tpu.memory_space<vmem>> -> memref<1x2x80xi32, #tpu.memory_space<vmem>>
      %dma_start3A_206 = tpu.memref_squeeze %dma_start3A_205 : memref<1x2x80xi32, #tpu.memory_space<vmem>> -> memref<2x80xi32, #tpu.memory_space<vmem>>
      %dma_start3A_207 = arith.constant 0 : i32
      %dma_start3A_208 = arith.constant 0 : i32
      %dma_start3A_209 = tpu.memref_slice %arg3[%add3A_7, %dma_start3A_207, %dma_start3A_208] : memref<4096x2x80xi32, #tpu.memory_space<hbm>> -> memref<1x2x80xi32, #tpu.memory_space<hbm>>
      %dma_start3A_210 = tpu.memref_squeeze %dma_start3A_209 : memref<1x2x80xi32, #tpu.memory_space<hbm>> -> memref<2x80xi32, #tpu.memory_space<hbm>>
      %dma_start3A_211 = arith.constant 0 : i32
      %dma_start3A_212 = arith.constant 0 : i32
      %dma_start3A_213 = tpu.memref_slice %arg10[%run_scoped3A, %dma_start3A_211, %dma_start3A_212] : memref<2x2x80xi32, #tpu.memory_space<vmem>> -> memref<1x2x80xi32, #tpu.memory_space<vmem>>
      %dma_start3A_214 = tpu.memref_squeeze %dma_start3A_213 : memref<1x2x80xi32, #tpu.memory_space<vmem>> -> memref<2x80xi32, #tpu.memory_space<vmem>>
      %dma_start3A_215 = arith.constant 0 : i32
      %dma_start3A_216 = arith.constant 0 : i32
      %dma_start3A_217 = tpu.memref_slice %arg3[%add3A_7, %dma_start3A_215, %dma_start3A_216] : memref<4096x2x80xi32, #tpu.memory_space<hbm>> -> memref<1x2x80xi32, #tpu.memory_space<hbm>>
      %dma_start3A_218 = tpu.memref_squeeze %dma_start3A_217 : memref<1x2x80xi32, #tpu.memory_space<hbm>> -> memref<2x80xi32, #tpu.memory_space<hbm>>
      tpu.enqueue_dma source(%dma_start3A_218 : memref<2x80xi32, #tpu.memory_space<hbm>>) target(%dma_start3A_214 : memref<2x80xi32, #tpu.memory_space<vmem>>) target_semaphore(%run_scoped3A_202 : memref<!tpu.dma_semaphore, #tpu.memory_space<semaphore_mem>>)
      %dma_wait3A_219 = arith.constant 0 : i32
      %dma_wait3A_220 = arith.constant 0 : i32
      %dma_wait3A_221 = tpu.memref_slice %arg10[%run_scoped3A, %dma_wait3A_219, %dma_wait3A_220] : memref<2x2x80xi32, #tpu.memory_space<vmem>> -> memref<1x2x80xi32, #tpu.memory_space<vmem>>
      %dma_wait3A_222 = tpu.memref_squeeze %dma_wait3A_221 : memref<1x2x80xi32, #tpu.memory_space<vmem>> -> memref<2x80xi32, #tpu.memory_space<vmem>>
      %dma_wait3A_223 = arith.constant 0 : i32
      %dma_wait3A_224 = arith.constant 0 : i32
      %dma_wait3A_225 = tpu.memref_slice %arg3[%add3A_7, %dma_wait3A_223, %dma_wait3A_224] : memref<4096x2x80xi32, #tpu.memory_space<hbm>> -> memref<1x2x80xi32, #tpu.memory_space<hbm>>
      %dma_wait3A_226 = tpu.memref_squeeze %dma_wait3A_225 : memref<1x2x80xi32, #tpu.memory_space<hbm>> -> memref<2x80xi32, #tpu.memory_space<hbm>>
      %dma_wait3A_227 = arith.constant 0 : i32
      %dma_wait3A_228 = arith.constant 0 : i32
      %dma_wait3A_229 = tpu.memref_slice %arg10[%run_scoped3A, %dma_wait3A_227, %dma_wait3A_228] : memref<2x2x80xi32, #tpu.memory_space<vmem>> -> memref<1x2x80xi32, #tpu.memory_space<vmem>>
      %dma_wait3A_230 = tpu.memref_squeeze %dma_wait3A_229 : memref<1x2x80xi32, #tpu.memory_space<vmem>> -> memref<2x80xi32, #tpu.memory_space<vmem>>
      %dma_wait3A_231 = arith.constant 0 : i32
      %dma_wait3A_232 = arith.constant 0 : i32
      %dma_wait3A_233 = tpu.memref_slice %arg3[%add3A_7, %dma_wait3A_231, %dma_wait3A_232] : memref<4096x2x80xi32, #tpu.memory_space<hbm>> -> memref<1x2x80xi32, #tpu.memory_space<hbm>>
      %dma_wait3A_234 = tpu.memref_squeeze %dma_wait3A_233 : memref<1x2x80xi32, #tpu.memory_space<hbm>> -> memref<2x80xi32, #tpu.memory_space<hbm>>
      tpu.wait_dma2 semaphore(%run_scoped3A_202 : memref<!tpu.dma_semaphore, #tpu.memory_space<semaphore_mem>>) src(%dma_wait3A_234 : memref<2x80xi32, #tpu.memory_space<hbm>>) dst(%dma_wait3A_230 : memref<2x80xi32, #tpu.memory_space<vmem>>)
      tpu.yield
    }) : () -> ()
    %dma_start3A = arith.constant 0 : i32
    %dma_start3A_8 = arith.constant 0 : i32
    %dma_start3A_9 = arith.constant 0 : i32
    %dma_start3A_10 = tpu.memref_slice %arg10[%dma_start3A, %dma_start3A_8, %dma_start3A_9] : memref<2x2x80xi32, #tpu.memory_space<vmem>> -> memref<1x1x80xi32, #tpu.memory_space<vmem>>
    %dma_start3A_11 = tpu.memref_squeeze %dma_start3A_10 : memref<1x1x80xi32, #tpu.memory_space<vmem>> -> memref<80xi32, #tpu.memory_space<vmem>>
    %dma_start3A_12 = arith.constant 0 : i32
    %dma_start3A_13 = arith.constant 0 : i32
    %dma_start3A_14 = tpu.memref_slice %arg2[%dma_start3A_12, %dma_start3A_13] : memref<10240x128xf32, #tpu.memory_space<hbm>> -> memref<10240x128xf32, #tpu.memory_space<hbm>>
    tpu.enqueue_indirect_dma source(%dma_start3A_14 : memref<10240x128xf32, #tpu.memory_space<hbm>>) target(%arg11 : memref<80x128xf32, #tpu.memory_space<vmem>>) offsets(%dma_start3A_11 : memref<80xi32, #tpu.memory_space<vmem>>) semaphore(%arg15 : memref<!tpu.dma_semaphore, #tpu.memory_space<semaphore_mem>>)
    %add3A_15 = arith.constant 1 : i32
    %add3A_16 = arith.addi %mul3A_5, %add3A_15 : i32
    %run_scoped3A_17 = arith.constant 1 : i32
    "tpu.region"() ({
      %run_scoped3A_202 = tpu.sem_alloc : memref<!tpu.dma_semaphore, #tpu.memory_space<semaphore_mem>>
      %dma_start3A_203 = arith.constant 0 : i32
      %dma_start3A_204 = arith.constant 0 : i32
      %dma_start3A_205 = tpu.memref_slice %arg10[%run_scoped3A_17, %dma_start3A_203, %dma_start3A_204] : memref<2x2x80xi32, #tpu.memory_space<vmem>> -> memref<1x2x80xi32, #tpu.memory_space<vmem>>
      %dma_start3A_206 = tpu.memref_squeeze %dma_start3A_205 : memref<1x2x80xi32, #tpu.memory_space<vmem>> -> memref<2x80xi32, #tpu.memory_space<vmem>>
      %dma_start3A_207 = arith.constant 0 : i32
      %dma_start3A_208 = arith.constant 0 : i32
      %dma_start3A_209 = tpu.memref_slice %arg3[%add3A_16, %dma_start3A_207, %dma_start3A_208] : memref<4096x2x80xi32, #tpu.memory_space<hbm>> -> memref<1x2x80xi32, #tpu.memory_space<hbm>>
      %dma_start3A_210 = tpu.memref_squeeze %dma_start3A_209 : memref<1x2x80xi32, #tpu.memory_space<hbm>> -> memref<2x80xi32, #tpu.memory_space<hbm>>
      %dma_start3A_211 = arith.constant 0 : i32
      %dma_start3A_212 = arith.constant 0 : i32
      %dma_start3A_213 = tpu.memref_slice %arg10[%run_scoped3A_17, %dma_start3A_211, %dma_start3A_212] : memref<2x2x80xi32, #tpu.memory_space<vmem>> -> memref<1x2x80xi32, #tpu.memory_space<vmem>>
      %dma_start3A_214 = tpu.memref_squeeze %dma_start3A_213 : memref<1x2x80xi32, #tpu.memory_space<vmem>> -> memref<2x80xi32, #tpu.memory_space<vmem>>
      %dma_start3A_215 = arith.constant 0 : i32
      %dma_start3A_216 = arith.constant 0 : i32
      %dma_start3A_217 = tpu.memref_slice %arg3[%add3A_16, %dma_start3A_215, %dma_start3A_216] : memref<4096x2x80xi32, #tpu.memory_space<hbm>> -> memref<1x2x80xi32, #tpu.memory_space<hbm>>
      %dma_start3A_218 = tpu.memref_squeeze %dma_start3A_217 : memref<1x2x80xi32, #tpu.memory_space<hbm>> -> memref<2x80xi32, #tpu.memory_space<hbm>>
      tpu.enqueue_dma source(%dma_start3A_218 : memref<2x80xi32, #tpu.memory_space<hbm>>) target(%dma_start3A_214 : memref<2x80xi32, #tpu.memory_space<vmem>>) target_semaphore(%run_scoped3A_202 : memref<!tpu.dma_semaphore, #tpu.memory_space<semaphore_mem>>)
      %dma_wait3A_219 = arith.constant 0 : i32
      %dma_wait3A_220 = arith.constant 0 : i32
      %dma_wait3A_221 = tpu.memref_slice %arg10[%run_scoped3A_17, %dma_wait3A_219, %dma_wait3A_220] : memref<2x2x80xi32, #tpu.memory_space<vmem>> -> memref<1x2x80xi32, #tpu.memory_space<vmem>>
      %dma_wait3A_222 = tpu.memref_squeeze %dma_wait3A_221 : memref<1x2x80xi32, #tpu.memory_space<vmem>> -> memref<2x80xi32, #tpu.memory_space<vmem>>
      %dma_wait3A_223 = arith.constant 0 : i32
      %dma_wait3A_224 = arith.constant 0 : i32
      %dma_wait3A_225 = tpu.memref_slice %arg3[%add3A_16, %dma_wait3A_223, %dma_wait3A_224] : memref<4096x2x80xi32, #tpu.memory_space<hbm>> -> memref<1x2x80xi32, #tpu.memory_space<hbm>>
      %dma_wait3A_226 = tpu.memref_squeeze %dma_wait3A_225 : memref<1x2x80xi32, #tpu.memory_space<hbm>> -> memref<2x80xi32, #tpu.memory_space<hbm>>
      %dma_wait3A_227 = arith.constant 0 : i32
      %dma_wait3A_228 = arith.constant 0 : i32
      %dma_wait3A_229 = tpu.memref_slice %arg10[%run_scoped3A_17, %dma_wait3A_227, %dma_wait3A_228] : memref<2x2x80xi32, #tpu.memory_space<vmem>> -> memref<1x2x80xi32, #tpu.memory_space<vmem>>
      %dma_wait3A_230 = tpu.memref_squeeze %dma_wait3A_229 : memref<1x2x80xi32, #tpu.memory_space<vmem>> -> memref<2x80xi32, #tpu.memory_space<vmem>>
      %dma_wait3A_231 = arith.constant 0 : i32
      %dma_wait3A_232 = arith.constant 0 : i32
      %dma_wait3A_233 = tpu.memref_slice %arg3[%add3A_16, %dma_wait3A_231, %dma_wait3A_232] : memref<4096x2x80xi32, #tpu.memory_space<hbm>> -> memref<1x2x80xi32, #tpu.memory_space<hbm>>
      %dma_wait3A_234 = tpu.memref_squeeze %dma_wait3A_233 : memref<1x2x80xi32, #tpu.memory_space<hbm>> -> memref<2x80xi32, #tpu.memory_space<hbm>>
      tpu.wait_dma2 semaphore(%run_scoped3A_202 : memref<!tpu.dma_semaphore, #tpu.memory_space<semaphore_mem>>) src(%dma_wait3A_234 : memref<2x80xi32, #tpu.memory_space<hbm>>) dst(%dma_wait3A_230 : memref<2x80xi32, #tpu.memory_space<vmem>>)
      tpu.yield
    }) : () -> ()
    %dma_start3A_18 = arith.constant 1 : i32
    %dma_start3A_19 = arith.constant 0 : i32
    %dma_start3A_20 = arith.constant 0 : i32
    %dma_start3A_21 = tpu.memref_slice %arg10[%dma_start3A_18, %dma_start3A_19, %dma_start3A_20] : memref<2x2x80xi32, #tpu.memory_space<vmem>> -> memref<1x1x80xi32, #tpu.memory_space<vmem>>
    %dma_start3A_22 = tpu.memref_squeeze %dma_start3A_21 : memref<1x1x80xi32, #tpu.memory_space<vmem>> -> memref<80xi32, #tpu.memory_space<vmem>>
    %dma_start3A_23 = arith.constant 0 : i32
    %dma_start3A_24 = arith.constant 0 : i32
    %dma_start3A_25 = tpu.memref_slice %arg2[%dma_start3A_23, %dma_start3A_24] : memref<10240x128xf32, #tpu.memory_space<hbm>> -> memref<10240x128xf32, #tpu.memory_space<hbm>>
    tpu.enqueue_indirect_dma source(%dma_start3A_25 : memref<10240x128xf32, #tpu.memory_space<hbm>>) target(%arg12 : memref<80x128xf32, #tpu.memory_space<vmem>>) offsets(%dma_start3A_22 : memref<80xi32, #tpu.memory_space<vmem>>) semaphore(%arg16 : memref<!tpu.dma_semaphore, #tpu.memory_space<semaphore_mem>>)
    %scan3A = arith.constant 0 : i32
    %scan3A_26 = arith.constant 0 : i32
    %scan3A_27 = arith.constant 63 : i32
    %scan3A_28 = arith.addi %scan3A_26, %scan3A_27 : i32
    %scan3A_29 = arith.constant 1 : i32
    scf.for %scan3A_202 = %scan3A_26 to %scan3A_28 step %scan3A_29  : i32 {
      %mul3A_203 = arith.constant 2 : i32
      %mul3A_204 = arith.muli %mul3A_203, %scan3A_202 : i32
      %get3A_205 = arith.constant 0 : i32
      %get3A_206 = arith.constant 0 : i32
      %get3A_207 = arith.index_cast %get3A_205 : i32 to index
      %get3A_208 = arith.index_cast %get3A_206 : i32 to index
      %get3A_209 = arith.constant 0 : index
      %get3A_210 = tpu.vector_load %arg10[%get3A_207, %get3A_208, %get3A_209] {strides = array<i32>} : memref<2x2x80xi32, #tpu.memory_space<vmem>>, vector<16xi32>,
      tpu.vector_store_idx %arg14[%get3A_210], %broadcast_in_dim3A_3 {add = true} : memref<10240xf32, #tpu.memory_space<vmem>>[vector<16xi32>], vector<16xf32>,
      %get3A_211 = arith.constant 0 : i32
      %get3A_212 = arith.constant 1 : i32
      %get3A_213 = arith.index_cast %get3A_211 : i32 to index
      %get3A_214 = arith.index_cast %get3A_212 : i32 to index
      %get3A_215 = arith.constant 0 : index
      %get3A_216 = tpu.vector_load %arg10[%get3A_213, %get3A_214, %get3A_215] {strides = array<i32>} : memref<2x2x80xi32, #tpu.memory_space<vmem>>, vector<16xi32>,
      tpu.vector_store_idx %arg13[%get3A_216], %broadcast_in_dim3A_3 {add = true} : memref<10240xf32, #tpu.memory_space<vmem>>[vector<16xi32>], vector<16xf32>,
      %get3A_217 = arith.constant 0 : i32
      %get3A_218 = arith.constant 0 : i32
      %get3A_219 = arith.index_cast %get3A_217 : i32 to index
      %get3A_220 = arith.index_cast %get3A_218 : i32 to index
      %get3A_221 = arith.constant 16 : index
      %get3A_222 = tpu.vector_load %arg10[%get3A_219, %get3A_220, %get3A_221] {strides = array<i32>} : memref<2x2x80xi32, #tpu.memory_space<vmem>>, vector<16xi32>,
      tpu.vector_store_idx %arg14[%get3A_222], %broadcast_in_dim3A_3 {add = true} : memref<10240xf32, #tpu.memory_space<vmem>>[vector<16xi32>], vector<16xf32>,
      %get3A_223 = arith.constant 0 : i32
      %get3A_224 = arith.constant 1 : i32
      %get3A_225 = arith.index_cast %get3A_223 : i32 to index
      %get3A_226 = arith.index_cast %get3A_224 : i32 to index
      %get3A_227 = arith.constant 16 : index
      %get3A_228 = tpu.vector_load %arg10[%get3A_225, %get3A_226, %get3A_227] {strides = array<i32>} : memref<2x2x80xi32, #tpu.memory_space<vmem>>, vector<16xi32>,
      tpu.vector_store_idx %arg13[%get3A_228], %broadcast_in_dim3A_3 {add = true} : memref<10240xf32, #tpu.memory_space<vmem>>[vector<16xi32>], vector<16xf32>,
      %get3A_229 = arith.constant 0 : i32
      %get3A_230 = arith.constant 0 : i32
      %get3A_231 = arith.index_cast %get3A_229 : i32 to index
      %get3A_232 = arith.index_cast %get3A_230 : i32 to index
      %get3A_233 = arith.constant 32 : index
      %get3A_234 = tpu.vector_load %arg10[%get3A_231, %get3A_232, %get3A_233] {strides = array<i32>} : memref<2x2x80xi32, #tpu.memory_space<vmem>>, vector<16xi32>,
      tpu.vector_store_idx %arg14[%get3A_234], %broadcast_in_dim3A_3 {add = true} : memref<10240xf32, #tpu.memory_space<vmem>>[vector<16xi32>], vector<16xf32>,
      %get3A_235 = arith.constant 0 : i32
      %get3A_236 = arith.constant 1 : i32
      %get3A_237 = arith.index_cast %get3A_235 : i32 to index
      %get3A_238 = arith.index_cast %get3A_236 : i32 to index
      %get3A_239 = arith.constant 32 : index
      %get3A_240 = tpu.vector_load %arg10[%get3A_237, %get3A_238, %get3A_239] {strides = array<i32>} : memref<2x2x80xi32, #tpu.memory_space<vmem>>, vector<16xi32>,
      tpu.vector_store_idx %arg13[%get3A_240], %broadcast_in_dim3A_3 {add = true} : memref<10240xf32, #tpu.memory_space<vmem>>[vector<16xi32>], vector<16xf32>,
      %get3A_241 = arith.constant 0 : i32
      %get3A_242 = arith.constant 0 : i32
      %get3A_243 = arith.index_cast %get3A_241 : i32 to index
      %get3A_244 = arith.index_cast %get3A_242 : i32 to index
      %get3A_245 = arith.constant 48 : index
      %get3A_246 = tpu.vector_load %arg10[%get3A_243, %get3A_244, %get3A_245] {strides = array<i32>} : memref<2x2x80xi32, #tpu.memory_space<vmem>>, vector<16xi32>,
      tpu.vector_store_idx %arg14[%get3A_246], %broadcast_in_dim3A_3 {add = true} : memref<10240xf32, #tpu.memory_space<vmem>>[vector<16xi32>], vector<16xf32>,
      %get3A_247 = arith.constant 0 : i32
      %get3A_248 = arith.constant 1 : i32
      %get3A_249 = arith.index_cast %get3A_247 : i32 to index
      %get3A_250 = arith.index_cast %get3A_248 : i32 to index
      %get3A_251 = arith.constant 48 : index
      %get3A_252 = tpu.vector_load %arg10[%get3A_249, %get3A_250, %get3A_251] {strides = array<i32>} : memref<2x2x80xi32, #tpu.memory_space<vmem>>, vector<16xi32>,
      tpu.vector_store_idx %arg13[%get3A_252], %broadcast_in_dim3A_3 {add = true} : memref<10240xf32, #tpu.memory_space<vmem>>[vector<16xi32>], vector<16xf32>,
      %get3A_253 = arith.constant 0 : i32
      %get3A_254 = arith.constant 0 : i32
      %get3A_255 = arith.index_cast %get3A_253 : i32 to index
      %get3A_256 = arith.index_cast %get3A_254 : i32 to index
      %get3A_257 = arith.constant 64 : index
      %get3A_258 = tpu.vector_load %arg10[%get3A_255, %get3A_256, %get3A_257] {strides = array<i32>} : memref<2x2x80xi32, #tpu.memory_space<vmem>>, vector<16xi32>,
      tpu.vector_store_idx %arg14[%get3A_258], %broadcast_in_dim3A_3 {add = true} : memref<10240xf32, #tpu.memory_space<vmem>>[vector<16xi32>], vector<16xf32>,
      %get3A_259 = arith.constant 0 : i32
      %get3A_260 = arith.constant 1 : i32
      %get3A_261 = arith.index_cast %get3A_259 : i32 to index
      %get3A_262 = arith.index_cast %get3A_260 : i32 to index
      %get3A_263 = arith.constant 64 : index
      %get3A_264 = tpu.vector_load %arg10[%get3A_261, %get3A_262, %get3A_263] {strides = array<i32>} : memref<2x2x80xi32, #tpu.memory_space<vmem>>, vector<16xi32>,
      tpu.vector_store_idx %arg13[%get3A_264], %broadcast_in_dim3A_3 {add = true} : memref<10240xf32, #tpu.memory_space<vmem>>[vector<16xi32>], vector<16xf32>,
      %dma_wait3A_265 = arith.constant 0 : i32
      %dma_wait3A_266 = arith.constant 0 : i32
      %dma_wait3A_267 = arith.constant 0 : i32
      %dma_wait3A_268 = tpu.memref_slice %arg10[%dma_wait3A_265, %dma_wait3A_266, %dma_wait3A_267] : memref<2x2x80xi32, #tpu.memory_space<vmem>> -> memref<1x1x80xi32, #tpu.memory_space<vmem>>
      %dma_wait3A_269 = tpu.memref_squeeze %dma_wait3A_268 : memref<1x1x80xi32, #tpu.memory_space<vmem>> -> memref<80xi32, #tpu.memory_space<vmem>>
      %dma_wait3A_270 = arith.constant 0 : i32
      %dma_wait3A_271 = arith.constant 0 : i32
      %dma_wait3A_272 = tpu.memref_slice %arg2[%dma_wait3A_270, %dma_wait3A_271] : memref<10240x128xf32, #tpu.memory_space<hbm>> -> memref<10240x128xf32, #tpu.memory_space<hbm>>
      tpu.wait_indirect_dma semaphore(%arg15 : memref<!tpu.dma_semaphore, #tpu.memory_space<semaphore_mem>>) src(%dma_wait3A_272 : memref<10240x128xf32, #tpu.memory_space<hbm>>) dst(%arg11 : memref<80x128xf32, #tpu.memory_space<vmem>>)
      %dma_start3A_273 = arith.constant 0 : i32
      %dma_start3A_274 = arith.constant 1 : i32
      %dma_start3A_275 = arith.constant 0 : i32
      %dma_start3A_276 = tpu.memref_slice %arg10[%dma_start3A_273, %dma_start3A_274, %dma_start3A_275] : memref<2x2x80xi32, #tpu.memory_space<vmem>> -> memref<1x1x80xi32, #tpu.memory_space<vmem>>
      %dma_start3A_277 = tpu.memref_squeeze %dma_start3A_276 : memref<1x1x80xi32, #tpu.memory_space<vmem>> -> memref<80xi32, #tpu.memory_space<vmem>>
      %dma_start3A_278 = arith.constant 0 : i32
      %dma_start3A_279 = arith.constant 0 : i32
      %dma_start3A_280 = tpu.memref_slice %arg9[%dma_start3A_278, %dma_start3A_279] : memref<10240x128xf32, #tpu.memory_space<vmem_shared>> -> memref<10240x128xf32, #tpu.memory_space<vmem_shared>>
      tpu.enqueue_indirect_dma source(%arg11 : memref<80x128xf32, #tpu.memory_space<vmem>>) target(%dma_start3A_280 : memref<10240x128xf32, #tpu.memory_space<vmem_shared>>) offsets(%dma_start3A_277 : memref<80xi32, #tpu.memory_space<vmem>>) semaphore(%arg17 : memref<!tpu.dma_semaphore, #tpu.memory_space<semaphore_mem>>) {add = true}
      %add3A_281 = arith.constant 1 : i32
      %add3A_282 = arith.addi %mul3A_204, %add3A_281 : i32
      %get3A_283 = arith.constant 1 : i32
      %get3A_284 = arith.constant 0 : i32
      %get3A_285 = arith.index_cast %get3A_283 : i32 to index
      %get3A_286 = arith.index_cast %get3A_284 : i32 to index
      %get3A_287 = arith.constant 0 : index
      %get3A_288 = tpu.vector_load %arg10[%get3A_285, %get3A_286, %get3A_287] {strides = array<i32>} : memref<2x2x80xi32, #tpu.memory_space<vmem>>, vector<16xi32>,
      tpu.vector_store_idx %arg14[%get3A_288], %broadcast_in_dim3A_3 {add = true} : memref<10240xf32, #tpu.memory_space<vmem>>[vector<16xi32>], vector<16xf32>,
      %get3A_289 = arith.constant 1 : i32
      %get3A_290 = arith.constant 1 : i32
      %get3A_291 = arith.index_cast %get3A_289 : i32 to index
      %get3A_292 = arith.index_cast %get3A_290 : i32 to index
      %get3A_293 = arith.constant 0 : index
      %get3A_294 = tpu.vector_load %arg10[%get3A_291, %get3A_292, %get3A_293] {strides = array<i32>} : memref<2x2x80xi32, #tpu.memory_space<vmem>>, vector<16xi32>,
      tpu.vector_store_idx %arg13[%get3A_294], %broadcast_in_dim3A_3 {add = true} : memref<10240xf32, #tpu.memory_space<vmem>>[vector<16xi32>], vector<16xf32>,
      %get3A_295 = arith.constant 1 : i32
      %get3A_296 = arith.constant 0 : i32
      %get3A_297 = arith.index_cast %get3A_295 : i32 to index
      %get3A_298 = arith.index_cast %get3A_296 : i32 to index
      %get3A_299 = arith.constant 16 : index
      %get3A_300 = tpu.vector_load %arg10[%get3A_297, %get3A_298, %get3A_299] {strides = array<i32>} : memref<2x2x80xi32, #tpu.memory_space<vmem>>, vector<16xi32>,
      tpu.vector_store_idx %arg14[%get3A_300], %broadcast_in_dim3A_3 {add = true} : memref<10240xf32, #tpu.memory_space<vmem>>[vector<16xi32>], vector<16xf32>,
      %get3A_301 = arith.constant 1 : i32
      %get3A_302 = arith.constant 1 : i32
      %get3A_303 = arith.index_cast %get3A_301 : i32 to index
      %get3A_304 = arith.index_cast %get3A_302 : i32 to index
      %get3A_305 = arith.constant 16 : index
      %get3A_306 = tpu.vector_load %arg10[%get3A_303, %get3A_304, %get3A_305] {strides = array<i32>} : memref<2x2x80xi32, #tpu.memory_space<vmem>>, vector<16xi32>,
      tpu.vector_store_idx %arg13[%get3A_306], %broadcast_in_dim3A_3 {add = true} : memref<10240xf32, #tpu.memory_space<vmem>>[vector<16xi32>], vector<16xf32>,
      %get3A_307 = arith.constant 1 : i32
      %get3A_308 = arith.constant 0 : i32
      %get3A_309 = arith.index_cast %get3A_307 : i32 to index
      %get3A_310 = arith.index_cast %get3A_308 : i32 to index
      %get3A_311 = arith.constant 32 : index
      %get3A_312 = tpu.vector_load %arg10[%get3A_309, %get3A_310, %get3A_311] {strides = array<i32>} : memref<2x2x80xi32, #tpu.memory_space<vmem>>, vector<16xi32>,
      tpu.vector_store_idx %arg14[%get3A_312], %broadcast_in_dim3A_3 {add = true} : memref<10240xf32, #tpu.memory_space<vmem>>[vector<16xi32>], vector<16xf32>,
      %get3A_313 = arith.constant 1 : i32
      %get3A_314 = arith.constant 1 : i32
      %get3A_315 = arith.index_cast %get3A_313 : i32 to index
      %get3A_316 = arith.index_cast %get3A_314 : i32 to index
      %get3A_317 = arith.constant 32 : index
      %get3A_318 = tpu.vector_load %arg10[%get3A_315, %get3A_316, %get3A_317] {strides = array<i32>} : memref<2x2x80xi32, #tpu.memory_space<vmem>>, vector<16xi32>,
      tpu.vector_store_idx %arg13[%get3A_318], %broadcast_in_dim3A_3 {add = true} : memref<10240xf32, #tpu.memory_space<vmem>>[vector<16xi32>], vector<16xf32>,
      %get3A_319 = arith.constant 1 : i32
      %get3A_320 = arith.constant 0 : i32
      %get3A_321 = arith.index_cast %get3A_319 : i32 to index
      %get3A_322 = arith.index_cast %get3A_320 : i32 to index
      %get3A_323 = arith.constant 48 : index
      %get3A_324 = tpu.vector_load %arg10[%get3A_321, %get3A_322, %get3A_323] {strides = array<i32>} : memref<2x2x80xi32, #tpu.memory_space<vmem>>, vector<16xi32>,
      tpu.vector_store_idx %arg14[%get3A_324], %broadcast_in_dim3A_3 {add = true} : memref<10240xf32, #tpu.memory_space<vmem>>[vector<16xi32>], vector<16xf32>,
      %get3A_325 = arith.constant 1 : i32
      %get3A_326 = arith.constant 1 : i32
      %get3A_327 = arith.index_cast %get3A_325 : i32 to index
      %get3A_328 = arith.index_cast %get3A_326 : i32 to index
      %get3A_329 = arith.constant 48 : index
      %get3A_330 = tpu.vector_load %arg10[%get3A_327, %get3A_328, %get3A_329] {strides = array<i32>} : memref<2x2x80xi32, #tpu.memory_space<vmem>>, vector<16xi32>,
      tpu.vector_store_idx %arg13[%get3A_330], %broadcast_in_dim3A_3 {add = true} : memref<10240xf32, #tpu.memory_space<vmem>>[vector<16xi32>], vector<16xf32>,
      %get3A_331 = arith.constant 1 : i32
      %get3A_332 = arith.constant 0 : i32
      %get3A_333 = arith.index_cast %get3A_331 : i32 to index
      %get3A_334 = arith.index_cast %get3A_332 : i32 to index
      %get3A_335 = arith.constant 64 : index
      %get3A_336 = tpu.vector_load %arg10[%get3A_333, %get3A_334, %get3A_335] {strides = array<i32>} : memref<2x2x80xi32, #tpu.memory_space<vmem>>, vector<16xi32>,
      tpu.vector_store_idx %arg14[%get3A_336], %broadcast_in_dim3A_3 {add = true} : memref<10240xf32, #tpu.memory_space<vmem>>[vector<16xi32>], vector<16xf32>,
      %get3A_337 = arith.constant 1 : i32
      %get3A_338 = arith.constant 1 : i32
      %get3A_339 = arith.index_cast %get3A_337 : i32 to index
      %get3A_340 = arith.index_cast %get3A_338 : i32 to index
      %get3A_341 = arith.constant 64 : index
      %get3A_342 = tpu.vector_load %arg10[%get3A_339, %get3A_340, %get3A_341] {strides = array<i32>} : memref<2x2x80xi32, #tpu.memory_space<vmem>>, vector<16xi32>,
      tpu.vector_store_idx %arg13[%get3A_342], %broadcast_in_dim3A_3 {add = true} : memref<10240xf32, #tpu.memory_space<vmem>>[vector<16xi32>], vector<16xf32>,
      %dma_wait3A_343 = arith.constant 1 : i32
      %dma_wait3A_344 = arith.constant 0 : i32
      %dma_wait3A_345 = arith.constant 0 : i32
      %dma_wait3A_346 = tpu.memref_slice %arg10[%dma_wait3A_343, %dma_wait3A_344, %dma_wait3A_345] : memref<2x2x80xi32, #tpu.memory_space<vmem>> -> memref<1x1x80xi32, #tpu.memory_space<vmem>>
      %dma_wait3A_347 = tpu.memref_squeeze %dma_wait3A_346 : memref<1x1x80xi32, #tpu.memory_space<vmem>> -> memref<80xi32, #tpu.memory_space<vmem>>
      %dma_wait3A_348 = arith.constant 0 : i32
      %dma_wait3A_349 = arith.constant 0 : i32
      %dma_wait3A_350 = tpu.memref_slice %arg2[%dma_wait3A_348, %dma_wait3A_349] : memref<10240x128xf32, #tpu.memory_space<hbm>> -> memref<10240x128xf32, #tpu.memory_space<hbm>>
      tpu.wait_indirect_dma semaphore(%arg16 : memref<!tpu.dma_semaphore, #tpu.memory_space<semaphore_mem>>) src(%dma_wait3A_350 : memref<10240x128xf32, #tpu.memory_space<hbm>>) dst(%arg12 : memref<80x128xf32, #tpu.memory_space<vmem>>)
      %dma_start3A_351 = arith.constant 1 : i32
      %dma_start3A_352 = arith.constant 1 : i32
      %dma_start3A_353 = arith.constant 0 : i32
      %dma_start3A_354 = tpu.memref_slice %arg10[%dma_start3A_351, %dma_start3A_352, %dma_start3A_353] : memref<2x2x80xi32, #tpu.memory_space<vmem>> -> memref<1x1x80xi32, #tpu.memory_space<vmem>>
      %dma_start3A_355 = tpu.memref_squeeze %dma_start3A_354 : memref<1x1x80xi32, #tpu.memory_space<vmem>> -> memref<80xi32, #tpu.memory_space<vmem>>
      %dma_start3A_356 = arith.constant 0 : i32
      %dma_start3A_357 = arith.constant 0 : i32
      %dma_start3A_358 = tpu.memref_slice %arg9[%dma_start3A_356, %dma_start3A_357] : memref<10240x128xf32, #tpu.memory_space<vmem_shared>> -> memref<10240x128xf32, #tpu.memory_space<vmem_shared>>
      tpu.enqueue_indirect_dma source(%arg12 : memref<80x128xf32, #tpu.memory_space<vmem>>) target(%dma_start3A_358 : memref<10240x128xf32, #tpu.memory_space<vmem_shared>>) offsets(%dma_start3A_355 : memref<80xi32, #tpu.memory_space<vmem>>) semaphore(%arg18 : memref<!tpu.dma_semaphore, #tpu.memory_space<semaphore_mem>>) {add = true}
      %add3A_359 = arith.constant 2 : i32
      %add3A_360 = arith.addi %mul3A_204, %add3A_359 : i32
      %dma_wait3A_361 = arith.constant 0 : i32
      %dma_wait3A_362 = arith.constant 1 : i32
      %dma_wait3A_363 = arith.constant 0 : i32
      %dma_wait3A_364 = tpu.memref_slice %arg10[%dma_wait3A_361, %dma_wait3A_362, %dma_wait3A_363] : memref<2x2x80xi32, #tpu.memory_space<vmem>> -> memref<1x1x80xi32, #tpu.memory_space<vmem>>
      %dma_wait3A_365 = tpu.memref_squeeze %dma_wait3A_364 : memref<1x1x80xi32, #tpu.memory_space<vmem>> -> memref<80xi32, #tpu.memory_space<vmem>>
      %dma_wait3A_366 = arith.constant 0 : i32
      %dma_wait3A_367 = arith.constant 0 : i32
      %dma_wait3A_368 = tpu.memref_slice %arg9[%dma_wait3A_366, %dma_wait3A_367] : memref<10240x128xf32, #tpu.memory_space<vmem_shared>> -> memref<10240x128xf32, #tpu.memory_space<vmem_shared>>
      tpu.wait_indirect_dma semaphore(%arg17 : memref<!tpu.dma_semaphore, #tpu.memory_space<semaphore_mem>>) src(%arg11 : memref<80x128xf32, #tpu.memory_space<vmem>>) dst(%dma_wait3A_368 : memref<10240x128xf32, #tpu.memory_space<vmem_shared>>)
      %add3A_369 = arith.addi %mul3A_5, %add3A_360 : i32
      %run_scoped3A_370 = arith.constant 0 : i32
      "tpu.region"() ({
        %run_scoped3A_399 = tpu.sem_alloc : memref<!tpu.dma_semaphore, #tpu.memory_space<semaphore_mem>>
        %dma_start3A_400 = arith.constant 0 : i32
        %dma_start3A_401 = arith.constant 0 : i32
        %dma_start3A_402 = tpu.memref_slice %arg10[%run_scoped3A_370, %dma_start3A_400, %dma_start3A_401] : memref<2x2x80xi32, #tpu.memory_space<vmem>> -> memref<1x2x80xi32, #tpu.memory_space<vmem>>
        %dma_start3A_403 = tpu.memref_squeeze %dma_start3A_402 : memref<1x2x80xi32, #tpu.memory_space<vmem>> -> memref<2x80xi32, #tpu.memory_space<vmem>>
        %dma_start3A_404 = arith.constant 0 : i32
        %dma_start3A_405 = arith.constant 0 : i32
        %dma_start3A_406 = tpu.memref_slice %arg3[%add3A_369, %dma_start3A_404, %dma_start3A_405] : memref<4096x2x80xi32, #tpu.memory_space<hbm>> -> memref<1x2x80xi32, #tpu.memory_space<hbm>>
        %dma_start3A_407 = tpu.memref_squeeze %dma_start3A_406 : memref<1x2x80xi32, #tpu.memory_space<hbm>> -> memref<2x80xi32, #tpu.memory_space<hbm>>
        %dma_start3A_408 = arith.constant 0 : i32
        %dma_start3A_409 = arith.constant 0 : i32
        %dma_start3A_410 = tpu.memref_slice %arg10[%run_scoped3A_370, %dma_start3A_408, %dma_start3A_409] : memref<2x2x80xi32, #tpu.memory_space<vmem>> -> memref<1x2x80xi32, #tpu.memory_space<vmem>>
        %dma_start3A_411 = tpu.memref_squeeze %dma_start3A_410 : memref<1x2x80xi32, #tpu.memory_space<vmem>> -> memref<2x80xi32, #tpu.memory_space<vmem>>
        %dma_start3A_412 = arith.constant 0 : i32
        %dma_start3A_413 = arith.constant 0 : i32
        %dma_start3A_414 = tpu.memref_slice %arg3[%add3A_369, %dma_start3A_412, %dma_start3A_413] : memref<4096x2x80xi32, #tpu.memory_space<hbm>> -> memref<1x2x80xi32, #tpu.memory_space<hbm>>
        %dma_start3A_415 = tpu.memref_squeeze %dma_start3A_414 : memref<1x2x80xi32, #tpu.memory_space<hbm>> -> memref<2x80xi32, #tpu.memory_space<hbm>>
        tpu.enqueue_dma source(%dma_start3A_415 : memref<2x80xi32, #tpu.memory_space<hbm>>) target(%dma_start3A_411 : memref<2x80xi32, #tpu.memory_space<vmem>>) target_semaphore(%run_scoped3A_399 : memref<!tpu.dma_semaphore, #tpu.memory_space<semaphore_mem>>)
        %dma_wait3A_416 = arith.constant 0 : i32
        %dma_wait3A_417 = arith.constant 0 : i32
        %dma_wait3A_418 = tpu.memref_slice %arg10[%run_scoped3A_370, %dma_wait3A_416, %dma_wait3A_417] : memref<2x2x80xi32, #tpu.memory_space<vmem>> -> memref<1x2x80xi32, #tpu.memory_space<vmem>>
        %dma_wait3A_419 = tpu.memref_squeeze %dma_wait3A_418 : memref<1x2x80xi32, #tpu.memory_space<vmem>> -> memref<2x80xi32, #tpu.memory_space<vmem>>
        %dma_wait3A_420 = arith.constant 0 : i32
        %dma_wait3A_421 = arith.constant 0 : i32
        %dma_wait3A_422 = tpu.memref_slice %arg3[%add3A_369, %dma_wait3A_420, %dma_wait3A_421] : memref<4096x2x80xi32, #tpu.memory_space<hbm>> -> memref<1x2x80xi32, #tpu.memory_space<hbm>>
        %dma_wait3A_423 = tpu.memref_squeeze %dma_wait3A_422 : memref<1x2x80xi32, #tpu.memory_space<hbm>> -> memref<2x80xi32, #tpu.memory_space<hbm>>
        %dma_wait3A_424 = arith.constant 0 : i32
        %dma_wait3A_425 = arith.constant 0 : i32
        %dma_wait3A_426 = tpu.memref_slice %arg10[%run_scoped3A_370, %dma_wait3A_424, %dma_wait3A_425] : memref<2x2x80xi32, #tpu.memory_space<vmem>> -> memref<1x2x80xi32, #tpu.memory_space<vmem>>
        %dma_wait3A_427 = tpu.memref_squeeze %dma_wait3A_426 : memref<1x2x80xi32, #tpu.memory_space<vmem>> -> memref<2x80xi32, #tpu.memory_space<vmem>>
        %dma_wait3A_428 = arith.constant 0 : i32
        %dma_wait3A_429 = arith.constant 0 : i32
        %dma_wait3A_430 = tpu.memref_slice %arg3[%add3A_369, %dma_wait3A_428, %dma_wait3A_429] : memref<4096x2x80xi32, #tpu.memory_space<hbm>> -> memref<1x2x80xi32, #tpu.memory_space<hbm>>
        %dma_wait3A_431 = tpu.memref_squeeze %dma_wait3A_430 : memref<1x2x80xi32, #tpu.memory_space<hbm>> -> memref<2x80xi32, #tpu.memory_space<hbm>>
        tpu.wait_dma2 semaphore(%run_scoped3A_399 : memref<!tpu.dma_semaphore, #tpu.memory_space<semaphore_mem>>) src(%dma_wait3A_431 : memref<2x80xi32, #tpu.memory_space<hbm>>) dst(%dma_wait3A_427 : memref<2x80xi32, #tpu.memory_space<vmem>>)
        tpu.yield
      }) : () -> ()
      %dma_start3A_371 = arith.constant 0 : i32
      %dma_start3A_372 = arith.constant 0 : i32
      %dma_start3A_373 = arith.constant 0 : i32
      %dma_start3A_374 = tpu.memref_slice %arg10[%dma_start3A_371, %dma_start3A_372, %dma_start3A_373] : memref<2x2x80xi32, #tpu.memory_space<vmem>> -> memref<1x1x80xi32, #tpu.memory_space<vmem>>
      %dma_start3A_375 = tpu.memref_squeeze %dma_start3A_374 : memref<1x1x80xi32, #tpu.memory_space<vmem>> -> memref<80xi32, #tpu.memory_space<vmem>>
      %dma_start3A_376 = arith.constant 0 : i32
      %dma_start3A_377 = arith.constant 0 : i32
      %dma_start3A_378 = tpu.memref_slice %arg2[%dma_start3A_376, %dma_start3A_377] : memref<10240x128xf32, #tpu.memory_space<hbm>> -> memref<10240x128xf32, #tpu.memory_space<hbm>>
      tpu.enqueue_indirect_dma source(%dma_start3A_378 : memref<10240x128xf32, #tpu.memory_space<hbm>>) target(%arg11 : memref<80x128xf32, #tpu.memory_space<vmem>>) offsets(%dma_start3A_375 : memref<80xi32, #tpu.memory_space<vmem>>) semaphore(%arg15 : memref<!tpu.dma_semaphore, #tpu.memory_space<semaphore_mem>>)
      %add3A_379 = arith.constant 3 : i32
      %add3A_380 = arith.addi %mul3A_204, %add3A_379 : i32
      %dma_wait3A_381 = arith.constant 1 : i32
      %dma_wait3A_382 = arith.constant 1 : i32
      %dma_wait3A_383 = arith.constant 0 : i32
      %dma_wait3A_384 = tpu.memref_slice %arg10[%dma_wait3A_381, %dma_wait3A_382, %dma_wait3A_383] : memref<2x2x80xi32, #tpu.memory_space<vmem>> -> memref<1x1x80xi32, #tpu.memory_space<vmem>>
      %dma_wait3A_385 = tpu.memref_squeeze %dma_wait3A_384 : memref<1x1x80xi32, #tpu.memory_space<vmem>> -> memref<80xi32, #tpu.memory_space<vmem>>
      %dma_wait3A_386 = arith.constant 0 : i32
      %dma_wait3A_387 = arith.constant 0 : i32
      %dma_wait3A_388 = tpu.memref_slice %arg9[%dma_wait3A_386, %dma_wait3A_387] : memref<10240x128xf32, #tpu.memory_space<vmem_shared>> -> memref<10240x128xf32, #tpu.memory_space<vmem_shared>>
      tpu.wait_indirect_dma semaphore(%arg18 : memref<!tpu.dma_semaphore, #tpu.memory_space<semaphore_mem>>) src(%arg12 : memref<80x128xf32, #tpu.memory_space<vmem>>) dst(%dma_wait3A_388 : memref<10240x128xf32, #tpu.memory_space<vmem_shared>>)
      %add3A_389 = arith.addi %mul3A_5, %add3A_380 : i32
      %run_scoped3A_390 = arith.constant 1 : i32
      "tpu.region"() ({
        %run_scoped3A_399 = tpu.sem_alloc : memref<!tpu.dma_semaphore, #tpu.memory_space<semaphore_mem>>
        %dma_start3A_400 = arith.constant 0 : i32
        %dma_start3A_401 = arith.constant 0 : i32
        %dma_start3A_402 = tpu.memref_slice %arg10[%run_scoped3A_390, %dma_start3A_400, %dma_start3A_401] : memref<2x2x80xi32, #tpu.memory_space<vmem>> -> memref<1x2x80xi32, #tpu.memory_space<vmem>>
        %dma_start3A_403 = tpu.memref_squeeze %dma_start3A_402 : memref<1x2x80xi32, #tpu.memory_space<vmem>> -> memref<2x80xi32, #tpu.memory_space<vmem>>
        %dma_start3A_404 = arith.constant 0 : i32
        %dma_start3A_405 = arith.constant 0 : i32
        %dma_start3A_406 = tpu.memref_slice %arg3[%add3A_389, %dma_start3A_404, %dma_start3A_405] : memref<4096x2x80xi32, #tpu.memory_space<hbm>> -> memref<1x2x80xi32, #tpu.memory_space<hbm>>
        %dma_start3A_407 = tpu.memref_squeeze %dma_start3A_406 : memref<1x2x80xi32, #tpu.memory_space<hbm>> -> memref<2x80xi32, #tpu.memory_space<hbm>>
        %dma_start3A_408 = arith.constant 0 : i32
        %dma_start3A_409 = arith.constant 0 : i32
        %dma_start3A_410 = tpu.memref_slice %arg10[%run_scoped3A_390, %dma_start3A_408, %dma_start3A_409] : memref<2x2x80xi32, #tpu.memory_space<vmem>> -> memref<1x2x80xi32, #tpu.memory_space<vmem>>
        %dma_start3A_411 = tpu.memref_squeeze %dma_start3A_410 : memref<1x2x80xi32, #tpu.memory_space<vmem>> -> memref<2x80xi32, #tpu.memory_space<vmem>>
        %dma_start3A_412 = arith.constant 0 : i32
        %dma_start3A_413 = arith.constant 0 : i32
        %dma_start3A_414 = tpu.memref_slice %arg3[%add3A_389, %dma_start3A_412, %dma_start3A_413] : memref<4096x2x80xi32, #tpu.memory_space<hbm>> -> memref<1x2x80xi32, #tpu.memory_space<hbm>>
        %dma_start3A_415 = tpu.memref_squeeze %dma_start3A_414 : memref<1x2x80xi32, #tpu.memory_space<hbm>> -> memref<2x80xi32, #tpu.memory_space<hbm>>
        tpu.enqueue_dma source(%dma_start3A_415 : memref<2x80xi32, #tpu.memory_space<hbm>>) target(%dma_start3A_411 : memref<2x80xi32, #tpu.memory_space<vmem>>) target_semaphore(%run_scoped3A_399 : memref<!tpu.dma_semaphore, #tpu.memory_space<semaphore_mem>>)
        %dma_wait3A_416 = arith.constant 0 : i32
        %dma_wait3A_417 = arith.constant 0 : i32
        %dma_wait3A_418 = tpu.memref_slice %arg10[%run_scoped3A_390, %dma_wait3A_416, %dma_wait3A_417] : memref<2x2x80xi32, #tpu.memory_space<vmem>> -> memref<1x2x80xi32, #tpu.memory_space<vmem>>
        %dma_wait3A_419 = tpu.memref_squeeze %dma_wait3A_418 : memref<1x2x80xi32, #tpu.memory_space<vmem>> -> memref<2x80xi32, #tpu.memory_space<vmem>>
        %dma_wait3A_420 = arith.constant 0 : i32
        %dma_wait3A_421 = arith.constant 0 : i32
        %dma_wait3A_422 = tpu.memref_slice %arg3[%add3A_389, %dma_wait3A_420, %dma_wait3A_421] : memref<4096x2x80xi32, #tpu.memory_space<hbm>> -> memref<1x2x80xi32, #tpu.memory_space<hbm>>
        %dma_wait3A_423 = tpu.memref_squeeze %dma_wait3A_422 : memref<1x2x80xi32, #tpu.memory_space<hbm>> -> memref<2x80xi32, #tpu.memory_space<hbm>>
        %dma_wait3A_424 = arith.constant 0 : i32
        %dma_wait3A_425 = arith.constant 0 : i32
        %dma_wait3A_426 = tpu.memref_slice %arg10[%run_scoped3A_390, %dma_wait3A_424, %dma_wait3A_425] : memref<2x2x80xi32, #tpu.memory_space<vmem>> -> memref<1x2x80xi32, #tpu.memory_space<vmem>>
        %dma_wait3A_427 = tpu.memref_squeeze %dma_wait3A_426 : memref<1x2x80xi32, #tpu.memory_space<vmem>> -> memref<2x80xi32, #tpu.memory_space<vmem>>
        %dma_wait3A_428 = arith.constant 0 : i32
        %dma_wait3A_429 = arith.constant 0 : i32
        %dma_wait3A_430 = tpu.memref_slice %arg3[%add3A_389, %dma_wait3A_428, %dma_wait3A_429] : memref<4096x2x80xi32, #tpu.memory_space<hbm>> -> memref<1x2x80xi32, #tpu.memory_space<hbm>>
        %dma_wait3A_431 = tpu.memref_squeeze %dma_wait3A_430 : memref<1x2x80xi32, #tpu.memory_space<hbm>> -> memref<2x80xi32, #tpu.memory_space<hbm>>
        tpu.wait_dma2 semaphore(%run_scoped3A_399 : memref<!tpu.dma_semaphore, #tpu.memory_space<semaphore_mem>>) src(%dma_wait3A_431 : memref<2x80xi32, #tpu.memory_space<hbm>>) dst(%dma_wait3A_427 : memref<2x80xi32, #tpu.memory_space<vmem>>)
        tpu.yield
      }) : () -> ()
      %dma_start3A_391 = arith.constant 1 : i32
      %dma_start3A_392 = arith.constant 0 : i32
      %dma_start3A_393 = arith.constant 0 : i32
      %dma_start3A_394 = tpu.memref_slice %arg10[%dma_start3A_391, %dma_start3A_392, %dma_start3A_393] : memref<2x2x80xi32, #tpu.memory_space<vmem>> -> memref<1x1x80xi32, #tpu.memory_space<vmem>>
      %dma_start3A_395 = tpu.memref_squeeze %dma_start3A_394 : memref<1x1x80xi32, #tpu.memory_space<vmem>> -> memref<80xi32, #tpu.memory_space<vmem>>
      %dma_start3A_396 = arith.constant 0 : i32
      %dma_start3A_397 = arith.constant 0 : i32
      %dma_start3A_398 = tpu.memref_slice %arg2[%dma_start3A_396, %dma_start3A_397] : memref<10240x128xf32, #tpu.memory_space<hbm>> -> memref<10240x128xf32, #tpu.memory_space<hbm>>
      tpu.enqueue_indirect_dma source(%dma_start3A_398 : memref<10240x128xf32, #tpu.memory_space<hbm>>) target(%arg12 : memref<80x128xf32, #tpu.memory_space<vmem>>) offsets(%dma_start3A_395 : memref<80xi32, #tpu.memory_space<vmem>>) semaphore(%arg16 : memref<!tpu.dma_semaphore, #tpu.memory_space<semaphore_mem>>)
    }
    %scan3A_30 = arith.constant 63 : i32
    %get3A = arith.constant 0 : i32
    %get3A_31 = arith.constant 0 : i32
    %get3A_32 = arith.index_cast %get3A : i32 to index
    %get3A_33 = arith.index_cast %get3A_31 : i32 to index
    %get3A_34 = arith.constant 0 : index
    %get3A_35 = tpu.vector_load %arg10[%get3A_32, %get3A_33, %get3A_34] {strides = array<i32>} : memref<2x2x80xi32, #tpu.memory_space<vmem>>, vector<16xi32>,
    tpu.vector_store_idx %arg14[%get3A_35], %broadcast_in_dim3A_3 {add = true} : memref<10240xf32, #tpu.memory_space<vmem>>[vector<16xi32>], vector<16xf32>,
    %get3A_36 = arith.constant 0 : i32
    %get3A_37 = arith.constant 1 : i32
    %get3A_38 = arith.index_cast %get3A_36 : i32 to index
    %get3A_39 = arith.index_cast %get3A_37 : i32 to index
    %get3A_40 = arith.constant 0 : index
    %get3A_41 = tpu.vector_load %arg10[%get3A_38, %get3A_39, %get3A_40] {strides = array<i32>} : memref<2x2x80xi32, #tpu.memory_space<vmem>>, vector<16xi32>,
    tpu.vector_store_idx %arg13[%get3A_41], %broadcast_in_dim3A_3 {add = true} : memref<10240xf32, #tpu.memory_space<vmem>>[vector<16xi32>], vector<16xf32>,
    %get3A_42 = arith.constant 0 : i32
    %get3A_43 = arith.constant 0 : i32
    %get3A_44 = arith.index_cast %get3A_42 : i32 to index
    %get3A_45 = arith.index_cast %get3A_43 : i32 to index
    %get3A_46 = arith.constant 16 : index
    %get3A_47 = tpu.vector_load %arg10[%get3A_44, %get3A_45, %get3A_46] {strides = array<i32>} : memref<2x2x80xi32, #tpu.memory_space<vmem>>, vector<16xi32>,
    tpu.vector_store_idx %arg14[%get3A_47], %broadcast_in_dim3A_3 {add = true} : memref<10240xf32, #tpu.memory_space<vmem>>[vector<16xi32>], vector<16xf32>,
    %get3A_48 = arith.constant 0 : i32
    %get3A_49 = arith.constant 1 : i32
    %get3A_50 = arith.index_cast %get3A_48 : i32 to index
    %get3A_51 = arith.index_cast %get3A_49 : i32 to index
    %get3A_52 = arith.constant 16 : index
    %get3A_53 = tpu.vector_load %arg10[%get3A_50, %get3A_51, %get3A_52] {strides = array<i32>} : memref<2x2x80xi32, #tpu.memory_space<vmem>>, vector<16xi32>,
    tpu.vector_store_idx %arg13[%get3A_53], %broadcast_in_dim3A_3 {add = true} : memref<10240xf32, #tpu.memory_space<vmem>>[vector<16xi32>], vector<16xf32>,
    %get3A_54 = arith.constant 0 : i32
    %get3A_55 = arith.constant 0 : i32
    %get3A_56 = arith.index_cast %get3A_54 : i32 to index
    %get3A_57 = arith.index_cast %get3A_55 : i32 to index
    %get3A_58 = arith.constant 32 : index
    %get3A_59 = tpu.vector_load %arg10[%get3A_56, %get3A_57, %get3A_58] {strides = array<i32>} : memref<2x2x80xi32, #tpu.memory_space<vmem>>, vector<16xi32>,
    tpu.vector_store_idx %arg14[%get3A_59], %broadcast_in_dim3A_3 {add = true} : memref<10240xf32, #tpu.memory_space<vmem>>[vector<16xi32>], vector<16xf32>,
    %get3A_60 = arith.constant 0 : i32
    %get3A_61 = arith.constant 1 : i32
    %get3A_62 = arith.index_cast %get3A_60 : i32 to index
    %get3A_63 = arith.index_cast %get3A_61 : i32 to index
    %get3A_64 = arith.constant 32 : index
    %get3A_65 = tpu.vector_load %arg10[%get3A_62, %get3A_63, %get3A_64] {strides = array<i32>} : memref<2x2x80xi32, #tpu.memory_space<vmem>>, vector<16xi32>,
    tpu.vector_store_idx %arg13[%get3A_65], %broadcast_in_dim3A_3 {add = true} : memref<10240xf32, #tpu.memory_space<vmem>>[vector<16xi32>], vector<16xf32>,
    %get3A_66 = arith.constant 0 : i32
    %get3A_67 = arith.constant 0 : i32
    %get3A_68 = arith.index_cast %get3A_66 : i32 to index
    %get3A_69 = arith.index_cast %get3A_67 : i32 to index
    %get3A_70 = arith.constant 48 : index
    %get3A_71 = tpu.vector_load %arg10[%get3A_68, %get3A_69, %get3A_70] {strides = array<i32>} : memref<2x2x80xi32, #tpu.memory_space<vmem>>, vector<16xi32>,
    tpu.vector_store_idx %arg14[%get3A_71], %broadcast_in_dim3A_3 {add = true} : memref<10240xf32, #tpu.memory_space<vmem>>[vector<16xi32>], vector<16xf32>,
    %get3A_72 = arith.constant 0 : i32
    %get3A_73 = arith.constant 1 : i32
    %get3A_74 = arith.index_cast %get3A_72 : i32 to index
    %get3A_75 = arith.index_cast %get3A_73 : i32 to index
    %get3A_76 = arith.constant 48 : index
    %get3A_77 = tpu.vector_load %arg10[%get3A_74, %get3A_75, %get3A_76] {strides = array<i32>} : memref<2x2x80xi32, #tpu.memory_space<vmem>>, vector<16xi32>,
    tpu.vector_store_idx %arg13[%get3A_77], %broadcast_in_dim3A_3 {add = true} : memref<10240xf32, #tpu.memory_space<vmem>>[vector<16xi32>], vector<16xf32>,
    %get3A_78 = arith.constant 0 : i32
    %get3A_79 = arith.constant 0 : i32
    %get3A_80 = arith.index_cast %get3A_78 : i32 to index
    %get3A_81 = arith.index_cast %get3A_79 : i32 to index
    %get3A_82 = arith.constant 64 : index
    %get3A_83 = tpu.vector_load %arg10[%get3A_80, %get3A_81, %get3A_82] {strides = array<i32>} : memref<2x2x80xi32, #tpu.memory_space<vmem>>, vector<16xi32>,
    tpu.vector_store_idx %arg14[%get3A_83], %broadcast_in_dim3A_3 {add = true} : memref<10240xf32, #tpu.memory_space<vmem>>[vector<16xi32>], vector<16xf32>,
    %get3A_84 = arith.constant 0 : i32
    %get3A_85 = arith.constant 1 : i32
    %get3A_86 = arith.index_cast %get3A_84 : i32 to index
    %get3A_87 = arith.index_cast %get3A_85 : i32 to index
    %get3A_88 = arith.constant 64 : index
    %get3A_89 = tpu.vector_load %arg10[%get3A_86, %get3A_87, %get3A_88] {strides = array<i32>} : memref<2x2x80xi32, #tpu.memory_space<vmem>>, vector<16xi32>,
    tpu.vector_store_idx %arg13[%get3A_89], %broadcast_in_dim3A_3 {add = true} : memref<10240xf32, #tpu.memory_space<vmem>>[vector<16xi32>], vector<16xf32>,
    %dma_wait3A = arith.constant 0 : i32
    %dma_wait3A_90 = arith.constant 0 : i32
    %dma_wait3A_91 = arith.constant 0 : i32
    %dma_wait3A_92 = tpu.memref_slice %arg10[%dma_wait3A, %dma_wait3A_90, %dma_wait3A_91] : memref<2x2x80xi32, #tpu.memory_space<vmem>> -> memref<1x1x80xi32, #tpu.memory_space<vmem>>
    %dma_wait3A_93 = tpu.memref_squeeze %dma_wait3A_92 : memref<1x1x80xi32, #tpu.memory_space<vmem>> -> memref<80xi32, #tpu.memory_space<vmem>>
    %dma_wait3A_94 = arith.constant 0 : i32
    %dma_wait3A_95 = arith.constant 0 : i32
    %dma_wait3A_96 = tpu.memref_slice %arg2[%dma_wait3A_94, %dma_wait3A_95] : memref<10240x128xf32, #tpu.memory_space<hbm>> -> memref<10240x128xf32, #tpu.memory_space<hbm>>
    tpu.wait_indirect_dma semaphore(%arg15 : memref<!tpu.dma_semaphore, #tpu.memory_space<semaphore_mem>>) src(%dma_wait3A_96 : memref<10240x128xf32, #tpu.memory_space<hbm>>) dst(%arg11 : memref<80x128xf32, #tpu.memory_space<vmem>>)
    %dma_start3A_97 = arith.constant 0 : i32
    %dma_start3A_98 = arith.constant 1 : i32
    %dma_start3A_99 = arith.constant 0 : i32
    %dma_start3A_100 = tpu.memref_slice %arg10[%dma_start3A_97, %dma_start3A_98, %dma_start3A_99] : memref<2x2x80xi32, #tpu.memory_space<vmem>> -> memref<1x1x80xi32, #tpu.memory_space<vmem>>
    %dma_start3A_101 = tpu.memref_squeeze %dma_start3A_100 : memref<1x1x80xi32, #tpu.memory_space<vmem>> -> memref<80xi32, #tpu.memory_space<vmem>>
    %dma_start3A_102 = arith.constant 0 : i32
    %dma_start3A_103 = arith.constant 0 : i32
    %dma_start3A_104 = tpu.memref_slice %arg9[%dma_start3A_102, %dma_start3A_103] : memref<10240x128xf32, #tpu.memory_space<vmem_shared>> -> memref<10240x128xf32, #tpu.memory_space<vmem_shared>>
    tpu.enqueue_indirect_dma source(%arg11 : memref<80x128xf32, #tpu.memory_space<vmem>>) target(%dma_start3A_104 : memref<10240x128xf32, #tpu.memory_space<vmem_shared>>) offsets(%dma_start3A_101 : memref<80xi32, #tpu.memory_space<vmem>>) semaphore(%arg17 : memref<!tpu.dma_semaphore, #tpu.memory_space<semaphore_mem>>) {add = true}
    %get3A_105 = arith.constant 1 : i32
    %get3A_106 = arith.constant 0 : i32
    %get3A_107 = arith.index_cast %get3A_105 : i32 to index
    %get3A_108 = arith.index_cast %get3A_106 : i32 to index
    %get3A_109 = arith.constant 0 : index
    %get3A_110 = tpu.vector_load %arg10[%get3A_107, %get3A_108, %get3A_109] {strides = array<i32>} : memref<2x2x80xi32, #tpu.memory_space<vmem>>, vector<16xi32>,
    tpu.vector_store_idx %arg14[%get3A_110], %broadcast_in_dim3A_3 {add = true} : memref<10240xf32, #tpu.memory_space<vmem>>[vector<16xi32>], vector<16xf32>,
    %get3A_111 = arith.constant 1 : i32
    %get3A_112 = arith.constant 1 : i32
    %get3A_113 = arith.index_cast %get3A_111 : i32 to index
    %get3A_114 = arith.index_cast %get3A_112 : i32 to index
    %get3A_115 = arith.constant 0 : index
    %get3A_116 = tpu.vector_load %arg10[%get3A_113, %get3A_114, %get3A_115] {strides = array<i32>} : memref<2x2x80xi32, #tpu.memory_space<vmem>>, vector<16xi32>,
    tpu.vector_store_idx %arg13[%get3A_116], %broadcast_in_dim3A_3 {add = true} : memref<10240xf32, #tpu.memory_space<vmem>>[vector<16xi32>], vector<16xf32>,
    %get3A_117 = arith.constant 1 : i32
    %get3A_118 = arith.constant 0 : i32
    %get3A_119 = arith.index_cast %get3A_117 : i32 to index
    %get3A_120 = arith.index_cast %get3A_118 : i32 to index
    %get3A_121 = arith.constant 16 : index
    %get3A_122 = tpu.vector_load %arg10[%get3A_119, %get3A_120, %get3A_121] {strides = array<i32>} : memref<2x2x80xi32, #tpu.memory_space<vmem>>, vector<16xi32>,
    tpu.vector_store_idx %arg14[%get3A_122], %broadcast_in_dim3A_3 {add = true} : memref<10240xf32, #tpu.memory_space<vmem>>[vector<16xi32>], vector<16xf32>,
    %get3A_123 = arith.constant 1 : i32
    %get3A_124 = arith.constant 1 : i32
    %get3A_125 = arith.index_cast %get3A_123 : i32 to index
    %get3A_126 = arith.index_cast %get3A_124 : i32 to index
    %get3A_127 = arith.constant 16 : index
    %get3A_128 = tpu.vector_load %arg10[%get3A_125, %get3A_126, %get3A_127] {strides = array<i32>} : memref<2x2x80xi32, #tpu.memory_space<vmem>>, vector<16xi32>,
    tpu.vector_store_idx %arg13[%get3A_128], %broadcast_in_dim3A_3 {add = true} : memref<10240xf32, #tpu.memory_space<vmem>>[vector<16xi32>], vector<16xf32>,
    %get3A_129 = arith.constant 1 : i32
    %get3A_130 = arith.constant 0 : i32
    %get3A_131 = arith.index_cast %get3A_129 : i32 to index
    %get3A_132 = arith.index_cast %get3A_130 : i32 to index
    %get3A_133 = arith.constant 32 : index
    %get3A_134 = tpu.vector_load %arg10[%get3A_131, %get3A_132, %get3A_133] {strides = array<i32>} : memref<2x2x80xi32, #tpu.memory_space<vmem>>, vector<16xi32>,
    tpu.vector_store_idx %arg14[%get3A_134], %broadcast_in_dim3A_3 {add = true} : memref<10240xf32, #tpu.memory_space<vmem>>[vector<16xi32>], vector<16xf32>,
    %get3A_135 = arith.constant 1 : i32
    %get3A_136 = arith.constant 1 : i32
    %get3A_137 = arith.index_cast %get3A_135 : i32 to index
    %get3A_138 = arith.index_cast %get3A_136 : i32 to index
    %get3A_139 = arith.constant 32 : index
    %get3A_140 = tpu.vector_load %arg10[%get3A_137, %get3A_138, %get3A_139] {strides = array<i32>} : memref<2x2x80xi32, #tpu.memory_space<vmem>>, vector<16xi32>,
    tpu.vector_store_idx %arg13[%get3A_140], %broadcast_in_dim3A_3 {add = true} : memref<10240xf32, #tpu.memory_space<vmem>>[vector<16xi32>], vector<16xf32>,
    %get3A_141 = arith.constant 1 : i32
    %get3A_142 = arith.constant 0 : i32
    %get3A_143 = arith.index_cast %get3A_141 : i32 to index
    %get3A_144 = arith.index_cast %get3A_142 : i32 to index
    %get3A_145 = arith.constant 48 : index
    %get3A_146 = tpu.vector_load %arg10[%get3A_143, %get3A_144, %get3A_145] {strides = array<i32>} : memref<2x2x80xi32, #tpu.memory_space<vmem>>, vector<16xi32>,
    tpu.vector_store_idx %arg14[%get3A_146], %broadcast_in_dim3A_3 {add = true} : memref<10240xf32, #tpu.memory_space<vmem>>[vector<16xi32>], vector<16xf32>,
    %get3A_147 = arith.constant 1 : i32
    %get3A_148 = arith.constant 1 : i32
    %get3A_149 = arith.index_cast %get3A_147 : i32 to index
    %get3A_150 = arith.index_cast %get3A_148 : i32 to index
    %get3A_151 = arith.constant 48 : index
    %get3A_152 = tpu.vector_load %arg10[%get3A_149, %get3A_150, %get3A_151] {strides = array<i32>} : memref<2x2x80xi32, #tpu.memory_space<vmem>>, vector<16xi32>,
    tpu.vector_store_idx %arg13[%get3A_152], %broadcast_in_dim3A_3 {add = true} : memref<10240xf32, #tpu.memory_space<vmem>>[vector<16xi32>], vector<16xf32>,
    %get3A_153 = arith.constant 1 : i32
    %get3A_154 = arith.constant 0 : i32
    %get3A_155 = arith.index_cast %get3A_153 : i32 to index
    %get3A_156 = arith.index_cast %get3A_154 : i32 to index
    %get3A_157 = arith.constant 64 : index
    %get3A_158 = tpu.vector_load %arg10[%get3A_155, %get3A_156, %get3A_157] {strides = array<i32>} : memref<2x2x80xi32, #tpu.memory_space<vmem>>, vector<16xi32>,
    tpu.vector_store_idx %arg14[%get3A_158], %broadcast_in_dim3A_3 {add = true} : memref<10240xf32, #tpu.memory_space<vmem>>[vector<16xi32>], vector<16xf32>,
    %get3A_159 = arith.constant 1 : i32
    %get3A_160 = arith.constant 1 : i32
    %get3A_161 = arith.index_cast %get3A_159 : i32 to index
    %get3A_162 = arith.index_cast %get3A_160 : i32 to index
    %get3A_163 = arith.constant 64 : index
    %get3A_164 = tpu.vector_load %arg10[%get3A_161, %get3A_162, %get3A_163] {strides = array<i32>} : memref<2x2x80xi32, #tpu.memory_space<vmem>>, vector<16xi32>,
    tpu.vector_store_idx %arg13[%get3A_164], %broadcast_in_dim3A_3 {add = true} : memref<10240xf32, #tpu.memory_space<vmem>>[vector<16xi32>], vector<16xf32>,
    %dma_wait3A_165 = arith.constant 1 : i32
    %dma_wait3A_166 = arith.constant 0 : i32
    %dma_wait3A_167 = arith.constant 0 : i32
    %dma_wait3A_168 = tpu.memref_slice %arg10[%dma_wait3A_165, %dma_wait3A_166, %dma_wait3A_167] : memref<2x2x80xi32, #tpu.memory_space<vmem>> -> memref<1x1x80xi32, #tpu.memory_space<vmem>>
    %dma_wait3A_169 = tpu.memref_squeeze %dma_wait3A_168 : memref<1x1x80xi32, #tpu.memory_space<vmem>> -> memref<80xi32, #tpu.memory_space<vmem>>
    %dma_wait3A_170 = arith.constant 0 : i32
    %dma_wait3A_171 = arith.constant 0 : i32
    %dma_wait3A_172 = tpu.memref_slice %arg2[%dma_wait3A_170, %dma_wait3A_171] : memref<10240x128xf32, #tpu.memory_space<hbm>> -> memref<10240x128xf32, #tpu.memory_space<hbm>>
    tpu.wait_indirect_dma semaphore(%arg16 : memref<!tpu.dma_semaphore, #tpu.memory_space<semaphore_mem>>) src(%dma_wait3A_172 : memref<10240x128xf32, #tpu.memory_space<hbm>>) dst(%arg12 : memref<80x128xf32, #tpu.memory_space<vmem>>)
    %dma_start3A_173 = arith.constant 1 : i32
    %dma_start3A_174 = arith.constant 1 : i32
    %dma_start3A_175 = arith.constant 0 : i32
    %dma_start3A_176 = tpu.memref_slice %arg10[%dma_start3A_173, %dma_start3A_174, %dma_start3A_175] : memref<2x2x80xi32, #tpu.memory_space<vmem>> -> memref<1x1x80xi32, #tpu.memory_space<vmem>>
    %dma_start3A_177 = tpu.memref_squeeze %dma_start3A_176 : memref<1x1x80xi32, #tpu.memory_space<vmem>> -> memref<80xi32, #tpu.memory_space<vmem>>
    %dma_start3A_178 = arith.constant 0 : i32
    %dma_start3A_179 = arith.constant 0 : i32
    %dma_start3A_180 = tpu.memref_slice %arg9[%dma_start3A_178, %dma_start3A_179] : memref<10240x128xf32, #tpu.memory_space<vmem_shared>> -> memref<10240x128xf32, #tpu.memory_space<vmem_shared>>
    tpu.enqueue_indirect_dma source(%arg12 : memref<80x128xf32, #tpu.memory_space<vmem>>) target(%dma_start3A_180 : memref<10240x128xf32, #tpu.memory_space<vmem_shared>>) offsets(%dma_start3A_177 : memref<80xi32, #tpu.memory_space<vmem>>) semaphore(%arg18 : memref<!tpu.dma_semaphore, #tpu.memory_space<semaphore_mem>>) {add = true}
    %dma_wait3A_181 = arith.constant 0 : i32
    %dma_wait3A_182 = arith.constant 1 : i32
    %dma_wait3A_183 = arith.constant 0 : i32
    %dma_wait3A_184 = tpu.memref_slice %arg10[%dma_wait3A_181, %dma_wait3A_182, %dma_wait3A_183] : memref<2x2x80xi32, #tpu.memory_space<vmem>> -> memref<1x1x80xi32, #tpu.memory_space<vmem>>
    %dma_wait3A_185 = tpu.memref_squeeze %dma_wait3A_184 : memref<1x1x80xi32, #tpu.memory_space<vmem>> -> memref<80xi32, #tpu.memory_space<vmem>>
    %dma_wait3A_186 = arith.constant 0 : i32
    %dma_wait3A_187 = arith.constant 0 : i32
    %dma_wait3A_188 = tpu.memref_slice %arg9[%dma_wait3A_186, %dma_wait3A_187] : memref<10240x128xf32, #tpu.memory_space<vmem_shared>> -> memref<10240x128xf32, #tpu.memory_space<vmem_shared>>
    tpu.wait_indirect_dma semaphore(%arg17 : memref<!tpu.dma_semaphore, #tpu.memory_space<semaphore_mem>>) src(%arg11 : memref<80x128xf32, #tpu.memory_space<vmem>>) dst(%dma_wait3A_188 : memref<10240x128xf32, #tpu.memory_space<vmem_shared>>)
    %dma_wait3A_189 = arith.constant 1 : i32
    %dma_wait3A_190 = arith.constant 1 : i32
    %dma_wait3A_191 = arith.constant 0 : i32
    %dma_wait3A_192 = tpu.memref_slice %arg10[%dma_wait3A_189, %dma_wait3A_190, %dma_wait3A_191] : memref<2x2x80xi32, #tpu.memory_space<vmem>> -> memref<1x1x80xi32, #tpu.memory_space<vmem>>
    %dma_wait3A_193 = tpu.memref_squeeze %dma_wait3A_192 : memref<1x1x80xi32, #tpu.memory_space<vmem>> -> memref<80xi32, #tpu.memory_space<vmem>>
    %dma_wait3A_194 = arith.constant 0 : i32
    %dma_wait3A_195 = arith.constant 0 : i32
    %dma_wait3A_196 = tpu.memref_slice %arg9[%dma_wait3A_194, %dma_wait3A_195] : memref<10240x128xf32, #tpu.memory_space<vmem_shared>> -> memref<10240x128xf32, #tpu.memory_space<vmem_shared>>
    tpu.wait_indirect_dma semaphore(%arg18 : memref<!tpu.dma_semaphore, #tpu.memory_space<semaphore_mem>>) src(%arg12 : memref<80x128xf32, #tpu.memory_space<vmem>>) dst(%dma_wait3A_196 : memref<10240x128xf32, #tpu.memory_space<vmem_shared>>)
    "tpu.region"() ({
      %run_scoped3A_202 = tpu.sem_alloc : memref<!tpu.dma_semaphore, #tpu.memory_space<semaphore_mem>>
      %dma_start3A_203 = arith.constant 0 : i32
      %dma_start3A_204 = tpu.memref_slice %arg7[%add3A, %dma_start3A_203] : memref<32x10240xf32, #tpu.memory_space<hbm>> -> memref<1x10240xf32, #tpu.memory_space<hbm>>
      %dma_start3A_205 = tpu.memref_squeeze %dma_start3A_204 : memref<1x10240xf32, #tpu.memory_space<hbm>> -> memref<10240xf32, #tpu.memory_space<hbm>>
      %dma_start3A_206 = arith.constant 0 : i32
      %dma_start3A_207 = tpu.memref_slice %arg7[%add3A, %dma_start3A_206] : memref<32x10240xf32, #tpu.memory_space<hbm>> -> memref<1x10240xf32, #tpu.memory_space<hbm>>
      %dma_start3A_208 = tpu.memref_squeeze %dma_start3A_207 : memref<1x10240xf32, #tpu.memory_space<hbm>> -> memref<10240xf32, #tpu.memory_space<hbm>>
      tpu.enqueue_dma source(%arg13 : memref<10240xf32, #tpu.memory_space<vmem>>) target(%dma_start3A_208 : memref<10240xf32, #tpu.memory_space<hbm>>) target_semaphore(%run_scoped3A_202 : memref<!tpu.dma_semaphore, #tpu.memory_space<semaphore_mem>>)
      %dma_wait3A_209 = arith.constant 0 : i32
      %dma_wait3A_210 = tpu.memref_slice %arg7[%add3A, %dma_wait3A_209] : memref<32x10240xf32, #tpu.memory_space<hbm>> -> memref<1x10240xf32, #tpu.memory_space<hbm>>
      %dma_wait3A_211 = tpu.memref_squeeze %dma_wait3A_210 : memref<1x10240xf32, #tpu.memory_space<hbm>> -> memref<10240xf32, #tpu.memory_space<hbm>>
      %dma_wait3A_212 = arith.constant 0 : i32
      %dma_wait3A_213 = tpu.memref_slice %arg7[%add3A, %dma_wait3A_212] : memref<32x10240xf32, #tpu.memory_space<hbm>> -> memref<1x10240xf32, #tpu.memory_space<hbm>>
      %dma_wait3A_214 = tpu.memref_squeeze %dma_wait3A_213 : memref<1x10240xf32, #tpu.memory_space<hbm>> -> memref<10240xf32, #tpu.memory_space<hbm>>
      tpu.wait_dma2 semaphore(%run_scoped3A_202 : memref<!tpu.dma_semaphore, #tpu.memory_space<semaphore_mem>>) src(%arg13 : memref<10240xf32, #tpu.memory_space<vmem>>) dst(%dma_wait3A_214 : memref<10240xf32, #tpu.memory_space<hbm>>)
      tpu.yield
    }) : () -> ()
    "tpu.region"() ({
      %run_scoped3A_202 = tpu.sem_alloc : memref<!tpu.dma_semaphore, #tpu.memory_space<semaphore_mem>>
      %dma_start3A_203 = arith.constant 0 : i32
      %dma_start3A_204 = tpu.memref_slice %arg8[%add3A, %dma_start3A_203] : memref<32x10240xf32, #tpu.memory_space<hbm>> -> memref<1x10240xf32, #tpu.memory_space<hbm>>
      %dma_start3A_205 = tpu.memref_squeeze %dma_start3A_204 : memref<1x10240xf32, #tpu.memory_space<hbm>> -> memref<10240xf32, #tpu.memory_space<hbm>>
      %dma_start3A_206 = arith.constant 0 : i32
      %dma_start3A_207 = tpu.memref_slice %arg8[%add3A, %dma_start3A_206] : memref<32x10240xf32, #tpu.memory_space<hbm>> -> memref<1x10240xf32, #tpu.memory_space<hbm>>
      %dma_start3A_208 = tpu.memref_squeeze %dma_start3A_207 : memref<1x10240xf32, #tpu.memory_space<hbm>> -> memref<10240xf32, #tpu.memory_space<hbm>>
      tpu.enqueue_dma source(%arg14 : memref<10240xf32, #tpu.memory_space<vmem>>) target(%dma_start3A_208 : memref<10240xf32, #tpu.memory_space<hbm>>) target_semaphore(%run_scoped3A_202 : memref<!tpu.dma_semaphore, #tpu.memory_space<semaphore_mem>>)
      %dma_wait3A_209 = arith.constant 0 : i32
      %dma_wait3A_210 = tpu.memref_slice %arg8[%add3A, %dma_wait3A_209] : memref<32x10240xf32, #tpu.memory_space<hbm>> -> memref<1x10240xf32, #tpu.memory_space<hbm>>
      %dma_wait3A_211 = tpu.memref_squeeze %dma_wait3A_210 : memref<1x10240xf32, #tpu.memory_space<hbm>> -> memref<10240xf32, #tpu.memory_space<hbm>>
      %dma_wait3A_212 = arith.constant 0 : i32
      %dma_wait3A_213 = tpu.memref_slice %arg8[%add3A, %dma_wait3A_212] : memref<32x10240xf32, #tpu.memory_space<hbm>> -> memref<1x10240xf32, #tpu.memory_space<hbm>>
      %dma_wait3A_214 = tpu.memref_squeeze %dma_wait3A_213 : memref<1x10240xf32, #tpu.memory_space<hbm>> -> memref<10240xf32, #tpu.memory_space<hbm>>
      tpu.wait_dma2 semaphore(%run_scoped3A_202 : memref<!tpu.dma_semaphore, #tpu.memory_space<semaphore_mem>>) src(%arg14 : memref<10240xf32, #tpu.memory_space<vmem>>) dst(%dma_wait3A_214 : memref<10240xf32, #tpu.memory_space<hbm>>)
      tpu.yield
    }) : () -> ()
    %barrier3A_197 = arith.constant 0 : index
    tpu.barrier barrier_id(%barrier3A_197)
    %mul3A_198 = arith.constant 640 : i32
    %mul3A_199 = arith.muli %arg1, %mul3A_198 : i32
    %mul3A_200 = arith.constant 640 : i32
    %mul3A_201 = arith.muli %arg1, %mul3A_200 : i32
    "tpu.region"() ({
      %run_scoped3A_202 = tpu.sem_alloc : memref<!tpu.dma_semaphore, #tpu.memory_space<semaphore_mem>>
      %dma_start3A_203 = arith.constant 0 : i32
      %dma_start3A_204 = tpu.memref_slice %arg6[%arg0, %mul3A_201, %dma_start3A_203] : memref<2x10240x128xf32, #tpu.memory_space<hbm>> -> memref<1x640x128xf32, #tpu.memory_space<hbm>>
      %dma_start3A_205 = tpu.memref_squeeze %dma_start3A_204 : memref<1x640x128xf32, #tpu.memory_space<hbm>> -> memref<640x128xf32, #tpu.memory_space<hbm>>
      %dma_start3A_206 = arith.constant 0 : i32
      %dma_start3A_207 = tpu.memref_slice %arg9[%mul3A_199, %dma_start3A_206] : memref<10240x128xf32, #tpu.memory_space<vmem_shared>> -> memref<640x128xf32, #tpu.memory_space<vmem_shared>>
      tpu.enqueue_dma source(%dma_start3A_207 : memref<640x128xf32, #tpu.memory_space<vmem_shared>>) target(%dma_start3A_205 : memref<640x128xf32, #tpu.memory_space<hbm>>) target_semaphore(%run_scoped3A_202 : memref<!tpu.dma_semaphore, #tpu.memory_space<semaphore_mem>>)
      %dma_wait3A_208 = arith.constant 0 : i32
      %dma_wait3A_209 = tpu.memref_slice %arg6[%arg0, %mul3A_201, %dma_wait3A_208] : memref<2x10240x128xf32, #tpu.memory_space<hbm>> -> memref<1x640x128xf32, #tpu.memory_space<hbm>>
      %dma_wait3A_210 = tpu.memref_squeeze %dma_wait3A_209 : memref<1x640x128xf32, #tpu.memory_space<hbm>> -> memref<640x128xf32, #tpu.memory_space<hbm>>
      %dma_wait3A_211 = arith.constant 0 : i32
      %dma_wait3A_212 = tpu.memref_slice %arg9[%mul3A_199, %dma_wait3A_211] : memref<10240x128xf32, #tpu.memory_space<vmem_shared>> -> memref<640x128xf32, #tpu.memory_space<vmem_shared>>
      tpu.wait_dma2 semaphore(%run_scoped3A_202 : memref<!tpu.dma_semaphore, #tpu.memory_space<semaphore_mem>>) src(%dma_wait3A_212 : memref<640x128xf32, #tpu.memory_space<vmem_shared>>) dst(%dma_wait3A_210 : memref<640x128xf32, #tpu.memory_space<hbm>>)
      tpu.yield
    }) : () -> ()
    return
  }
}

module attributes {stable_mosaic.version = 14 : i64} {
  func.func @_tc_mid_body(%arg0: i32, %arg1: memref<10240x128xf32, #tpu.memory_space<vmem>>, %arg2: memref<2x10240x128xf32, #tpu.memory_space<vmem>>, %arg3: memref<32x10240xf32, #tpu.memory_space<vmem>>, %arg4: memref<128x128xf32, #tpu.memory_space<vmem>>, %arg5: memref<1x128xf32, #tpu.memory_space<vmem>>, %arg6: memref<128x128xf32, #tpu.memory_space<vmem>>, %arg7: memref<128x256xf32, #tpu.memory_space<vmem>>, %arg8: memref<1x128xf32, #tpu.memory_space<vmem>>, %arg9: memref<10240x128xf32, #tpu.memory_space<vmem>>, %arg10: memref<10240x128xf32, #tpu.memory_space<vmem>>, %arg11: memref<10240x128xf32, #tpu.memory_space<vmem>>) attributes {dimension_semantics = [#tpu.dimension_semantics<arbitrary>], iteration_bounds = array<i64: 1>, scalar_prefetch = 0 : i64, scratch_operands = 0 : i64, tpu.core_type = #tpu.core_type<tc>, window_params = [{transform_indices = @transform_0, window_bounds = array<i64: 10240, 128>}, {transform_indices = @transform_1, window_bounds = array<i64: 2, 10240, 128>}, {transform_indices = @transform_2, window_bounds = array<i64: 32, 10240>}, {pipeline_mode = #tpu.pipeline_mode<synchronous>, transform_indices = @transform_3, window_bounds = array<i64: 128, 128>}, {pipeline_mode = #tpu.pipeline_mode<synchronous>, transform_indices = @transform_4, window_bounds = array<i64: 1, 128>}, {pipeline_mode = #tpu.pipeline_mode<synchronous>, transform_indices = @transform_5, window_bounds = array<i64: 128, 128>}, {pipeline_mode = #tpu.pipeline_mode<synchronous>, transform_indices = @transform_6, window_bounds = array<i64: 128, 256>}, {pipeline_mode = #tpu.pipeline_mode<synchronous>, transform_indices = @transform_7, window_bounds = array<i64: 1, 128>}, {transform_indices = @transform_8, window_bounds = array<i64: 10240, 128>}, {transform_indices = @transform_9, window_bounds = array<i64: 10240, 128>}, {transform_indices = @transform_10, window_bounds = array<i64: 10240, 128>}]} {
    %get3A = arith.constant 0 : index
    %get3A_0 = arith.constant 0 : index
    %get3A_1 = arith.constant 0 : index
    %get3A_2 = vector.load %arg2[%get3A, %get3A_0, %get3A_1] : memref<2x10240x128xf32, #tpu.memory_space<vmem>>, vector<2x10240x128xf32>
    %slice3A = vector.extract_strided_slice %get3A_2 {offsets = [0, 0, 0], sizes = [1, 10240, 128], strides = [1, 1, 1]} : vector<2x10240x128xf32> to vector<1x10240x128xf32>
    %squeeze3A = vector.shape_cast %slice3A : vector<1x10240x128xf32> to vector<10240x128xf32>
    %slice3A_3 = vector.extract_strided_slice %get3A_2 {offsets = [1, 0, 0], sizes = [1, 10240, 128], strides = [1, 1, 1]} : vector<2x10240x128xf32> to vector<1x10240x128xf32>
    %squeeze3A_4 = vector.shape_cast %slice3A_3 : vector<1x10240x128xf32> to vector<10240x128xf32>
    %add3A = arith.addf %squeeze3A, %squeeze3A_4 : vector<10240x128xf32>
    %get3A_5 = arith.constant 0 : index
    %get3A_6 = arith.constant 0 : index
    %get3A_7 = vector.load %arg3[%get3A_5, %get3A_6] : memref<32x10240xf32, #tpu.memory_space<vmem>>, vector<32x10240xf32>
    %reduce_sum3A = arith.constant dense<0.000000e+00> : vector<10240xf32>
    %reduce_sum3A_8 = vector.multi_reduction <add>, %get3A_7, %reduce_sum3A [0] : vector<32x10240xf32> to vector<10240xf32>
    %max3A = arith.constant 1.000000e+00 : f32
    %max3A_9 = vector.broadcast %max3A : f32 to vector<10240xf32>
    %max3A_10 = arith.maximumf %reduce_sum3A_8, %max3A_9 : vector<10240xf32>
    %broadcast_in_dim3A = vector.shape_cast %max3A_10 : vector<10240xf32> to vector<10240x1xf32>
    %div3A = vector.broadcast %broadcast_in_dim3A : vector<10240x1xf32> to vector<10240x128xf32>
    %div3A_11 = arith.divf %add3A, %div3A : vector<10240x128xf32>
    %get3A_12 = arith.constant 0 : index
    %get3A_13 = arith.constant 0 : index
    %get3A_14 = vector.load %arg1[%get3A_12, %get3A_13] : memref<10240x128xf32, #tpu.memory_space<vmem>>, vector<10240x128xf32>
    %get3A_15 = arith.constant 0 : index
    %get3A_16 = arith.constant 0 : index
    %get3A_17 = vector.load %arg4[%get3A_15, %get3A_16] : memref<128x128xf32, #tpu.memory_space<vmem>>, vector<128x128xf32>
    %get3A_18 = arith.constant 0 : index
    %get3A_19 = arith.constant 0 : index
    %get3A_20 = vector.load %arg6[%get3A_18, %get3A_19] : memref<128x128xf32, #tpu.memory_space<vmem>>, vector<128x128xf32>
    %get3A_21 = arith.constant 0 : index
    %get3A_22 = arith.constant 0 : index
    %get3A_23 = vector.load %arg7[%get3A_21, %get3A_22] : memref<128x256xf32, #tpu.memory_space<vmem>>, vector<128x256xf32>
    %dot_general3A = arith.constant dense<0.000000e+00> : vector<10240x128xf32>
    %dot_general3A_24 = tpu.matmul %div3A_11, %get3A_17, %dot_general3A {dimension_numbers = #tpu.dot_dimension_numbers<[1], [1], [0], [0], [0, 0, 1, 0], [], []>, transpose_lhs_hint = false} : vector<10240x128xf32>, vector<128x128xf32>, vector<10240x128xf32> -> vector<10240x128xf32>
    %dot_general3A_25 = arith.constant dense<0.000000e+00> : vector<10240x128xf32>
    %dot_general3A_26 = tpu.matmul %get3A_14, %get3A_20, %dot_general3A_25 {dimension_numbers = #tpu.dot_dimension_numbers<[1], [1], [0], [0], [0, 0, 1, 0], [], []>, transpose_lhs_hint = false} : vector<10240x128xf32>, vector<128x128xf32>, vector<10240x128xf32> -> vector<10240x128xf32>
    %add3A_27 = arith.addf %dot_general3A_24, %dot_general3A_26 : vector<10240x128xf32>
    %get3A_28 = arith.constant 0 : index
    %get3A_29 = arith.constant 0 : index
    %get3A_30 = vector.load %arg5[%get3A_28, %get3A_29] : memref<1x128xf32, #tpu.memory_space<vmem>>, vector<1x128xf32>
    %add3A_31 = vector.broadcast %get3A_30 : vector<1x128xf32> to vector<10240x128xf32>
    %add3A_32 = arith.addf %add3A_27, %add3A_31 : vector<10240x128xf32>
    %max3A_33 = arith.constant 0.000000e+00 : f32
    %max3A_34 = vector.broadcast %max3A_33 : f32 to vector<10240x128xf32>
    %max3A_35 = arith.maximumf %add3A_32, %max3A_34 : vector<10240x128xf32>
    %slice3A_36 = vector.extract_strided_slice %get3A_23 {offsets = [0, 0], sizes = [128, 128], strides = [1, 1]} : vector<128x256xf32> to vector<128x128xf32>
    %dot_general3A_37 = arith.constant dense<0.000000e+00> : vector<10240x128xf32>
    %dot_general3A_38 = tpu.matmul %max3A_35, %slice3A_36, %dot_general3A_37 {dimension_numbers = #tpu.dot_dimension_numbers<[1], [1], [0], [0], [0, 0, 1, 0], [], []>, transpose_lhs_hint = false} : vector<10240x128xf32>, vector<128x128xf32>, vector<10240x128xf32> -> vector<10240x128xf32>
    %slice3A_39 = vector.extract_strided_slice %get3A_23 {offsets = [0, 128], sizes = [128, 128], strides = [1, 1]} : vector<128x256xf32> to vector<128x128xf32>
    %dot_general3A_40 = arith.constant dense<0.000000e+00> : vector<10240x128xf32>
    %dot_general3A_41 = tpu.matmul %max3A_35, %slice3A_39, %dot_general3A_40 {dimension_numbers = #tpu.dot_dimension_numbers<[1], [1], [0], [0], [0, 0, 1, 0], [], []>, transpose_lhs_hint = false} : vector<10240x128xf32>, vector<128x128xf32>, vector<10240x128xf32> -> vector<10240x128xf32>
    %get3A_42 = arith.constant 0 : index
    %get3A_43 = arith.constant 0 : index
    %get3A_44 = vector.load %arg8[%get3A_42, %get3A_43] : memref<1x128xf32, #tpu.memory_space<vmem>>, vector<1x128xf32>
    %add3A_45 = vector.broadcast %get3A_44 : vector<1x128xf32> to vector<10240x128xf32>
    %add3A_46 = arith.addf %dot_general3A_41, %add3A_45 : vector<10240x128xf32>
    %swap3A = arith.constant 0 : index
    %swap3A_47 = arith.constant 0 : index
    %swap3A_48 = vector.load %arg9[%swap3A, %swap3A_47] : memref<10240x128xf32, #tpu.memory_space<vmem>>, vector<10240x128xf32>
    tpu.vector_store %arg9[%swap3A, %swap3A_47], %dot_general3A_38 {strides = array<i32>} : memref<10240x128xf32, #tpu.memory_space<vmem>>, vector<10240x128xf32>,
    %swap3A_49 = arith.constant 0 : index
    %swap3A_50 = arith.constant 0 : index
    %swap3A_51 = vector.load %arg10[%swap3A_49, %swap3A_50] : memref<10240x128xf32, #tpu.memory_space<vmem>>, vector<10240x128xf32>
    tpu.vector_store %arg10[%swap3A_49, %swap3A_50], %add3A_46 {strides = array<i32>} : memref<10240x128xf32, #tpu.memory_space<vmem>>, vector<10240x128xf32>,
    %mul3A = arith.mulf %add3A_46, %add3A_46 : vector<10240x128xf32>
    %swap3A_52 = arith.constant 0 : index
    %swap3A_53 = arith.constant 0 : index
    %swap3A_54 = vector.load %arg11[%swap3A_52, %swap3A_53] : memref<10240x128xf32, #tpu.memory_space<vmem>>, vector<10240x128xf32>
    tpu.vector_store %arg11[%swap3A_52, %swap3A_53], %mul3A {strides = array<i32>} : memref<10240x128xf32, #tpu.memory_space<vmem>>, vector<10240x128xf32>,
    return
  }
  func.func @transform_0(%arg0: i32) -> (i32, i32) {
    %c0_i32 = arith.constant 0 : i32
    %c0_i32_0 = arith.constant 0 : i32
    return %arg0, %c0_i32 : i32, i32
  }
  func.func @transform_1(%arg0: i32) -> (i32, i32, i32) {
    %c0_i32 = arith.constant 0 : i32
    %c0_i32_0 = arith.constant 0 : i32
    %c0_i32_1 = arith.constant 0 : i32
    return %c0_i32, %arg0, %c0_i32_0 : i32, i32, i32
  }
  func.func @transform_2(%arg0: i32) -> (i32, i32) {
    %c0_i32 = arith.constant 0 : i32
    %c0_i32_0 = arith.constant 0 : i32
    return %c0_i32, %arg0 : i32, i32
  }
  func.func @transform_3(%arg0: i32) -> (i32, i32) {
    %c0_i32 = arith.constant 0 : i32
    %c0_i32_0 = arith.constant 0 : i32
    %c0_i32_1 = arith.constant 0 : i32
    return %c0_i32, %c0_i32_0 : i32, i32
  }
  func.func @transform_4(%arg0: i32) -> (i32, i32) {
    %c0_i32 = arith.constant 0 : i32
    %c0_i32_0 = arith.constant 0 : i32
    %c0_i32_1 = arith.constant 0 : i32
    return %c0_i32, %c0_i32_0 : i32, i32
  }
  func.func @transform_5(%arg0: i32) -> (i32, i32) {
    %c0_i32 = arith.constant 0 : i32
    %c0_i32_0 = arith.constant 0 : i32
    %c0_i32_1 = arith.constant 0 : i32
    return %c0_i32, %c0_i32_0 : i32, i32
  }
  func.func @transform_6(%arg0: i32) -> (i32, i32) {
    %c0_i32 = arith.constant 0 : i32
    %c0_i32_0 = arith.constant 0 : i32
    %c0_i32_1 = arith.constant 0 : i32
    return %c0_i32, %c0_i32_0 : i32, i32
  }
  func.func @transform_7(%arg0: i32) -> (i32, i32) {
    %c0_i32 = arith.constant 0 : i32
    %c0_i32_0 = arith.constant 0 : i32
    %c0_i32_1 = arith.constant 0 : i32
    return %c0_i32, %c0_i32_0 : i32, i32
  }
  func.func @transform_8(%arg0: i32) -> (i32, i32) {
    %c0_i32 = arith.constant 0 : i32
    %c0_i32_0 = arith.constant 0 : i32
    return %arg0, %c0_i32 : i32, i32
  }
  func.func @transform_9(%arg0: i32) -> (i32, i32) {
    %c0_i32 = arith.constant 0 : i32
    %c0_i32_0 = arith.constant 0 : i32
    return %arg0, %c0_i32 : i32, i32
  }
  func.func @transform_10(%arg0: i32) -> (i32, i32) {
    %c0_i32 = arith.constant 0 : i32
    %c0_i32_0 = arith.constant 0 : i32
    return %arg0, %c0_i32 : i32, i32
  }
}

module attributes {stable_mosaic.version = 14 : i64} {
  func.func @_tc_out_body(%arg0: i32, %arg1: memref<10240x128xf32, #tpu.memory_space<vmem>>, %arg2: memref<2x10240x128xf32, #tpu.memory_space<vmem>>, %arg3: memref<32x10240xf32, #tpu.memory_space<vmem>>, %arg4: memref<10240x128xf32, #tpu.memory_space<vmem>>) attributes {dimension_semantics = [#tpu.dimension_semantics<arbitrary>], iteration_bounds = array<i64: 1>, scalar_prefetch = 0 : i64, scratch_operands = 0 : i64, tpu.core_type = #tpu.core_type<tc>, window_params = [{transform_indices = @transform_0, window_bounds = array<i64: 10240, 128>}, {transform_indices = @transform_1, window_bounds = array<i64: 2, 10240, 128>}, {transform_indices = @transform_2, window_bounds = array<i64: 32, 10240>}, {transform_indices = @transform_3, window_bounds = array<i64: 10240, 128>}]} {
    %get3A = arith.constant 0 : index
    %get3A_0 = arith.constant 0 : index
    %get3A_1 = arith.constant 0 : index
    %get3A_2 = vector.load %arg2[%get3A, %get3A_0, %get3A_1] : memref<2x10240x128xf32, #tpu.memory_space<vmem>>, vector<2x10240x128xf32>
    %slice3A = vector.extract_strided_slice %get3A_2 {offsets = [0, 0, 0], sizes = [1, 10240, 128], strides = [1, 1, 1]} : vector<2x10240x128xf32> to vector<1x10240x128xf32>
    %squeeze3A = vector.shape_cast %slice3A : vector<1x10240x128xf32> to vector<10240x128xf32>
    %slice3A_3 = vector.extract_strided_slice %get3A_2 {offsets = [1, 0, 0], sizes = [1, 10240, 128], strides = [1, 1, 1]} : vector<2x10240x128xf32> to vector<1x10240x128xf32>
    %squeeze3A_4 = vector.shape_cast %slice3A_3 : vector<1x10240x128xf32> to vector<10240x128xf32>
    %get3A_5 = arith.constant 0 : index
    %get3A_6 = arith.constant 0 : index
    %get3A_7 = vector.load %arg3[%get3A_5, %get3A_6] : memref<32x10240xf32, #tpu.memory_space<vmem>>, vector<32x10240xf32>
    %reduce_sum3A = arith.constant dense<0.000000e+00> : vector<10240xf32>
    %reduce_sum3A_8 = vector.multi_reduction <add>, %get3A_7, %reduce_sum3A [0] : vector<32x10240xf32> to vector<10240xf32>
    %broadcast_in_dim3A = vector.shape_cast %reduce_sum3A_8 : vector<10240xf32> to vector<10240x1xf32>
    %get3A_9 = arith.constant 0 : index
    %get3A_10 = arith.constant 0 : index
    %get3A_11 = vector.load %arg1[%get3A_9, %get3A_10] : memref<10240x128xf32, #tpu.memory_space<vmem>>, vector<10240x128xf32>
    %mul3A = vector.broadcast %broadcast_in_dim3A : vector<10240x1xf32> to vector<10240x128xf32>
    %mul3A_12 = arith.mulf %mul3A, %get3A_11 : vector<10240x128xf32>
    %mul3A_13 = arith.mulf %mul3A_12, %get3A_11 : vector<10240x128xf32>
    %mul3A_14 = arith.constant 2.000000e+00 : f32
    %mul3A_15 = vector.broadcast %mul3A_14 : f32 to vector<10240x128xf32>
    %mul3A_16 = arith.mulf %mul3A_15, %get3A_11 : vector<10240x128xf32>
    %mul3A_17 = arith.mulf %mul3A_16, %squeeze3A : vector<10240x128xf32>
    %add3A = arith.addf %mul3A_13, %mul3A_17 : vector<10240x128xf32>
    %add3A_18 = arith.addf %add3A, %squeeze3A_4 : vector<10240x128xf32>
    %max3A = arith.constant 1.000000e+00 : f32
    %max3A_19 = vector.broadcast %max3A : f32 to vector<10240x1xf32>
    %max3A_20 = arith.maximumf %broadcast_in_dim3A, %max3A_19 : vector<10240x1xf32>
    %div3A = vector.broadcast %max3A_20 : vector<10240x1xf32> to vector<10240x128xf32>
    %div3A_21 = arith.divf %add3A_18, %div3A : vector<10240x128xf32>
    %tanh3A = math.tanh %div3A_21 : vector<10240x128xf32>
    %swap3A = arith.constant 0 : index
    %swap3A_22 = arith.constant 0 : index
    %swap3A_23 = vector.load %arg4[%swap3A, %swap3A_22] : memref<10240x128xf32, #tpu.memory_space<vmem>>, vector<10240x128xf32>
    tpu.vector_store %arg4[%swap3A, %swap3A_22], %tanh3A {strides = array<i32>} : memref<10240x128xf32, #tpu.memory_space<vmem>>, vector<10240x128xf32>,
    return
  }
  func.func @transform_0(%arg0: i32) -> (i32, i32) {
    %c0_i32 = arith.constant 0 : i32
    %c0_i32_0 = arith.constant 0 : i32
    return %arg0, %c0_i32 : i32, i32
  }
  func.func @transform_1(%arg0: i32) -> (i32, i32, i32) {
    %c0_i32 = arith.constant 0 : i32
    %c0_i32_0 = arith.constant 0 : i32
    %c0_i32_1 = arith.constant 0 : i32
    return %c0_i32, %arg0, %c0_i32_0 : i32, i32, i32
  }
  func.func @transform_2(%arg0: i32) -> (i32, i32) {
    %c0_i32 = arith.constant 0 : i32
    %c0_i32_0 = arith.constant 0 : i32
    return %c0_i32, %arg0 : i32, i32
  }
  func.func @transform_3(%arg0: i32) -> (i32, i32) {
    %c0_i32 = arith.constant 0 : i32
    %c0_i32_0 = arith.constant 0 : i32
    return %arg0, %c0_i32 : i32, i32
  }
}

</mosaic_0001>

<sc_bundles>
// kernel: kernel.6.cloned.1.call-start
scs
__scs_entry_jumppad:
0x0: {  	(pc) =	sbr.rel $0x88, $3  }
0x1: {  	(tag) =	ssettag $0x0;
	lr =	simm.s32 $0x1  }
0x2: {  	[smem:$0x3F9A] =	sst lr;
	_ =	strace $0xD0000000  }
0x3: {  	_ = 	snop  }
0x4: {  	_ = 	snop  }
0x5: {  	_ = 	snop  }
0x6: {  	_ = 	snop  }
0x7: {  	_ = 	snop  }
__scs_overlays_trampoline_lowered:
0x8: {  	[smem:$0x3FA9] =	sst s0  }
0x9: {  	[smem:$0x3FAA] =	sst s1  }
0xa: {  	[smem:$0x3FAB] =	sst s2  }
0xb: {  	[smem:$0x3FAC] =	sst s3  }
0xc: {  	[smem:$0x3FAD] =	sst s4  }
0xd: {  	[smem:$0x3FAE] =	sst s5  }
0xe: {  	[smem:$0x3FAF] =	sst s6  }
0xf: {  	[smem:$0x3FB0] =	sst s7  }
0x10: {  	[smem:$0x3FB1] =	sst s8  }
0x11: {  	[smem:$0x3FB2] =	sst s9;
	s0 =	simm.s32 @!p0 $0x0  }
0x12: {  	s1 =	sld [smem:$0x3F98];
	s0 =	simm.s32 @p0 $0x1  }
0x13: {  	[smem:$0x3FB3] =	sst s0;
	s0 =	simm.s32 @!p1 $0x0  }
0x14: {  	s2 =	sld [smem:$0x3F97];
	s0 =	simm.s32 @p1 $0x1  }
0x15: {  	[smem:$0x3FB4] =	sst s0;
	s0 =	simm.s32 @!p2 $0x0  }
0x16: {  	s3 =	sld [smem:$0x3FDB];
	s0 =	simm.s32 @p2 $0x1  }
0x17: {  	s4 =	simm.s32 $0x1BF5;
	[smem:$0x3FB6] =	sst s0  }
0x18: {  	s0 =	sld [smem:$0x3F99];
	_ =	swait.ge [sflag:s4], $0x0  }
0x19: {  	s7 =	sld [smem:$0x3F9A]  }
0x1a: {  	s8 =	sadd.s32 $0xFFFFE003, lr  }
0x1b: {  	s9 =	sadd.s32 $0xFFFFFEF7, lr;
	s5 =	simm.s32 $0xFFFFFFFF;
	p2 =	slt.u32 s8, $0xFFFFF086  }
0x1c: {  	p1 =	slt.u32 s9, $0xF7A;
	s5 =	simm.s32 @!p2 $0x0  }
0x1d: {  	s5 =	simm.s32 @p1 $0x1;
	p0 =	seq.s32 s7, s2  }
0x1e: {  	s7 =	smul.u32 @!p0 $0xF7A, s2;
	p2 =	seq.s32 @!p0 s5, $0x0  }
0x1f: {  	s9 =	smul.u32 $0xF7A, s1;
	s8 =	simm.s32 @!p0 $0x1BF5;
	p2 =	por !p2, p0  }
0x20: {  	[sflag:s8] =	ssyncset.s32 @!p0 $0xFFFFF086;
	s6 =	sadd.s32 @!p0 s3, s7;
	s7 =	simm.s32 @!p0 $0x108  }
0x21: {  	s3 =	sadd.s32 s3, s9;
	s6 =	sadd.s32 @!p0 $0x88, s6;
	s7 =	simm.s32 @p2 $0x1082  }
0x22: {  	[simem:s7], [sflag:s8] =	dma.local @!p0 [hbm:s6], $0xF7A  }
0x23: {  	s9 =	sor.u32 $0xD0000000, s2;
	s6 =	simm.s32 $0x108;
	_ =	swait.ge @!p0 [sflag:s8], $0x0  }
0x24: {  	s3 =	sadd.s32 $0x88, s3;
	s6 =	simm.s32 @!p1 $0x1082;
	[sflag:s4] =	ssyncset.s32 $0xFFFFF086  }
0x25: {  	[simem:s6], [sflag:s4] =	dma.local [hbm:s3], $0xF7A  }
0x26: {  	[smem:$0x3F9A] =	sst s1;
	(tag) =	ssettag s2;
	_ =	strace s9  }
0x27: {  	s1 =	sld [smem:$0x3FAA]  }
0x28: {  	s2 =	sld [smem:$0x3FAB]  }
0x29: {  	s4 =	sld [smem:$0x3FAD]  }
0x2a: {  	p0 =	seq.s32 s5, $0x0;
	s5 =	sld [smem:$0x3FAE]  }
0x2b: {  	s6 =	sld [smem:$0x3FAF]  }
0x2c: {  	s7 =	sld [smem:$0x3FB0]  }
0x2d: {  	s3 =	simm.s32 $0x108;
	s8 =	sld [smem:$0x3FB1]  }
0x2e: {  	s3 =	simm.s32 @!p0 $0x1082;
	s9 =	sld [smem:$0x3FB2]  }
0x2f: {  	lr =	sadd.s32 s0, s3;
	s0 =	sld [smem:$0x3FA9]  }
0x30: {  	s3 =	sld [smem:$0x3FAC]  }
0x31: {  	[smem:$0x3FB5] =	sst s10  }
0x32: {  	s10 =	sld [smem:$0x3FB3];
	_ =	sdelay $0x3  }
0x33: {  	p0 =	seq.s32 s10, $0x1;
	s10 =	sld [smem:$0x3FB5];
	_ =	sdelay $0x3  }
0x34: {  	[smem:$0x3FB5] =	sst s10  }
0x35: {  	s10 =	sld [smem:$0x3FB4];
	_ =	sdelay $0x3  }
0x36: {  	p1 =	seq.s32 s10, $0x1;
	s10 =	sld [smem:$0x3FB5];
	_ =	sdelay $0x3  }
0x37: {  	[smem:$0x3FB5] =	sst s10  }
0x38: {  	s10 =	sld [smem:$0x3FB6]  }
0x39: {  	_ = 	snop;
	(pc) =	sbr.ind lr, $3  }
0x3a: {  	_ = 	snop  }
0x3b: {  	_ = 	snop  }
0x3c: {  	p2 =	seq.s32 s10, $0x1;
	s10 =	sld [smem:$0x3FB5]  }
0x3d: {  	_ =	shalt  }
0x3e: {  	_ =	shalt  }
0x3f: {  	_ =	shalt  }
0x40: {  	_ =	shalt  }
0x41: {  	_ =	shalt  }
0x42: {  	_ =	shalt  }
0x43: {  	_ =	shalt  }
0x44: {  	_ =	shalt  }
0x45: {  	_ =	shalt  }
0x46: {  	_ =	shalt  }
0x47: {  	_ =	shalt  }
0x48: {  	_ =	shalt  }
0x49: {  	_ =	shalt  }
0x4a: {  	_ =	shalt  }
0x4b: {  	_ =	shalt  }
0x4c: {  	_ =	shalt  }
0x4d: {  	_ =	shalt  }
0x4e: {  	_ =	shalt  }
0x4f: {  	_ =	shalt  }
0x50: {  	_ =	shalt  }
0x51: {  	_ =	shalt  }
0x52: {  	_ =	shalt  }
0x53: {  	_ =	shalt  }
0x54: {  	_ =	shalt  }
0x55: {  	_ =	shalt  }
0x56: {  	_ =	shalt  }
0x57: {  	_ =	shalt  }
0x58: {  	_ =	shalt  }
0x59: {  	_ =	shalt  }
0x5a: {  	_ =	shalt  }
0x5b: {  	_ =	shalt  }
0x5c: {  	_ =	shalt  }
0x5d: {  	_ =	shalt  }
0x5e: {  	_ =	shalt  }
0x5f: {  	_ =	shalt  }
0x60: {  	_ =	shalt  }
0x61: {  	_ =	shalt  }
0x62: {  	_ =	shalt  }
0x63: {  	_ =	shalt  }
0x64: {  	_ =	shalt  }
0x65: {  	_ =	shalt  }
0x66: {  	_ =	shalt  }
0x67: {  	_ =	shalt  }
0x68: {  	_ =	shalt  }
0x69: {  	_ =	shalt  }
0x6a: {  	_ =	shalt  }
0x6b: {  	_ =	shalt  }
0x6c: {  	_ =	shalt  }
0x6d: {  	_ =	shalt  }
0x6e: {  	_ =	shalt  }
0x6f: {  	_ =	shalt  }
0x70: {  	_ =	shalt  }
0x71: {  	_ =	shalt  }
0x72: {  	_ =	shalt  }
0x73: {  	_ =	shalt  }
0x74: {  	_ =	shalt  }
0x75: {  	_ =	shalt  }
0x76: {  	_ =	shalt  }
0x77: {  	_ =	shalt  }
0x78: {  	_ =	shalt  }
0x79: {  	_ =	shalt  }
0x7a: {  	_ =	shalt  }
0x7b: {  	_ =	shalt  }
0x7c: {  	_ =	shalt  }
0x7d: {  	_ =	shalt  }
0x7e: {  	_ =	shalt  }
0x7f: {  	_ =	shalt  }
0x80: {  	_ =	shalt  }
0x81: {  	_ =	shalt  }
0x82: {  	_ =	shalt  }
0x83: {  	_ =	shalt  }
0x84: {  	_ =	shalt  }
0x85: {  	_ =	shalt  }
0x86: {  	_ =	shalt  }
0x87: {  	_ =	shalt  }
.Lfunc_end0:
.L_simem_size_0:
called_computation_lowered:
.L_overlay_start_0:
0x88: {  	s2 =	sld [smem:$0x3FD9]  }
0x89: {  	s3 =	sld [smem:$0x3FFE];
	_ =	sdelay $0x1  }
0x8a: {  	s1 =	srdreg.scid  }
0x8b: {  	s0 =	sand.u32 $0x1, s1  }
0x8c: {  	s17 =	sshll.u32 s0, $0xA;
	s2 =	sadd.s32 s3, s2  }
0x8d: {  	s2 =	sadd.s32 s2, s17  }
0x8e: {  	[smem:$0x3FC1] =	sst s2  }
0x8f: {  	_ = 	snop  }
0x90: {  	s2 =	sld [smem:$0x3FD0];
	(tm) =	ssettm $0x1  }
0x91: {  	s18 =	sld [smem:$0x3FFB];
	_ =	sdelay $0x3  }
0x92: {  	_ =	strace s18  }
0x93: {  	s3 =	sld [smem:$0x3FFC];
	_ =	sdelay $0x3  }
0x94: {  	_ =	strace s3  }
0x95: {  	s3 =	sld [smem:$0x3FFD];
	_ =	sdelay $0x3  }
0x96: {  	_ =	strace s3  }
0x97: {  	_ =	strace $0x8FFFFFFF  }
0x98: {  	s19 =	sld [smem:$0x3FDB];
	_ =	sdelay $0x1  }
0x99: {  	s4 =	simm.s32 $_scs_section_size  }
0x9a: {  	s5 =	simm.s32 $_size__tile_overlayer_lowered;
	s6 =	simm.s32 $_tile_overlayer_lowered  }
0x9b: {  	s22 =	simm.s32 $0x1BFF;
	s21 =	sshll.u32 s6, $0x1;
	s3 =	sadd.s32 s4, s19  }
0x9c: {  	s7 =	simm.s32 $0x0;
	s20 =	sshll.u32 s5, $0x1;
	s5 =	sadd.s32 s21, s3  }
0x9d: {  	[timem:s7], [sflag:s22] =	dma.local [hbm:s5], s20  }
0x9e: {  	_ =	swait.ge [sflag:s22], s20  }
0x9f: {  	s4 =	ssub.s32 $0x0, s20;
	[sflag:s22] =	ssyncset.done $0x0  }
0xa0: {  	[sflag:s22] =	ssyncadd.s32 s4;
	_ =	sdelay $0x1  }
0xa1: {  	s23 =	simm.s32 $0x1B8B  }
0xa2: {  	_ =	swait.ge [sflag:s23], $0x1  }
0xa3: {  	[sflag:s23] =	ssyncset.done $0x0  }
0xa4: {  	s25 =	simm.s32 $0x1B8E;
	s24 =	sld [smem:$0x3FFE];
	[sflag:s23] =	ssyncadd.s32 $0xFFFFFFFF  }
0xa5: {  	s26 =	simm.s32 $execute0_lowered;
	[smem:$0x3FD2] =	sst s25  }
0xa6: {  	s5 =	sshll.u32 s26, $0x1;
	_ =	strace $0x80000046;
	[dreg:$0x1] =	wrdreg $0xFFFFFFFF  }
0xa7: {  	s28 =	simm.s32 $_size_execute0_lowered;
	s3 =	sadd.s32 s3, s5;
	[dreg:$0x0] =	wrdreg $0x0  }
0xa8: {  	s5 =	sshll.u32 s28, $0x1;
	[dreg:$0x2] =	wrdreg s3  }
0xa9: {  	[dreg:$0x3] =	wrdreg s5  }
0xaa: {  	[dreg:$0x4] =	wrdreg $0xC0  }
0xab: {  	_ =	task [dreg:s7], $0x5FFFF  }
0xac: {  	[dreg:$0x1] =	wrdreg $0xFFFFFFFF  }
0xad: {  	[dreg:$0x0] =	wrdreg $0x60  }
0xae: {  	[dreg:$0x2] =	wrdreg s24  }
0xaf: {  	[dreg:$0x3] =	wrdreg s2  }
0xb0: {  	[dreg:$0x4] =	wrdreg $0x0  }
0xb1: {  	[dreg:$0x5] =	wrdreg $0x9  }
0xb2: {  	_ =	task.clear_ibuf [dreg:s7], $0x6FFFF;
	_ =	strace $0x90000046  }
0xb3: {  	s29 =	simm.s32 $0x9;
	_ =	strace $0x80000048  }
0xb4: {  	_ =	swait.ge [sflag:s29], $0x1  }
0xb5: {  	[sflag:s29] =	ssyncadd.s32 $0xFFFFFFFF  }
0xb6: {  	_ =	strace $0x90000048  }
0xb7: {  	_ =	sfence  }
0xb8: {  	s30 =	sld [smem:$0x0];
	_ =	sdelay $0x2  }
0xb9: {  	s31 =	sshll.u32 s1, $0xD;
	s1 =	sshrl.u32 s1, $0x2  }
0xba: {  	s3 =	sand.u32 $0x4000, s31;
	s1 =	sadd.s32 s1, s30  }
0xbb: {  	s0 =	sor.u32 s3, s0;
	s1 =	sshll.u32 s1, $0x11  }
0xbc: {  	s0 =	sor.u32 s1, s0  }
0xbd: {  	s0 =	sadd.s32 $0x8F2B, s0  }
0xbe: {  	[sflag:s0] =	ssyncadd.remote.s32 $0x1  }
0xbf: {  	_ =	sfence.sel $0xFFFF  }
0xc0: {  	[dreg:$0x0] =	wrdreg $0xFFFFFFFF;
	(pc) =	sbr.abs _section_cstart, $3  }
0xc1: {  	[dreg:$0x1] =	wrdreg $0xFFFFFFFF  }
0xc2: {  	_ =	task.clear_ibuf [dreg:s7], $0x2FFFF;
	_ =	strace $0x9FFFFFFF  }
0xc3: {  	(tm) =	ssettm $0x7FFFFFFF  }
tec
execute0_lowered:
.L_overlay_start_1:
0x0: {  	(tag) =	ssettag $0x1  }
0x1: {  	s0 =	rddreg [dreg:$0x0]  }
0x2: {  	s2 =	rddreg [dreg:$0x1]  }
0x3: {  	s1 =	rddreg [dreg:$0x2]  }
0x4: {  	s3 =	srdreg.scid;
	s13 =	stileid.u32  }
0x5: {  	s28 =	simm.s32 $0x2;
	s29 =	simm.s32 $0x14180;
	s30 =	simm.s32 $0x3  }
0x6: {  	s31 =	simm.s32 $0x4;
	s5 =	sand.u32 $0x1, s3;
	s3 =	simm.s32 $0x0  }
0x7: {  	s7 =	smul.u32 $0x14000, s13;
	s10 =	sshll.u32 s13, $0x7;
	s11 =	sadd.s32 $0x2AA00, s0  }
0x8: {  	s18 =	smul.u32 $0x50000, s13;
	s22 =	sshll.u32 s13, $0x6;
	s23 =	sshll.u32 s13, $0xC  }
0x9: {  	s4 =	sshll.u32 s5, $0x4;
	[smem:$0x7FF] =	sst s3;
	s6 =	smul.u32 $0x140000, s5  }
0xa: {  	s10 =	sand.u32 $0x380, s10;
	s17 =	ssub.s32 $0x2, s5;
	s5 =	sshll.u32 s5, $0x10  }
0xb: {  	s8 =	sor.u32 s13, s4;
	_ =	strace $0x80000047;
	s4 =	sadd.s32 $0x2400, s0  }
0xc: {  	[dreg:$0x4] =	wrdreg s11;
	s19 =	sshrl.u32 s17, $0x1;
	s21 =	sshrl.u32 s18, $0x2  }
0xd: {  	s5 =	sor.u32 s23, s5;
	s18 =	simm.s32 $0x19200;
	s23 =	simm.s32 $0x14100  }
0xe: {  	s9 =	sshrl.u32 s8, $0x3;
	s7 =	sadd.s32 s7, s6;
	s6 =	sadd.s32 $0x2A400, s0  }
0xf: {  	s20 =	ssub.s32 s17, s19;
	s16 =	sadd.s32 s21, s1;
	s8 =	sshll.u32 s8, $0xC  }
0x10: {  	s26 =	sadd.s32 s5, s2;
	s17 =	simm.s32 $0x5;
	s19 =	simm.s32 $0x1BA00  }
0x11: {  	s21 =	simm.s32 $0x50;
	s5 =	simm.s32 $0x0;
	s9 =	smul.u32 $0x14000, s9  }
0x12: {  	s7 =	sshrl.u32 s7, $0x3;
	s8 =	sadd.s32 s2, s8;
	s13 =	smax.u32 s20, $0x1  }
0x13: {  	s14 =	sadd.s32 $0x60, s26;
	s15 =	sadd.s32 $0x40, s26;
	s16 =	sshrl.u32 s16, $0x3  }
0x14: {  	s20 =	simm.s32 $0x14000;
	s26 =	simm.s32 $0x14080;
	s2 =	simm.s32 $0x400  }
0x15: {  	s12 =	sadd.s32 s7, s0;
	s7 =	sor.u32 $0x1C05, s22;
	s9 =	sor.u32 s10, s9  }
0x16: {  	s24 =	sadd.s32 $0x20, s8;
	s22 =	simm.s32 $0x14200;
	s9 =	sshrl.u32 s9, $0x3  }
0x17: {  	[dreg:$0x5] =	wrdreg s24;
	s12 =	sadd.s32 $0x37200, s12;
	s0 =	sadd.s32 s9, s0  }
0x18: {  	s24 =	simm.s32 $0x16A00;
	s25 =	sadd.s32 $0x2D200, s0;
	s11 =	sadd.s32 $0x87200, s0  }
0x19: {  	v0 =	vimm.f32 $1.000000000e+00;
	s0 =	simm.s32 $0x80;
	[dreg:$0x6] =	wrdreg s25;
	s25 =	simm.s32 $0x1  }
.LBB2_1:
0x1a: {  	s9 =	rddreg [dreg:$0x4]  }
0x1b: {  	[spmem:s16], [sflag:s7] =	dma.local [hbm:s9], $0x2800  }
0x1c: {  	_ =	swait.ge [sflag:s17], $0x2800  }
0x1d: {  	[sflag:s17] =	ssyncset.done $0x0  }
0x1e: {  	[sflag:s17] =	ssyncadd.s32 $0xFFFFD800  }
0x1f: {  	[tilespmem:s18], [sflag:$0x5] =	stream.linear.gather [hbm4b:s6+s3], $0x2800, $0x38;
	[tilespmem:$0x1E200] =	vst v63  }
0x20: {  	_ =	swait.ge [sflag:s17], $0x2800  }
0x21: {  	[sflag:s17] =	ssyncset.done $0x0  }
0x22: {  	[sflag:s17] =	ssyncadd.s32 $0xFFFFD800  }
0x23: {  	[tilespmem:s19], [sflag:$0x5] =	stream.linear.gather [hbm4b:s6+s3], $0x2800, $0x38;
	[tilespmem:$0x1E200] =	vst v63  }
0x24: {  	_ =	swait.ge [sflag:s17], $0x2800  }
0x25: {  	[sflag:s17] =	ssyncset.done $0x0  }
0x26: {  	[sflag:s17] =	ssyncadd.s32 $0xFFFFD800  }
0x27: {  	[bflag:$0x0] =	sbarrier.arrive $0xFFFF  }
0x28: {  	[tilespmem:s20], [sflag:$0x5] =	stream.linear.gather [hbm4b:s8+s3], $0x100, $0x38;
	[tilespmem:$0x1E200] =	vst v63  }
0x29: {  	_ =	swait.ge [sflag:s17], $0x100  }
0x2a: {  	[sflag:s17] =	ssyncset.done $0x0  }
0x2b: {  	[sflag:s17] =	ssyncadd.s32 $0xFFFFFF00  }
0x2c: {  	[tilespmem:s22], [sflag:$0x1] =	stream.indirect.gather [hbm4b:s4+s21], $0x80, s20, s21, $0xb8;
	[tilespmem:$0x1E200] =	vst v63  }
0x2d: {  	s10 =	rddreg [dreg:$0x5]  }
0x2e: {  	[tilespmem:s23], [sflag:$0x5] =	stream.linear.gather [hbm4b:s10+s3], $0x100, $0x38;
	[tilespmem:$0x1E200] =	vst v63  }
0x2f: {  	_ =	swait.ge [sflag:s17], $0x100  }
0x30: {  	[sflag:s17] =	ssyncset.done $0x0  }
0x31: {  	s9 =	simm.s32 $0x0;
	[sflag:s17] =	ssyncadd.s32 $0xFFFFFF00  }
0x32: {  	[tilespmem:s24], [sflag:$0x2] =	stream.indirect.gather [hbm4b:s4+s21], $0x80, s23, s21, $0xb8;
	[tilespmem:$0x1E200] =	vst v63  }
.LBB2_2:
0x33: {  	v1 =	vld [tilespmem:$0x14000];
	_ =	sdelay $0x7  }
0x34: {  	[tilespmem:v1+s19+$0x0] =	vst.idx.add.f32.msk $0xffff, v0  }
0x35: {  	v1 =	vld [tilespmem:$0x14080];
	_ =	sdelay $0x7  }
0x36: {  	[tilespmem:v1+s18+$0x0] =	vst.idx.add.f32.msk $0xffff, v0  }
0x37: {  	v1 =	vld [tilespmem:$0x14010];
	_ =	sdelay $0x7  }
0x38: {  	[tilespmem:v1+s19+$0x0] =	vst.idx.add.f32.msk $0xffff, v0  }
0x39: {  	v1 =	vld [tilespmem:$0x14090];
	_ =	sdelay $0x7  }
0x3a: {  	[tilespmem:v1+s18+$0x0] =	vst.idx.add.f32.msk $0xffff, v0  }
0x3b: {  	v1 =	vld [tilespmem:$0x14020];
	_ =	sdelay $0x7  }
0x3c: {  	[tilespmem:v1+s19+$0x0] =	vst.idx.add.f32.msk $0xffff, v0  }
0x3d: {  	v1 =	vld [tilespmem:$0x140A0];
	_ =	sdelay $0x7  }
0x3e: {  	[tilespmem:v1+s18+$0x0] =	vst.idx.add.f32.msk $0xffff, v0  }
0x3f: {  	v1 =	vld [tilespmem:$0x14030];
	_ =	sdelay $0x7  }
0x40: {  	[tilespmem:v1+s19+$0x0] =	vst.idx.add.f32.msk $0xffff, v0  }
0x41: {  	v1 =	vld [tilespmem:$0x140B0];
	_ =	sdelay $0x7  }
0x42: {  	[tilespmem:v1+s18+$0x0] =	vst.idx.add.f32.msk $0xffff, v0  }
0x43: {  	v1 =	vld [tilespmem:$0x14040];
	_ =	sdelay $0x7  }
0x44: {  	[tilespmem:v1+s19+$0x0] =	vst.idx.add.f32.msk $0xffff, v0  }
0x45: {  	v1 =	vld [tilespmem:$0x140C0];
	_ =	sdelay $0x7  }
0x46: {  	[tilespmem:v1+s18+$0x0] =	vst.idx.add.f32.msk $0xffff, v0  }
0x47: {  	_ =	swait.ge [sflag:s25], $0x2800  }
0x48: {  	[sflag:s25] =	ssyncset.done $0x0  }
0x49: {  	[sflag:s25] =	ssyncadd.s32 $0xFFFFD800  }
0x4a: {  	[spmem:s1] =	stream.indirect.scatter.add.f32 [tilespmem:s22], [sflag:$0x3], $0x80, s26, s21, $0xb8;
	[tilespmem:$0x1E200] =	vst v63  }
0x4b: {  	v1 =	vld [tilespmem:$0x14100];
	_ =	sdelay $0x7  }
0x4c: {  	[tilespmem:v1+s19+$0x0] =	vst.idx.add.f32.msk $0xffff, v0  }
0x4d: {  	v1 =	vld [tilespmem:$0x14180];
	_ =	sdelay $0x7  }
0x4e: {  	[tilespmem:v1+s18+$0x0] =	vst.idx.add.f32.msk $0xffff, v0  }
0x4f: {  	v1 =	vld [tilespmem:$0x14110];
	_ =	sdelay $0x7  }
0x50: {  	[tilespmem:v1+s19+$0x0] =	vst.idx.add.f32.msk $0xffff, v0  }
0x51: {  	v1 =	vld [tilespmem:$0x14190];
	_ =	sdelay $0x7  }
0x52: {  	[tilespmem:v1+s18+$0x0] =	vst.idx.add.f32.msk $0xffff, v0  }
0x53: {  	v1 =	vld [tilespmem:$0x14120];
	_ =	sdelay $0x7  }
0x54: {  	[tilespmem:v1+s19+$0x0] =	vst.idx.add.f32.msk $0xffff, v0  }
0x55: {  	v1 =	vld [tilespmem:$0x141A0];
	_ =	sdelay $0x7  }
0x56: {  	[tilespmem:v1+s18+$0x0] =	vst.idx.add.f32.msk $0xffff, v0  }
0x57: {  	v1 =	vld [tilespmem:$0x14130];
	_ =	sdelay $0x7  }
0x58: {  	[tilespmem:v1+s19+$0x0] =	vst.idx.add.f32.msk $0xffff, v0  }
0x59: {  	v1 =	vld [tilespmem:$0x141B0];
	_ =	sdelay $0x7  }
0x5a: {  	[tilespmem:v1+s18+$0x0] =	vst.idx.add.f32.msk $0xffff, v0  }
0x5b: {  	v1 =	vld [tilespmem:$0x14140];
	_ =	sdelay $0x7  }
0x5c: {  	[tilespmem:v1+s19+$0x0] =	vst.idx.add.f32.msk $0xffff, v0  }
0x5d: {  	v1 =	vld [tilespmem:$0x141C0];
	_ =	sdelay $0x7  }
0x5e: {  	[tilespmem:v1+s18+$0x0] =	vst.idx.add.f32.msk $0xffff, v0  }
0x5f: {  	_ =	swait.ge [sflag:s28], $0x2800  }
0x60: {  	[sflag:s28] =	ssyncset.done $0x0  }
0x61: {  	[sflag:s28] =	ssyncadd.s32 $0xFFFFD800  }
0x62: {  	[spmem:s1] =	stream.indirect.scatter.add.f32 [tilespmem:s24], [sflag:$0x4], $0x80, s29, s21, $0xb8;
	[tilespmem:$0x1E200] =	vst v63  }
0x63: {  	_ =	swait.ge [sflag:s30], $0x2800  }
0x64: {  	[sflag:s30] =	ssyncset.done $0x0  }
0x65: {  	s10 =	sadd.s32 s9, s15;
	[sflag:s30] =	ssyncadd.s32 $0xFFFFD800  }
0x66: {  	[tilespmem:s20], [sflag:$0x5] =	stream.linear.gather [hbm4b:s10+s3], $0x100, $0x38;
	[tilespmem:$0x1E200] =	vst v63  }
0x67: {  	_ =	swait.ge [sflag:s17], $0x100  }
0x68: {  	[sflag:s17] =	ssyncset.done $0x0  }
0x69: {  	[sflag:s17] =	ssyncadd.s32 $0xFFFFFF00  }
0x6a: {  	[tilespmem:s22], [sflag:$0x1] =	stream.indirect.gather [hbm4b:s4+s21], $0x80, s20, s21, $0xb8;
	[tilespmem:$0x1E200] =	vst v63  }
0x6b: {  	_ =	swait.ge [sflag:s31], $0x2800  }
0x6c: {  	[sflag:s31] =	ssyncset.done $0x0  }
0x6d: {  	p0 =	sne.s32 s9, $0xF80;
	s10 =	sadd.s32 s9, s14;
	[sflag:s31] =	ssyncadd.s32 $0xFFFFD800  }
0x6e: {  	[tilespmem:s23], [sflag:$0x5] =	stream.linear.gather [hbm4b:s10+s3], $0x100, $0x38;
	[tilespmem:$0x1E200] =	vst v63  }
.Ltmp0:
0x6f: {  	_ = 	snop;
	(pc) =	sbr.rel @p0 .LBB2_2-.Ltmp0, $4  }
0x70: {  	_ =	swait.ge [sflag:s17], $0x100  }
0x71: {  	[sflag:s17] =	ssyncset.done $0x0  }
0x72: {  	s9 =	sadd.s32 $0x40, s9;
	[sflag:s17] =	ssyncadd.s32 $0xFFFFFF00  }
0x73: {  	[tilespmem:s24], [sflag:$0x2] =	stream.indirect.gather [hbm4b:s4+s21], $0x80, s23, s21, $0xb8;
	[tilespmem:$0x1E200] =	vst v63  }
0x74: {  	v1 =	vld [tilespmem:$0x14000];
	_ =	sdelay $0x7  }
0x75: {  	[tilespmem:v1+s19+$0x0] =	vst.idx.add.f32.msk $0xffff, v0  }
0x76: {  	v1 =	vld [tilespmem:$0x14080];
	_ =	sdelay $0x7  }
0x77: {  	[tilespmem:v1+s18+$0x0] =	vst.idx.add.f32.msk $0xffff, v0  }
0x78: {  	v1 =	vld [tilespmem:$0x14010];
	_ =	sdelay $0x7  }
0x79: {  	[tilespmem:v1+s19+$0x0] =	vst.idx.add.f32.msk $0xffff, v0  }
0x7a: {  	v1 =	vld [tilespmem:$0x14090];
	_ =	sdelay $0x7  }
0x7b: {  	[tilespmem:v1+s18+$0x0] =	vst.idx.add.f32.msk $0xffff, v0  }
0x7c: {  	v1 =	vld [tilespmem:$0x14020];
	_ =	sdelay $0x7  }
0x7d: {  	[tilespmem:v1+s19+$0x0] =	vst.idx.add.f32.msk $0xffff, v0  }
0x7e: {  	v1 =	vld [tilespmem:$0x140A0];
	_ =	sdelay $0x7  }
0x7f: {  	[tilespmem:v1+s18+$0x0] =	vst.idx.add.f32.msk $0xffff, v0  }
0x80: {  	v1 =	vld [tilespmem:$0x14030];
	_ =	sdelay $0x7  }
0x81: {  	[tilespmem:v1+s19+$0x0] =	vst.idx.add.f32.msk $0xffff, v0  }
0x82: {  	v1 =	vld [tilespmem:$0x140B0];
	_ =	sdelay $0x7  }
0x83: {  	[tilespmem:v1+s18+$0x0] =	vst.idx.add.f32.msk $0xffff, v0  }
0x84: {  	v1 =	vld [tilespmem:$0x14040];
	_ =	sdelay $0x7  }
0x85: {  	[tilespmem:v1+s19+$0x0] =	vst.idx.add.f32.msk $0xffff, v0  }
0x86: {  	v1 =	vld [tilespmem:$0x140C0];
	_ =	sdelay $0x7  }
0x87: {  	[tilespmem:v1+s18+$0x0] =	vst.idx.add.f32.msk $0xffff, v0  }
0x88: {  	_ =	swait.ge [sflag:s25], $0x2800  }
0x89: {  	[sflag:s25] =	ssyncset.done $0x0  }
0x8a: {  	[sflag:s25] =	ssyncadd.s32 $0xFFFFD800  }
0x8b: {  	[spmem:s1] =	stream.indirect.scatter.add.f32 [tilespmem:s22], [sflag:$0x3], $0x80, s26, s21, $0xb8;
	[tilespmem:$0x1E200] =	vst v63  }
0x8c: {  	v1 =	vld [tilespmem:$0x14100];
	_ =	sdelay $0x7  }
0x8d: {  	[tilespmem:v1+s19+$0x0] =	vst.idx.add.f32.msk $0xffff, v0  }
0x8e: {  	v1 =	vld [tilespmem:$0x14180];
	_ =	sdelay $0x7  }
0x8f: {  	[tilespmem:v1+s18+$0x0] =	vst.idx.add.f32.msk $0xffff, v0  }
0x90: {  	v1 =	vld [tilespmem:$0x14110];
	_ =	sdelay $0x7  }
0x91: {  	[tilespmem:v1+s19+$0x0] =	vst.idx.add.f32.msk $0xffff, v0  }
0x92: {  	v1 =	vld [tilespmem:$0x14190];
	_ =	sdelay $0x7  }
0x93: {  	[tilespmem:v1+s18+$0x0] =	vst.idx.add.f32.msk $0xffff, v0  }
0x94: {  	v1 =	vld [tilespmem:$0x14120];
	_ =	sdelay $0x7  }
0x95: {  	[tilespmem:v1+s19+$0x0] =	vst.idx.add.f32.msk $0xffff, v0  }
0x96: {  	v1 =	vld [tilespmem:$0x141A0];
	_ =	sdelay $0x7  }
0x97: {  	[tilespmem:v1+s18+$0x0] =	vst.idx.add.f32.msk $0xffff, v0  }
0x98: {  	v1 =	vld [tilespmem:$0x14130];
	_ =	sdelay $0x7  }
0x99: {  	[tilespmem:v1+s19+$0x0] =	vst.idx.add.f32.msk $0xffff, v0  }
0x9a: {  	v1 =	vld [tilespmem:$0x141B0];
	_ =	sdelay $0x7  }
0x9b: {  	[tilespmem:v1+s18+$0x0] =	vst.idx.add.f32.msk $0xffff, v0  }
0x9c: {  	v1 =	vld [tilespmem:$0x14140];
	_ =	sdelay $0x7  }
0x9d: {  	[tilespmem:v1+s19+$0x0] =	vst.idx.add.f32.msk $0xffff, v0  }
0x9e: {  	v1 =	vld [tilespmem:$0x141C0];
	_ =	sdelay $0x7  }
0x9f: {  	[tilespmem:v1+s18+$0x0] =	vst.idx.add.f32.msk $0xffff, v0  }
0xa0: {  	_ =	swait.ge [sflag:s28], $0x2800  }
0xa1: {  	[sflag:s28] =	ssyncset.done $0x0  }
0xa2: {  	[sflag:s28] =	ssyncadd.s32 $0xFFFFD800  }
0xa3: {  	[spmem:s1] =	stream.indirect.scatter.add.f32 [tilespmem:s24], [sflag:$0x4], $0x80, s29, s21, $0xb8;
	[tilespmem:$0x1E200] =	vst v63  }
0xa4: {  	_ =	swait.ge [sflag:s30], $0x2800  }
0xa5: {  	[sflag:s30] =	ssyncset.done $0x0  }
0xa6: {  	[sflag:s30] =	ssyncadd.s32 $0xFFFFD800  }
0xa7: {  	_ =	swait.ge [sflag:s31], $0x2800  }
0xa8: {  	[sflag:s31] =	ssyncset.done $0x0  }
0xa9: {  	s9 =	rddreg [dreg:$0x6];
	[sflag:s31] =	ssyncadd.s32 $0xFFFFD800  }
0xaa: {  	[hbm4b:s9+s0] =	stream.strided.scatter [tilespmem:s18], [sflag:$0x5], $0x2800, s2, s0, $0x38;
	[tilespmem:$0x1E200] =	vst v63  }
0xab: {  	_ =	swait.ge [sflag:s17], $0x2800  }
0xac: {  	[sflag:s17] =	ssyncset.done $0x0  }
0xad: {  	[sflag:s17] =	ssyncadd.s32 $0xFFFFD800  }
0xae: {  	[hbm4b:s11+s0] =	stream.strided.scatter [tilespmem:s19], [sflag:$0x5], $0x2800, s2, s0, $0x38;
	[tilespmem:$0x1E200] =	vst v63  }
0xaf: {  	_ =	swait.ge [sflag:s17], $0x2800  }
0xb0: {  	s5 =	sadd.s32 $0x1, s5;
	[sflag:s17] =	ssyncset.done $0x0  }
0xb1: {  	p0 =	sne.s32 s5, s13;
	[sflag:s17] =	ssyncadd.s32 $0xFFFFD800  }
.Ltmp1:
0xb2: {  	[bflag:$0x0] =	sbarrier.arrive $0xFFFF;
	(pc) =	sbr.rel @p0 .LBB2_1-.Ltmp1, $4  }
0xb3: {  	[hbm:s12], [sflag:s7] =	dma.local [spmem:s16], $0x2800  }
0xb4: {  	_ =	swait.ge [sflag:s17], $0x2800  }
0xb5: {  	[sflag:s17] =	ssyncset.done $0x0  }
0xb6: {  	[sflag:s17] =	ssyncadd.s32 $0xFFFFD800  }
0xb7: {  	_ =	sfence.sel $0x180000  }
0xb8: {  	[bflag:$0x0] =	sbarrier.arrive $0xFFFF  }
0xb9: {  	_ =	strace $0x90000047  }
0xba: {  	s0 =	stileid.u32;
	[bflag:$0x2] =	sbarrier.arrive $0xFFFF  }
0xbb: {  	p0 =	sne.s32 s0, $0x0;
	s0 =	rddreg [dreg:$0x3]  }
0xbc: {  	s0 =	sadd.s32 @!p0 $0x100000, s0  }
0xbd: {  	[sflag:s0] =	ssyncadd.tile.s32 @!p0 $0x1;
	_ =	shalt  }
.Lfunc_end2:
_tile_overlayer_lowered:
.L_overlay_start_2:
0xbe: {  	(tag) =	ssettag $0x2  }
0xbf: {  	s0 =	rddreg [dreg:$0x0];
	s2 =	stileid.u32  }
0xc0: {  	s1 =	rddreg [dreg:$0x1];
	p0 =	sne.s32 s2, $0x0  }
0xc1: {  	s3 =	rddreg [dreg:$0x2];
	[bflag:$0x3] =	sbarrier.arrive $0xFFFF;
	s2 =	simm.s32 @!p0 $0x1C05  }
0xc2: {  	[timem:s3], [sflag:s2] =	dma.local @!p0 [hbm:s0], s1  }
0xc3: {  	s0 =	simm.s32 @!p0 $0x5  }
0xc4: {  	_ =	swait.ge @!p0 [sflag:s0], s1  }
0xc5: {  	s1 =	ssub.s32 @!p0 $0x0, s1;
	[sflag:s0] =	ssyncset.done @!p0 $0x0  }
0xc6: {  	[sflag:s0] =	ssyncadd.s32 @!p0 s1  }
0xc7: {  	[bflag:$0x3] =	sbarrier.arrive $0xFFFF  }
0xc8: {  	_ =	shalt  }

// kernel: kernel.9.cloned.1.call-start
scs
__scs_entry_jumppad:
0x0: {  	(pc) =	sbr.rel $0x88, $3  }
0x1: {  	(tag) =	ssettag $0x0;
	lr =	simm.s32 $0x1  }
0x2: {  	[smem:$0x3F9A] =	sst lr;
	_ =	strace $0xD0000000  }
0x3: {  	_ = 	snop  }
0x4: {  	_ = 	snop  }
0x5: {  	_ = 	snop  }
0x6: {  	_ = 	snop  }
0x7: {  	_ = 	snop  }
__scs_overlays_trampoline_lowered:
0x8: {  	[smem:$0x3FA9] =	sst s0  }
0x9: {  	[smem:$0x3FAA] =	sst s1  }
0xa: {  	[smem:$0x3FAB] =	sst s2  }
0xb: {  	[smem:$0x3FAC] =	sst s3  }
0xc: {  	[smem:$0x3FAD] =	sst s4  }
0xd: {  	[smem:$0x3FAE] =	sst s5  }
0xe: {  	[smem:$0x3FAF] =	sst s6  }
0xf: {  	[smem:$0x3FB0] =	sst s7  }
0x10: {  	[smem:$0x3FB1] =	sst s8  }
0x11: {  	[smem:$0x3FB2] =	sst s9;
	s0 =	simm.s32 @!p0 $0x0  }
0x12: {  	s1 =	sld [smem:$0x3F98];
	s0 =	simm.s32 @p0 $0x1  }
0x13: {  	[smem:$0x3FB3] =	sst s0;
	s0 =	simm.s32 @!p1 $0x0  }
0x14: {  	s2 =	sld [smem:$0x3F97];
	s0 =	simm.s32 @p1 $0x1  }
0x15: {  	[smem:$0x3FB4] =	sst s0;
	s0 =	simm.s32 @!p2 $0x0  }
0x16: {  	s3 =	sld [smem:$0x3FDB];
	s0 =	simm.s32 @p2 $0x1  }
0x17: {  	s4 =	simm.s32 $0x1BF5;
	[smem:$0x3FB6] =	sst s0  }
0x18: {  	s0 =	sld [smem:$0x3F99];
	_ =	swait.ge [sflag:s4], $0x0  }
0x19: {  	s7 =	sld [smem:$0x3F9A]  }
0x1a: {  	s8 =	sadd.s32 $0xFFFFE003, lr  }
0x1b: {  	s9 =	sadd.s32 $0xFFFFFEF7, lr;
	s5 =	simm.s32 $0xFFFFFFFF;
	p2 =	slt.u32 s8, $0xFFFFF086  }
0x1c: {  	p1 =	slt.u32 s9, $0xF7A;
	s5 =	simm.s32 @!p2 $0x0  }
0x1d: {  	s5 =	simm.s32 @p1 $0x1;
	p0 =	seq.s32 s7, s2  }
0x1e: {  	s7 =	smul.u32 @!p0 $0xF7A, s2;
	p2 =	seq.s32 @!p0 s5, $0x0  }
0x1f: {  	s9 =	smul.u32 $0xF7A, s1;
	s8 =	simm.s32 @!p0 $0x1BF5;
	p2 =	por !p2, p0  }
0x20: {  	[sflag:s8] =	ssyncset.s32 @!p0 $0xFFFFF086;
	s6 =	sadd.s32 @!p0 s3, s7;
	s7 =	simm.s32 @!p0 $0x108  }
0x21: {  	s3 =	sadd.s32 s3, s9;
	s6 =	sadd.s32 @!p0 $0x88, s6;
	s7 =	simm.s32 @p2 $0x1082  }
0x22: {  	[simem:s7], [sflag:s8] =	dma.local @!p0 [hbm:s6], $0xF7A  }
0x23: {  	s9 =	sor.u32 $0xD0000000, s2;
	s6 =	simm.s32 $0x108;
	_ =	swait.ge @!p0 [sflag:s8], $0x0  }
0x24: {  	s3 =	sadd.s32 $0x88, s3;
	s6 =	simm.s32 @!p1 $0x1082;
	[sflag:s4] =	ssyncset.s32 $0xFFFFF086  }
0x25: {  	[simem:s6], [sflag:s4] =	dma.local [hbm:s3], $0xF7A  }
0x26: {  	[smem:$0x3F9A] =	sst s1;
	(tag) =	ssettag s2;
	_ =	strace s9  }
0x27: {  	s1 =	sld [smem:$0x3FAA]  }
0x28: {  	s2 =	sld [smem:$0x3FAB]  }
0x29: {  	s4 =	sld [smem:$0x3FAD]  }
0x2a: {  	p0 =	seq.s32 s5, $0x0;
	s5 =	sld [smem:$0x3FAE]  }
0x2b: {  	s6 =	sld [smem:$0x3FAF]  }
0x2c: {  	s7 =	sld [smem:$0x3FB0]  }
0x2d: {  	s3 =	simm.s32 $0x108;
	s8 =	sld [smem:$0x3FB1]  }
0x2e: {  	s3 =	simm.s32 @!p0 $0x1082;
	s9 =	sld [smem:$0x3FB2]  }
0x2f: {  	lr =	sadd.s32 s0, s3;
	s0 =	sld [smem:$0x3FA9]  }
0x30: {  	s3 =	sld [smem:$0x3FAC]  }
0x31: {  	[smem:$0x3FB5] =	sst s10  }
0x32: {  	s10 =	sld [smem:$0x3FB3];
	_ =	sdelay $0x3  }
0x33: {  	p0 =	seq.s32 s10, $0x1;
	s10 =	sld [smem:$0x3FB5];
	_ =	sdelay $0x3  }
0x34: {  	[smem:$0x3FB5] =	sst s10  }
0x35: {  	s10 =	sld [smem:$0x3FB4];
	_ =	sdelay $0x3  }
0x36: {  	p1 =	seq.s32 s10, $0x1;
	s10 =	sld [smem:$0x3FB5];
	_ =	sdelay $0x3  }
0x37: {  	[smem:$0x3FB5] =	sst s10  }
0x38: {  	s10 =	sld [smem:$0x3FB6]  }
0x39: {  	_ = 	snop;
	(pc) =	sbr.ind lr, $3  }
0x3a: {  	_ = 	snop  }
0x3b: {  	_ = 	snop  }
0x3c: {  	p2 =	seq.s32 s10, $0x1;
	s10 =	sld [smem:$0x3FB5]  }
0x3d: {  	_ =	shalt  }
0x3e: {  	_ =	shalt  }
0x3f: {  	_ =	shalt  }
0x40: {  	_ =	shalt  }
0x41: {  	_ =	shalt  }
0x42: {  	_ =	shalt  }
0x43: {  	_ =	shalt  }
0x44: {  	_ =	shalt  }
0x45: {  	_ =	shalt  }
0x46: {  	_ =	shalt  }
0x47: {  	_ =	shalt  }
0x48: {  	_ =	shalt  }
0x49: {  	_ =	shalt  }
0x4a: {  	_ =	shalt  }
0x4b: {  	_ =	shalt  }
0x4c: {  	_ =	shalt  }
0x4d: {  	_ =	shalt  }
0x4e: {  	_ =	shalt  }
0x4f: {  	_ =	shalt  }
0x50: {  	_ =	shalt  }
0x51: {  	_ =	shalt  }
0x52: {  	_ =	shalt  }
0x53: {  	_ =	shalt  }
0x54: {  	_ =	shalt  }
0x55: {  	_ =	shalt  }
0x56: {  	_ =	shalt  }
0x57: {  	_ =	shalt  }
0x58: {  	_ =	shalt  }
0x59: {  	_ =	shalt  }
0x5a: {  	_ =	shalt  }
0x5b: {  	_ =	shalt  }
0x5c: {  	_ =	shalt  }
0x5d: {  	_ =	shalt  }
0x5e: {  	_ =	shalt  }
0x5f: {  	_ =	shalt  }
0x60: {  	_ =	shalt  }
0x61: {  	_ =	shalt  }
0x62: {  	_ =	shalt  }
0x63: {  	_ =	shalt  }
0x64: {  	_ =	shalt  }
0x65: {  	_ =	shalt  }
0x66: {  	_ =	shalt  }
0x67: {  	_ =	shalt  }
0x68: {  	_ =	shalt  }
0x69: {  	_ =	shalt  }
0x6a: {  	_ =	shalt  }
0x6b: {  	_ =	shalt  }
0x6c: {  	_ =	shalt  }
0x6d: {  	_ =	shalt  }
0x6e: {  	_ =	shalt  }
0x6f: {  	_ =	shalt  }
0x70: {  	_ =	shalt  }
0x71: {  	_ =	shalt  }
0x72: {  	_ =	shalt  }
0x73: {  	_ =	shalt  }
0x74: {  	_ =	shalt  }
0x75: {  	_ =	shalt  }
0x76: {  	_ =	shalt  }
0x77: {  	_ =	shalt  }
0x78: {  	_ =	shalt  }
0x79: {  	_ =	shalt  }
0x7a: {  	_ =	shalt  }
0x7b: {  	_ =	shalt  }
0x7c: {  	_ =	shalt  }
0x7d: {  	_ =	shalt  }
0x7e: {  	_ =	shalt  }
0x7f: {  	_ =	shalt  }
0x80: {  	_ =	shalt  }
0x81: {  	_ =	shalt  }
0x82: {  	_ =	shalt  }
0x83: {  	_ =	shalt  }
0x84: {  	_ =	shalt  }
0x85: {  	_ =	shalt  }
0x86: {  	_ =	shalt  }
0x87: {  	_ =	shalt  }
.Lfunc_end0:
.L_simem_size_0:
called_computation.1_lowered:
.L_overlay_start_0:
0x88: {  	s2 =	sld [smem:$0x3FD9]  }
0x89: {  	s3 =	sld [smem:$0x3FFE];
	_ =	sdelay $0x1  }
0x8a: {  	s1 =	srdreg.scid  }
0x8b: {  	s0 =	sand.u32 $0x1, s1  }
0x8c: {  	s16 =	sshll.u32 s0, $0xA;
	s2 =	sadd.s32 s3, s2  }
0x8d: {  	s2 =	sadd.s32 s2, s16  }
0x8e: {  	[smem:$0x3FC1] =	sst s2  }
0x8f: {  	_ = 	snop  }
0x90: {  	(tm) =	ssettm $0x1  }
0x91: {  	s17 =	sld [smem:$0x3FFB];
	_ =	sdelay $0x3  }
0x92: {  	_ =	strace s17  }
0x93: {  	s2 =	sld [smem:$0x3FFC];
	_ =	sdelay $0x3  }
0x94: {  	_ =	strace s2  }
0x95: {  	s2 =	sld [smem:$0x3FFD];
	_ =	sdelay $0x3  }
0x96: {  	_ =	strace s2  }
0x97: {  	_ =	strace $0x8FFFFFFF  }
0x98: {  	s18 =	sld [smem:$0x3FDB];
	_ =	sdelay $0x1  }
0x99: {  	s19 =	simm.s32 $_scs_section_size  }
0x9a: {  	s4 =	simm.s32 $_size__tile_overlayer_lowered;
	s5 =	simm.s32 $_tile_overlayer_lowered  }
0x9b: {  	s22 =	simm.s32 $0x1BFF;
	s21 =	sshll.u32 s5, $0x1;
	s2 =	sadd.s32 s19, s18  }
0x9c: {  	s6 =	simm.s32 $0x0;
	s20 =	sshll.u32 s4, $0x1;
	s4 =	sadd.s32 s21, s2  }
0x9d: {  	[timem:s6], [sflag:s22] =	dma.local [hbm:s4], s20  }
0x9e: {  	_ =	swait.ge [sflag:s22], s20  }
0x9f: {  	s3 =	ssub.s32 $0x0, s20;
	[sflag:s22] =	ssyncset.done $0x0  }
0xa0: {  	[sflag:s22] =	ssyncadd.s32 s3;
	_ =	sdelay $0x1  }
0xa1: {  	s23 =	simm.s32 $0x1B8B  }
0xa2: {  	_ =	swait.ge [sflag:s23], $0x1  }
0xa3: {  	[sflag:s23] =	ssyncset.done $0x0  }
0xa4: {  	s25 =	simm.s32 $0x1B8E;
	s24 =	sld [smem:$0x3FFE];
	[sflag:s23] =	ssyncadd.s32 $0xFFFFFFFF  }
0xa5: {  	s26 =	simm.s32 $execute0_lowered;
	[smem:$0x3FD2] =	sst s25  }
0xa6: {  	s4 =	sshll.u32 s26, $0x1;
	_ =	strace $0x80000049;
	[dreg:$0x1] =	wrdreg $0xFFFFFFFF  }
0xa7: {  	s28 =	simm.s32 $_size_execute0_lowered;
	s2 =	sadd.s32 s2, s4;
	[dreg:$0x0] =	wrdreg $0x0  }
0xa8: {  	s4 =	sshll.u32 s28, $0x1;
	[dreg:$0x2] =	wrdreg s2  }
0xa9: {  	[dreg:$0x3] =	wrdreg s4  }
0xaa: {  	[dreg:$0x4] =	wrdreg $0xC0  }
0xab: {  	_ =	task [dreg:s6], $0x5FFFF  }
0xac: {  	[dreg:$0x1] =	wrdreg $0xFFFFFFFF  }
0xad: {  	[dreg:$0x0] =	wrdreg $0x60  }
0xae: {  	[dreg:$0x2] =	wrdreg s24  }
0xaf: {  	[dreg:$0x3] =	wrdreg $0x0  }
0xb0: {  	[dreg:$0x4] =	wrdreg $0x9  }
0xb1: {  	_ =	task.clear_ibuf [dreg:s6], $0x5FFFF;
	_ =	strace $0x90000049  }
0xb2: {  	s29 =	simm.s32 $0x9;
	_ =	strace $0x8000004B  }
0xb3: {  	_ =	swait.ge [sflag:s29], $0x1  }
0xb4: {  	[sflag:s29] =	ssyncadd.s32 $0xFFFFFFFF  }
0xb5: {  	_ =	strace $0x9000004B  }
0xb6: {  	_ =	sfence  }
0xb7: {  	s30 =	sld [smem:$0x0];
	_ =	sdelay $0x2  }
0xb8: {  	s31 =	sshll.u32 s1, $0xD;
	s1 =	sshrl.u32 s1, $0x2  }
0xb9: {  	s3 =	sand.u32 $0x4000, s31;
	s1 =	sadd.s32 s1, s30  }
0xba: {  	s0 =	sor.u32 s3, s0;
	s1 =	sshll.u32 s1, $0x11  }
0xbb: {  	s0 =	sor.u32 s1, s0  }
0xbc: {  	s0 =	sadd.s32 $0x8F2B, s0  }
0xbd: {  	[sflag:s0] =	ssyncadd.remote.s32 $0x1  }
0xbe: {  	_ =	sfence.sel $0xFFFF  }
0xbf: {  	[dreg:$0x0] =	wrdreg $0xFFFFFFFF;
	(pc) =	sbr.abs _section_cstart, $3  }
0xc0: {  	[dreg:$0x1] =	wrdreg $0xFFFFFFFF  }
0xc1: {  	_ =	task.clear_ibuf [dreg:s6], $0x2FFFF;
	_ =	strace $0x9FFFFFFF  }
0xc2: {  	(tm) =	ssettm $0x7FFFFFFF  }
0xc3: {  	_ =	shalt  }
tec
execute0_lowered:
.L_overlay_start_1:
0x0: {  	(tag) =	ssettag $0x1  }
0x1: {  	s7 =	rddreg [dreg:$0x0];
	s0 =	stileid.u32  }
0x2: {  	s1 =	srdreg.scid;
	s2 =	rddreg [dreg:$0x1];
	s3 =	simm.s32 $0x0  }
0x3: {  	s15 =	simm.s32 $0x80;
	s16 =	simm.s32 $0x14200;
	s17 =	simm.s32 $0x14100  }
0x4: {  	s18 =	simm.s32 $0x18200;
	s19 =	simm.s32 $0x1;
	s20 =	simm.s32 $0x14080  }
0x5: {  	s21 =	simm.s32 $0x2;
	s22 =	simm.s32 $0x14180;
	s23 =	simm.s32 $0x3  }
0x6: {  	s24 =	simm.s32 $0x4;
	s25 =	simm.s32 $0x0;
	s6 =	smul.u32 $0x1400, s0  }
0x7: {  	s8 =	sand.u32 $0x1, s1;
	s1 =	rddreg [dreg:$0x2];
	s10 =	smul.u32 $0x14000, s0  }
0x8: {  	[smem:$0x7FF] =	sst s3;
	s4 =	sadd.s32 $0x2400, s7;
	s12 =	smul.u32 $0x50000, s0  }
0x9: {  	s5 =	sadd.s32 $0x2D200, s7;
	s31 =	sshll.u32 s0, $0x6;
	s9 =	smul.u32 $0x140000, s8  }
0xa: {  	_ =	strace $0x8000004A;
	s28 =	ssub.s32 $0x2, s8;
	p0 =	seq.s32 s8, $0x1  }
0xb: {  	s11 =	sadd.s32 s6, s7;
	s6 =	sadd.s32 $0x2AA00, s7;
	s29 =	sshrl.u32 s28, $0x1  }
.Ltmp0:
0xc: {  	s30 =	sshrl.u32 s12, $0x2;
	s26 =	sadd.s32 s10, s9;
	(pc) =	sbr.rel .LBB2_1-.Ltmp0, $4  }
0xd: {  	s14 =	ssub.s32 s28, s29;
	s12 =	sadd.s32 s30, s2;
	s9 =	sshrl.u32 s26, $0x3  }
0xe: {  	s8 =	sadd.s32 $0x91200, s11;
	s12 =	sshrl.u32 s12, $0x3;
	s13 =	sadd.s32 s9, s7  }
0xf: {  	s7 =	sor.u32 $0x1C05, s31;
	s9 =	sadd.s32 $0x91220, s11;
	s11 =	smax.u32 s14, $0x1  }
0x10: {  	s14 =	simm.s32 $0x14000;
	s10 =	sadd.s32 $0xA5200, s13;
	s13 =	simm.s32 $0x5  }
.LBB2_7:
0x11: {  	[tilespmem:s18], [sflag:$0x2] =	stream.indirect.gather [hbm4b:s5+s15], $0x80, s17, s15, $0xb8;
	[tilespmem:$0x1C200] =	vst v63  }
.LBB2_8:
0x12: {  	_ =	swait.ge [sflag:s19], $0x4000  }
0x13: {  	[sflag:s19] =	ssyncset.done $0x0  }
0x14: {  	[sflag:s19] =	ssyncadd.s32 $0xFFFFC000  }
0x15: {  	[spmem:s2] =	stream.indirect.scatter.add.f32 [tilespmem:s16], [sflag:$0x3], $0x80, s20, s15, $0xb8;
	[tilespmem:$0x1C200] =	vst v63  }
0x16: {  	_ =	swait.ge [sflag:s21], $0x4000  }
0x17: {  	[sflag:s21] =	ssyncset.done $0x0  }
0x18: {  	[sflag:s21] =	ssyncadd.s32 $0xFFFFC000  }
0x19: {  	[spmem:s2] =	stream.indirect.scatter.add.f32 [tilespmem:s18], [sflag:$0x4], $0x80, s22, s15, $0xb8;
	[tilespmem:$0x1C200] =	vst v63  }
0x1a: {  	_ =	swait.ge [sflag:s23], $0x4000  }
0x1b: {  	[sflag:s23] =	ssyncset.done $0x0  }
0x1c: {  	[sflag:s23] =	ssyncadd.s32 $0xFFFFC000  }
0x1d: {  	_ =	swait.ge [sflag:s24], $0x4000  }
0x1e: {  	s25 =	sadd.s32 $0x1, s25;
	[sflag:s24] =	ssyncset.done $0x0  }
0x1f: {  	p1 =	sne.s32 s25, s11;
	[sflag:s24] =	ssyncadd.s32 $0xFFFFC000  }
.Ltmp1:
0x20: {  	[bflag:$0x0] =	sbarrier.arrive $0xFFFF;
	(pc) =	sbr.rel @!p1 .LBB2_9-.Ltmp1, $4  }
0x21: {  	[hbm:s10], [sflag:s7] =	dma.local [spmem:s12], $0x2800  }
0x22: {  	_ =	swait.ge [sflag:s13], $0x2800  }
0x23: {  	[sflag:s13] =	ssyncset.done $0x0  }
0x24: {  	[sflag:s13] =	ssyncadd.s32 $0xFFFFD800  }
.LBB2_1:
0x25: {  	[spmem:s12], [sflag:s7] =	dma.local [hbm:s6], $0x2800  }
0x26: {  	_ =	swait.ge [sflag:s13], $0x2800  }
0x27: {  	[sflag:s13] =	ssyncset.done $0x0  }
0x28: {  	[sflag:s13] =	ssyncadd.s32 $0xFFFFD800  }
.Ltmp2:
0x29: {  	[bflag:$0x0] =	sbarrier.arrive $0xFFFF;
	(pc) =	sbr.rel @!p0 .LBB2_2-.Ltmp2, $4  }
0x2a: {  	[tilespmem:s14], [sflag:$0x5] =	stream.linear.gather [hbm4b:s8+s3], $0x100, $0x38;
	[tilespmem:$0x1C200] =	vst v63  }
0x2b: {  	_ =	swait.ge [sflag:s13], $0x100  }
0x2c: {  	[sflag:s13] =	ssyncset.done $0x0  }
0x2d: {  	[sflag:s13] =	ssyncadd.s32 $0xFFFFFF00  }
0x2e: {  	[tilespmem:s16], [sflag:$0x1] =	stream.indirect.gather [hbm4b:s5+s15], $0x80, s14, s15, $0xb8;
	[tilespmem:$0x1C200] =	vst v63  }
0x2f: {  	_ = 	snop  }
0x30: {  	[tilespmem:s17], [sflag:$0x5] =	stream.linear.gather [hbm4b:s9+s3], $0x100, $0x38;
	[tilespmem:$0x1C200] =	vst v63  }
0x31: {  	_ =	swait.ge [sflag:s13], $0x100  }
0x32: {  	[sflag:s13] =	ssyncset.done $0x0  }
0x33: {  	[sflag:s13] =	ssyncadd.s32 $0xFFFFFF00  }
0x34: {  	[tilespmem:s18], [sflag:$0x2] =	stream.indirect.gather [hbm4b:s5+s15], $0x80, s17, s15, $0xb8;
	[tilespmem:$0x1C200] =	vst v63  }
0x35: {  	_ =	swait.ge [sflag:s19], $0x4000  }
0x36: {  	[sflag:s19] =	ssyncset.done $0x0  }
0x37: {  	[sflag:s19] =	ssyncadd.s32 $0xFFFFC000  }
0x38: {  	[spmem:s2] =	stream.indirect.scatter.add.f32 [tilespmem:s16], [sflag:$0x3], $0x80, s20, s15, $0xb8;
	[tilespmem:$0x1C200] =	vst v63  }
0x39: {  	_ =	swait.ge [sflag:s21], $0x4000  }
0x3a: {  	[sflag:s21] =	ssyncset.done $0x0  }
0x3b: {  	[sflag:s21] =	ssyncadd.s32 $0xFFFFC000  }
0x3c: {  	[spmem:s2] =	stream.indirect.scatter.add.f32 [tilespmem:s18], [sflag:$0x4], $0x80, s22, s15, $0xb8;
	[tilespmem:$0x1C200] =	vst v63  }
0x3d: {  	_ =	swait.ge [sflag:s23], $0x4000  }
0x3e: {  	s26 =	sadd.s32 $0xFFFFEC40, s8;
	[sflag:s23] =	ssyncset.done $0x0  }
0x3f: {  	s28 =	sadd.s32 $0x1400, s26;
	[sflag:s23] =	ssyncadd.s32 $0xFFFFC000  }
0x40: {  	[tilespmem:s14], [sflag:$0x5] =	stream.linear.gather [hbm4b:s28+s3], $0x100, $0x38;
	[tilespmem:$0x1C200] =	vst v63  }
0x41: {  	_ =	swait.ge [sflag:s13], $0x100  }
0x42: {  	[sflag:s13] =	ssyncset.done $0x0  }
0x43: {  	[sflag:s13] =	ssyncadd.s32 $0xFFFFFF00  }
0x44: {  	[tilespmem:s16], [sflag:$0x1] =	stream.indirect.gather [hbm4b:s5+s15], $0x80, s14, s15, $0xb8;
	[tilespmem:$0x1C200] =	vst v63  }
0x45: {  	_ =	swait.ge [sflag:s24], $0x4000  }
0x46: {  	[sflag:s24] =	ssyncset.done $0x0  }
0x47: {  	s26 =	sadd.s32 $0x1420, s26;
	[sflag:s24] =	ssyncadd.s32 $0xFFFFC000  }
0x48: {  	[tilespmem:s17], [sflag:$0x5] =	stream.linear.gather [hbm4b:s26+s3], $0x100, $0x38;
	[tilespmem:$0x1C200] =	vst v63  }
0x49: {  	_ =	swait.ge [sflag:s13], $0x100  }
0x4a: {  	[sflag:s13] =	ssyncset.done $0x0  }
0x4b: {  	s26 =	simm.s32 $0xFFFFEC80;
	[sflag:s13] =	ssyncadd.s32 $0xFFFFFF00  }
.LBB2_6:
0x4c: {  	[tilespmem:s18], [sflag:$0x2] =	stream.indirect.gather [hbm4b:s5+s15], $0x80, s17, s15, $0xb8;
	[tilespmem:$0x1C200] =	vst v63  }
0x4d: {  	s28 =	smov.u32 s26  }
0x4e: {  	p1 =	sne.s32 s26, $0xFFFFFFC0;
	s26 =	sadd.s32 $0x40, s26;
	_ =	swait.ge [sflag:s19], $0x4000  }
0x4f: {  	[sflag:s19] =	ssyncset.done $0x0  }
0x50: {  	[sflag:s19] =	ssyncadd.s32 $0xFFFFC000  }
0x51: {  	[spmem:s2] =	stream.indirect.scatter.add.f32 [tilespmem:s16], [sflag:$0x3], $0x80, s20, s15, $0xb8;
	[tilespmem:$0x1C200] =	vst v63  }
0x52: {  	_ =	swait.ge [sflag:s21], $0x4000  }
0x53: {  	[sflag:s21] =	ssyncset.done $0x0  }
0x54: {  	[sflag:s21] =	ssyncadd.s32 $0xFFFFC000  }
0x55: {  	[spmem:s2] =	stream.indirect.scatter.add.f32 [tilespmem:s18], [sflag:$0x4], $0x80, s22, s15, $0xb8;
	[tilespmem:$0x1C200] =	vst v63  }
0x56: {  	_ =	swait.ge [sflag:s23], $0x4000  }
0x57: {  	s28 =	sadd.s32 s28, s8;
	[sflag:s23] =	ssyncset.done $0x0  }
0x58: {  	s29 =	sadd.s32 $0x1400, s28;
	[sflag:s23] =	ssyncadd.s32 $0xFFFFC000  }
0x59: {  	[tilespmem:s14], [sflag:$0x5] =	stream.linear.gather [hbm4b:s29+s3], $0x100, $0x38;
	[tilespmem:$0x1C200] =	vst v63  }
0x5a: {  	_ =	swait.ge [sflag:s13], $0x100  }
0x5b: {  	[sflag:s13] =	ssyncset.done $0x0  }
0x5c: {  	[sflag:s13] =	ssyncadd.s32 $0xFFFFFF00  }
0x5d: {  	[tilespmem:s16], [sflag:$0x1] =	stream.indirect.gather [hbm4b:s5+s15], $0x80, s14, s15, $0xb8;
	[tilespmem:$0x1C200] =	vst v63  }
0x5e: {  	_ =	swait.ge [sflag:s24], $0x4000  }
0x5f: {  	[sflag:s24] =	ssyncset.done $0x0  }
.Ltmp3:
0x60: {  	s28 =	sadd.s32 $0x1420, s28;
	[sflag:s24] =	ssyncadd.s32 $0xFFFFC000;
	(pc) =	sbr.rel @p1 .LBB2_6-.Ltmp3, $4  }
0x61: {  	[tilespmem:s17], [sflag:$0x5] =	stream.linear.gather [hbm4b:s28+s3], $0x100, $0x38;
	[tilespmem:$0x1C200] =	vst v63  }
0x62: {  	_ =	swait.ge [sflag:s13], $0x100  }
0x63: {  	[sflag:s13] =	ssyncset.done $0x0  }
0x64: {  	[sflag:s13] =	ssyncadd.s32 $0xFFFFFF00  }
.Ltmp4:
0x65: {  	_ = 	snop;
	(pc) =	sbr.rel .LBB2_7-.Ltmp4, $1  }
0x66: {  	_ =	sdelay $0x3  }
.LBB2_2:
0x67: {  	[tilespmem:s16], [sflag:$0x1] =	stream.indirect.gather [hbm4b:s4+s15], $0x80, s14, s15, $0xb8;
	[tilespmem:$0x1C200] =	vst v63  }
0x68: {  	_ = 	snop  }
0x69: {  	[tilespmem:s17], [sflag:$0x5] =	stream.linear.gather [hbm4b:s9+s3], $0x100, $0x38;
	[tilespmem:$0x1C200] =	vst v63  }
0x6a: {  	_ =	swait.ge [sflag:s13], $0x100  }
0x6b: {  	[sflag:s13] =	ssyncset.done $0x0  }
0x6c: {  	[sflag:s13] =	ssyncadd.s32 $0xFFFFFF00  }
0x6d: {  	[tilespmem:s18], [sflag:$0x2] =	stream.indirect.gather [hbm4b:s4+s15], $0x80, s17, s15, $0xb8;
	[tilespmem:$0x1C200] =	vst v63  }
0x6e: {  	_ =	swait.ge [sflag:s19], $0x4000  }
0x6f: {  	[sflag:s19] =	ssyncset.done $0x0  }
0x70: {  	[sflag:s19] =	ssyncadd.s32 $0xFFFFC000  }
0x71: {  	[spmem:s2] =	stream.indirect.scatter.add.f32 [tilespmem:s16], [sflag:$0x3], $0x80, s20, s15, $0xb8;
	[tilespmem:$0x1C200] =	vst v63  }
0x72: {  	_ =	swait.ge [sflag:s21], $0x4000  }
0x73: {  	[sflag:s21] =	ssyncset.done $0x0  }
0x74: {  	[sflag:s21] =	ssyncadd.s32 $0xFFFFC000  }
0x75: {  	[spmem:s2] =	stream.indirect.scatter.add.f32 [tilespmem:s18], [sflag:$0x4], $0x80, s22, s15, $0xb8;
	[tilespmem:$0x1C200] =	vst v63  }
0x76: {  	_ =	swait.ge [sflag:s23], $0x4000  }
0x77: {  	s26 =	sadd.s32 $0xFFFFEC40, s8;
	[sflag:s23] =	ssyncset.done $0x0  }
0x78: {  	s28 =	sadd.s32 $0x1400, s26;
	[sflag:s23] =	ssyncadd.s32 $0xFFFFC000  }
0x79: {  	[tilespmem:s14], [sflag:$0x5] =	stream.linear.gather [hbm4b:s28+s3], $0x100, $0x38;
	[tilespmem:$0x1C200] =	vst v63  }
0x7a: {  	_ =	swait.ge [sflag:s13], $0x100  }
0x7b: {  	[sflag:s13] =	ssyncset.done $0x0  }
0x7c: {  	[sflag:s13] =	ssyncadd.s32 $0xFFFFFF00  }
0x7d: {  	[tilespmem:s16], [sflag:$0x1] =	stream.indirect.gather [hbm4b:s4+s15], $0x80, s14, s15, $0xb8;
	[tilespmem:$0x1C200] =	vst v63  }
0x7e: {  	_ =	swait.ge [sflag:s24], $0x4000  }
0x7f: {  	[sflag:s24] =	ssyncset.done $0x0  }
0x80: {  	s26 =	sadd.s32 $0x1420, s26;
	[sflag:s24] =	ssyncadd.s32 $0xFFFFC000  }
0x81: {  	[tilespmem:s17], [sflag:$0x5] =	stream.linear.gather [hbm4b:s26+s3], $0x100, $0x38;
	[tilespmem:$0x1C200] =	vst v63  }
0x82: {  	_ =	swait.ge [sflag:s13], $0x100  }
0x83: {  	[sflag:s13] =	ssyncset.done $0x0  }
0x84: {  	s26 =	simm.s32 $0xFFFFEC80;
	[sflag:s13] =	ssyncadd.s32 $0xFFFFFF00  }
.LBB2_3:
0x85: {  	[tilespmem:s18], [sflag:$0x2] =	stream.indirect.gather [hbm4b:s4+s15], $0x80, s17, s15, $0xb8;
	[tilespmem:$0x1C200] =	vst v63  }
0x86: {  	s28 =	smov.u32 s26  }
0x87: {  	p1 =	seq.s32 s26, $0xFFFFFFC0;
	s26 =	sadd.s32 $0x40, s26;
	_ =	swait.ge [sflag:s19], $0x4000  }
0x88: {  	[sflag:s19] =	ssyncset.done $0x0  }
0x89: {  	[sflag:s19] =	ssyncadd.s32 $0xFFFFC000  }
0x8a: {  	[spmem:s2] =	stream.indirect.scatter.add.f32 [tilespmem:s16], [sflag:$0x3], $0x80, s20, s15, $0xb8;
	[tilespmem:$0x1C200] =	vst v63  }
0x8b: {  	_ =	swait.ge [sflag:s21], $0x4000  }
0x8c: {  	[sflag:s21] =	ssyncset.done $0x0  }
0x8d: {  	[sflag:s21] =	ssyncadd.s32 $0xFFFFC000  }
0x8e: {  	[spmem:s2] =	stream.indirect.scatter.add.f32 [tilespmem:s18], [sflag:$0x4], $0x80, s22, s15, $0xb8;
	[tilespmem:$0x1C200] =	vst v63  }
0x8f: {  	_ =	swait.ge [sflag:s23], $0x4000  }
0x90: {  	s28 =	sadd.s32 s28, s8;
	[sflag:s23] =	ssyncset.done $0x0  }
0x91: {  	s29 =	sadd.s32 $0x1400, s28;
	[sflag:s23] =	ssyncadd.s32 $0xFFFFC000  }
0x92: {  	[tilespmem:s14], [sflag:$0x5] =	stream.linear.gather [hbm4b:s29+s3], $0x100, $0x38;
	[tilespmem:$0x1C200] =	vst v63  }
0x93: {  	_ =	swait.ge [sflag:s13], $0x100  }
0x94: {  	[sflag:s13] =	ssyncset.done $0x0  }
0x95: {  	[sflag:s13] =	ssyncadd.s32 $0xFFFFFF00  }
0x96: {  	[tilespmem:s16], [sflag:$0x1] =	stream.indirect.gather [hbm4b:s4+s15], $0x80, s14, s15, $0xb8;
	[tilespmem:$0x1C200] =	vst v63  }
0x97: {  	_ =	swait.ge [sflag:s24], $0x4000  }
0x98: {  	[sflag:s24] =	ssyncset.done $0x0  }
.Ltmp5:
0x99: {  	s28 =	sadd.s32 $0x1420, s28;
	[sflag:s24] =	ssyncadd.s32 $0xFFFFC000;
	(pc) =	sbr.rel @!p1 .LBB2_3-.Ltmp5, $4  }
0x9a: {  	[tilespmem:s17], [sflag:$0x5] =	stream.linear.gather [hbm4b:s28+s3], $0x100, $0x38;
	[tilespmem:$0x1C200] =	vst v63  }
0x9b: {  	_ =	swait.ge [sflag:s13], $0x100  }
0x9c: {  	[sflag:s13] =	ssyncset.done $0x0  }
0x9d: {  	[sflag:s13] =	ssyncadd.s32 $0xFFFFFF00  }
.Ltmp6:
0x9e: {  	(pc) =	sbr.rel .LBB2_8-.Ltmp6, $2  }
0x9f: {  	_ =	sdelay $0x2  }
0xa0: {  	[tilespmem:s18], [sflag:$0x2] =	stream.indirect.gather [hbm4b:s4+s15], $0x80, s17, s15, $0xb8;
	[tilespmem:$0x1C200] =	vst v63  }
.LBB2_9:
0xa1: {  	_ =	sfence.sel $0x180000  }
0xa2: {  	[bflag:$0x0] =	sbarrier.arrive $0xFFFF  }
0xa3: {  	p0 =	sne.s32 s0, $0x0;
	_ =	strace $0x9000004A  }
0xa4: {  	s0 =	sadd.s32 @!p0 $0x100000, s1;
	[bflag:$0x2] =	sbarrier.arrive $0xFFFF  }
0xa5: {  	[sflag:s0] =	ssyncadd.tile.s32 @!p0 $0x1;
	_ =	shalt  }
.Lfunc_end2:
_tile_overlayer_lowered:
.L_overlay_start_2:
0xa6: {  	(tag) =	ssettag $0x2  }
0xa7: {  	s0 =	rddreg [dreg:$0x0];
	s2 =	stileid.u32  }
0xa8: {  	s1 =	rddreg [dreg:$0x1];
	p0 =	sne.s32 s2, $0x0  }
0xa9: {  	s3 =	rddreg [dreg:$0x2];
	[bflag:$0x3] =	sbarrier.arrive $0xFFFF;
	s2 =	simm.s32 @!p0 $0x1C05  }
0xaa: {  	[timem:s3], [sflag:s2] =	dma.local @!p0 [hbm:s0], s1  }
0xab: {  	s0 =	simm.s32 @!p0 $0x5  }
0xac: {  	_ =	swait.ge @!p0 [sflag:s0], s1  }
0xad: {  	s1 =	ssub.s32 @!p0 $0x0, s1;
	[sflag:s0] =	ssyncset.done @!p0 $0x0  }
0xae: {  	[sflag:s0] =	ssyncadd.s32 @!p0 s1  }
0xaf: {  	[bflag:$0x3] =	sbarrier.arrive $0xFFFF  }
0xb0: {  	_ =	shalt  }

</sc_bundles>
